<compile_context>
chip_gen: v7x
topology: tpu7x:2x2x1
jax: 0.10.2.dev20260603
libtpu: 0.0.44.dev20260713+nightly
codegen_flags: <defaults>
</compile_context>

<pallas_src>
import functools

import jax
import jax.numpy as jnp
from jax import lax
from jax.experimental import pallas as pl
from jax.experimental.pallas import tpu as pltpu
from jax.experimental.pallas import tpu_sc as plsc

N = 10000
E = 320000
D = 128
NC = 2
NS = 16
NPAD = 10240
ACC_ROWS = NPAD // NS
EPAD = 327680
IDXROWS = EPAD // 128
DEG_ROWS_PER_TILE = IDXROWS // (NC * NS)
KD = 8
ROWS_PER_TILE = IDXROWS // NS
K = 4

_MESH = plsc.VectorSubcoreMesh(core_axis_name="c", subcore_axis_name="s",
                               num_cores=NC, num_subcores=NS)


@functools.partial(
    pl.kernel,
    out_type=jax.ShapeDtypeStruct((NC * NPAD, 16), jnp.float32),
    mesh=_MESH,
    scratch_types=[
        pltpu.VMEM((KD, 128), jnp.int32),
        pltpu.VMEM((128, 16), jnp.float32),
        pltpu.VMEM((128, 16), jnp.float32),
        pltpu.VMEM_SHARED((NPAD, 16), jnp.float32),
    ],
)
def _deg_kernel(col_hbm, out_hbm, cidx_v, ones_v, zeros_v, acc_sh):
    c = lax.axis_index("c")
    s = lax.axis_index("s")

    def fill(i, _):
        ones_v[i] = jnp.ones((16,), jnp.float32)
        zeros_v[i] = jnp.zeros((16,), jnp.float32)
        return 0
    lax.fori_loop(0, 128, fill, 0)

    for q in range(ACC_ROWS // 128):
        pltpu.sync_copy(zeros_v, acc_sh.at[pl.ds(s * ACC_ROWS + q * 128, 128)])
    plsc.subcore_barrier()

    base = (c * NS + s) * DEG_ROWS_PER_TILE

    def chunk(it, _):
        pltpu.sync_copy(col_hbm.at[pl.ds(base + it * KD, KD)], cidx_v)
        for j in range(KD):
            pltpu.sync_copy(ones_v, acc_sh.at[cidx_v.at[j]], add=True)
        return 0
    lax.fori_loop(0, DEG_ROWS_PER_TILE // KD, chunk, 0)
    plsc.subcore_barrier()

    pltpu.sync_copy(acc_sh.at[pl.ds(s * ACC_ROWS, ACC_ROWS)],
                    out_hbm.at[pl.ds(c * NPAD + s * ACC_ROWS, ACC_ROWS)])


DH = D // 2


def _scale_body(z_ref, s_ref, degw_ref,
                tz0_ref, tz1_ref, ts0_ref, ts1_ref, dinv_ref):
    deg = degw_ref[0, :, 0:1] + degw_ref[1, :, 0:1] + 2.0
    dinv = lax.rsqrt(deg)
    tz = z_ref[...] * dinv
    ts = s_ref[...] * dinv
    tz0_ref[...] = tz[:, 0:DH]
    tz1_ref[...] = tz[:, DH:D]
    ts0_ref[...] = ts[:, 0:DH]
    ts1_ref[...] = ts[:, DH:D]
    dinv_ref[...] = jnp.broadcast_to(dinv, dinv_ref.shape)


_BN = 400


def _scale_call(z, s, degw):
    grid = N // _BN
    half = pl.BlockSpec((_BN, DH), lambda i: (i, 0))
    half_shape = jax.ShapeDtypeStruct((N, DH), jnp.float32)
    return pl.pallas_call(
        _scale_body,
        grid=(grid,),
        in_specs=[
            pl.BlockSpec((_BN, D), lambda i: (i, 0)),
            pl.BlockSpec((_BN, D), lambda i: (i, 0)),
            pl.BlockSpec((NC, _BN, 16), lambda i: (0, i, 0)),
        ],
        out_specs=[half, half, half, half,
                   pl.BlockSpec((_BN, 16), lambda i: (i, 0))],
        out_shape=[half_shape, half_shape, half_shape, half_shape,
                   jax.ShapeDtypeStruct((N, 16), jnp.float32)],
    )(z, s, degw)


@functools.partial(
    pl.kernel,
    out_type=jax.ShapeDtypeStruct((NC * 2 * NPAD, DH), jnp.float32),
    mesh=_MESH,
    compiler_params=pltpu.CompilerParams(use_tc_tiling_on_sc=False),
    scratch_types=[
        pltpu.VMEM((2 * K, 128), jnp.int32),
        pltpu.VMEM((2 * K, 128), jnp.int32),
        pltpu.VMEM((2 * K * 128, DH), jnp.float32),
        pltpu.VMEM((128, DH), jnp.float32),
        pltpu.VMEM_SHARED((NPAD, DH), jnp.float32),
        pltpu.SemaphoreType.DMA,
    ],
)
def _agg_kernel(tz0_hbm, tz1_hbm, ts0_hbm, ts1_hbm, row_hbm, col_hbm, out_hbm,
                ridx_v, cidx_v, gbuf_v, zeros_v, acc_sh, sem):
    c = lax.axis_index("c")
    s = lax.axis_index("s")

    def fill(i, _):
        for j in range(DH // 16):
            zeros_v[i, pl.ds(j * 16, 16)] = jnp.zeros((16,), jnp.float32)
        return 0
    lax.fori_loop(0, 128, fill, 0)

    base = s * ROWS_PER_TILE
    nchunk = ROWS_PER_TILE // K

    for h, (taba, tabb) in enumerate(((tz0_hbm, ts0_hbm), (tz1_hbm, ts1_hbm))):
        for q in range(ACC_ROWS // 128):
            pltpu.sync_copy(zeros_v,
                            acc_sh.at[pl.ds(s * ACC_ROWS + q * 128, 128)])
        plsc.subcore_barrier()

        def fire(it, p):
            pltpu.sync_copy(row_hbm.at[pl.ds(base + it * K, K)],
                            ridx_v.at[pl.ds(p * K, K)])
            pltpu.sync_copy(col_hbm.at[pl.ds(base + it * K, K)],
                            cidx_v.at[pl.ds(p * K, K)])

            @pl.when(c == 0)
            def _():
                for j in range(K):
                    pltpu.async_copy(taba.at[ridx_v.at[p * K + j]],
                                     gbuf_v.at[pl.ds((p * K + j) * 128, 128)],
                                     sem)

            @pl.when(c == 1)
            def _():
                for j in range(K):
                    pltpu.async_copy(tabb.at[ridx_v.at[p * K + j]],
                                     gbuf_v.at[pl.ds((p * K + j) * 128, 128)],
                                     sem)

        def drain(p):
            pltpu.make_async_copy(
                taba.at[pl.ds(0, K * 128)],
                gbuf_v.at[pl.ds(p * K * 128, K * 128)], sem).wait()

        def scatter(p):
            for j in range(K):
                pltpu.sync_copy(gbuf_v.at[pl.ds((p * K + j) * 128, 128)],
                                acc_sh.at[cidx_v.at[p * K + j]], add=True)

        fire(0, 0)

        def pair(t, _):
            it0 = t * 2
            drain(0)

            @pl.when(it0 + 1 < nchunk)
            def _():
                fire(it0 + 1, 1)
            scatter(0)
            drain(1)

            @pl.when(it0 + 2 < nchunk)
            def _():
                fire(it0 + 2, 0)
            scatter(1)
            return 0
        lax.fori_loop(0, nchunk // 2, pair, 0)
        plsc.subcore_barrier()

        pltpu.sync_copy(
            acc_sh.at[pl.ds(s * ACC_ROWS, ACC_ROWS)],
            out_hbm.at[pl.ds((c * 2 + h) * NPAD + s * ACC_ROWS, ACC_ROWS)])
        plsc.subcore_barrier()


def _gru_body(gz_ref, gs_ref, z_ref, s_ref, dinv_ref, wz_ref, ws_ref, b_ref,
              out_ref):
    d = dinv_ref[:, 0:1]
    two_d2 = 2.0 * d * d
    xz = d * gz_ref[0] + two_d2 * z_ref[...]
    xs = d * gs_ref[0] + two_d2 * s_ref[...]
    p = (jnp.dot(xz, wz_ref[...], preferred_element_type=jnp.float32,
                 precision=lax.Precision.HIGHEST)
         + jnp.dot(xs, ws_ref[...], preferred_element_type=jnp.float32,
                   precision=lax.Precision.HIGHEST)
         + b_ref[0:1, :])
    r = jax.nn.sigmoid(p[:, 0:D])
    u = jax.nn.sigmoid(p[:, D:2 * D])
    cand = jnp.tanh(p[:, 2 * D:3 * D] + r * p[:, 3 * D:4 * D])
    out_ref[...] = (1.0 - u) * cand + u * s_ref[...]


def _gru_call(agg, z, s, dinv16, wz, ws, bcat):
    grid = N // _BN
    return pl.pallas_call(
        _gru_body,
        grid=(grid,),
        in_specs=[
            pl.BlockSpec((1, _BN, D), lambda i: (0, i, 0)),
            pl.BlockSpec((1, _BN, D), lambda i: (1, i, 0)),
            pl.BlockSpec((_BN, D), lambda i: (i, 0)),
            pl.BlockSpec((_BN, D), lambda i: (i, 0)),
            pl.BlockSpec((_BN, 16), lambda i: (i, 0)),
            pl.BlockSpec((D, 4 * D), lambda i: (0, 0)),
            pl.BlockSpec((D, 4 * D), lambda i: (0, 0)),
            pl.BlockSpec((8, 4 * D), lambda i: (0, 0)),
        ],
        out_specs=pl.BlockSpec((_BN, D), lambda i: (i, 0)),
        out_shape=jax.ShapeDtypeStruct((N, D), jnp.float32),
    )(agg, agg, z, s, dinv16, wz, ws, bcat)


@jax.jit
def kernel(z, edge_index, s,
           Wi_reset, bi_reset, Ws_reset, bs_reset,
           Wi_update, bi_update, Ws_update, bs_update,
           Wi_cand, bi_cand, Ws_cand, bs_cand):
    ei = edge_index.astype(jnp.int32)
    npad = EPAD - E
    rowp = jnp.concatenate([ei[0], jnp.zeros((npad,), jnp.int32)]
                           ).reshape(IDXROWS, 128)
    colp = jnp.concatenate([ei[1], jnp.full((npad,), N, jnp.int32)]
                           ).reshape(IDXROWS, 128)

    degw = _deg_kernel(colp).reshape(NC, NPAD, 16)
    tz0, tz1, ts0, ts1, dinv16 = _scale_call(z, s, degw)
    agg = _agg_kernel(tz0, tz1, ts0, ts1, rowp, colp)
    agg = agg.reshape(NC, 2, NPAD, DH).transpose(0, 2, 1, 3).reshape(NC, NPAD, D)

    wz = jnp.concatenate(
        [Wi_reset, Wi_update, Wi_cand, jnp.zeros((D, D), jnp.float32)], axis=1)
    ws = jnp.concatenate(
        [Ws_reset, Ws_update, jnp.zeros((D, D), jnp.float32), Ws_cand], axis=1)
    bcat = jnp.concatenate([bi_reset + bs_reset, bi_update + bs_update,
                            bi_cand, bs_cand])
    bcat = jnp.tile(bcat[None, :], (8, 1))

    return _gru_call(agg, z, s, dinv16, wz, ws, bcat)

# --- scband reference (transcript-rebuilt; emitter-appended) ---
"""Pipeline reference for scband-ggru-4269197492602 (READ-ONLY COPY).

The authoritative reference and input builder live on the scoring server;
editing this copy changes nothing except your own understanding.
"""

import jax, jax.numpy as jnp
import numpy as np

N_NODES = 10000
N_EDGES = 320000
D_IN = 128
D_OUT = 128


def gcn_conv(x, edge_index, W, b, num_nodes):
    # PyG GCNConv with improved=True: self-loops with weight 2.0, symmetric norm
    row = edge_index[0]
    col = edge_index[1]
    loop = jnp.arange(num_nodes, dtype=edge_index.dtype)
    row2 = jnp.concatenate([row, loop])
    col2 = jnp.concatenate([col, loop])
    ew2 = jnp.concatenate([jnp.ones(row.shape[0], dtype=x.dtype),
                           jnp.full((num_nodes,), 2.0, dtype=x.dtype)])
    deg = jax.ops.segment_sum(ew2, col2, num_segments=num_nodes)
    deg_inv_sqrt = jnp.where(deg > 0, 1.0 / jnp.sqrt(deg), 0.0)
    norm = deg_inv_sqrt[row2] * ew2 * deg_inv_sqrt[col2]
    xw = x @ W
    msg = xw[row2] * norm[:, None]
    out = jax.ops.segment_sum(msg, col2, num_segments=num_nodes)
    return out + b


def setup_inputs(seed: int = 0) -> dict:
    key = jax.random.key(seed)
    ks = jax.random.split(key, 16)
    z = jax.random.normal(ks[0], (N_NODES, D_IN), dtype=jnp.float32)
    s = jax.random.normal(ks[1], (N_NODES, D_OUT), dtype=jnp.float32)
    edge_index = jax.random.randint(ks[2], (2, N_EDGES), 0, N_NODES, dtype=jnp.int64)
    def mk_w(k, din):
        return jax.random.normal(k, (din, D_OUT), dtype=jnp.float32) * 0.05
    def mk_b(k):
        return jax.random.normal(k, (D_OUT,), dtype=jnp.float32) * 0.01
    return {
        'z': z, 'edge_index': edge_index, 's': s,
        'Wi_reset': mk_w(ks[3], D_IN), 'bi_reset': mk_b(ks[4]),
        'Ws_reset': mk_w(ks[5], D_OUT), 'bs_reset': mk_b(ks[6]),
        'Wi_update': mk_w(ks[7], D_IN), 'bi_update': mk_b(ks[8]),
        'Ws_update': mk_w(ks[9], D_OUT), 'bs_update': mk_b(ks[10]),
        'Wi_cand': mk_w(ks[11], D_IN), 'bi_cand': mk_b(ks[12]),
        'Ws_cand': mk_w(ks[13], D_OUT), 'bs_cand': mk_b(ks[14]),
    }


def reference(z, edge_index, s,
              Wi_reset, bi_reset, Ws_reset, bs_reset,
              Wi_update, bi_update, Ws_update, bs_update,
              Wi_cand, bi_cand, Ws_cand, bs_cand):
    n = z.shape[0]
    reset_gate = jax.nn.sigmoid(
        gcn_conv(z, edge_index, Wi_reset, bi_reset, n)
        + gcn_conv(s, edge_index, Ws_reset, bs_reset, n))
    update_gate = jax.nn.sigmoid(
        gcn_conv(z, edge_index, Wi_update, bi_update, n)
        + gcn_conv(s, edge_index, Ws_update, bs_update, n))
    s_candidate = jnp.tanh(
        gcn_conv(z, edge_index, Wi_cand, bi_cand, n)
        + reset_gate * gcn_conv(s, edge_index, Ws_cand, bs_cand, n))
    s_new = (1.0 - update_gate) * s_candidate + update_gate * s
    return s_new

if __name__ == "__main__":
    import jax
    _d = setup_inputs()
    print(jax.jit(kernel)(*tuple(_d.values())))

</pallas_src>

<mosaic_0001>
#map = affine_map<(d0, d1) -> (0, 0)>
module attributes {stable_mosaic.version = 14 : i64} {
  func.func @_deg_kernel(%arg0: i32, %arg1: i32, %arg2: memref<2560x128xi32, #tpu.memory_space<hbm>>, %arg3: memref<20480x16xf32, #tpu.memory_space<hbm>>, %arg4: memref<8x128xi32, #tpu.memory_space<vmem>>, %arg5: memref<128x16xf32, #tpu.memory_space<vmem>>, %arg6: memref<128x16xf32, #tpu.memory_space<vmem>>, %arg7: memref<10240x16xf32, #tpu.memory_space<vmem_shared>>) attributes {dimension_semantics = [#tpu.dimension_semantics<core_parallel>, #tpu.dimension_semantics<subcore_parallel>], iteration_bounds = array<i64: 2, 16>, scalar_prefetch = 0 : i64, scratch_operands = 4 : i64, tpu.core_type = #tpu.core_type<sc_vector_subcore>, window_params = [{transform_indices = #map}, {transform_indices = #map}]} {
    %scan3A = arith.constant 0 : i32
    %scan3A_0 = arith.constant 0 : i32
    %scan3A_1 = arith.constant 128 : i32
    %scan3A_2 = arith.addi %scan3A_0, %scan3A_1 : i32
    %scan3A_3 = arith.constant 1 : i32
    %scan3A_4 = scf.for %scan3A_44 = %scan3A_0 to %scan3A_2 step %scan3A_3 iter_args(%scan3A_45 = %scan3A) -> (i32)  : i32 {
      %broadcast_in_dim3A = arith.constant 1.000000e+00 : f32
      %broadcast_in_dim3A_46 = vector.broadcast %broadcast_in_dim3A : f32 to vector<16xf32>
      %swap3A = arith.index_cast %scan3A_44 : i32 to index
      %swap3A_47 = arith.constant 0 : index
      %swap3A_48 = tpu.vector_load %arg5[%swap3A, %swap3A_47] {strides = array<i32>} : memref<128x16xf32, #tpu.memory_space<vmem>>, vector<1x16xf32>,
      %swap3A_49 = vector.shape_cast %swap3A_48 : vector<1x16xf32> to vector<16xf32>
      %swap3A_50 = vector.shape_cast %broadcast_in_dim3A_46 : vector<16xf32> to vector<1x16xf32>
      tpu.vector_store %arg5[%swap3A, %swap3A_47], %swap3A_50 {strides = array<i32>} : memref<128x16xf32, #tpu.memory_space<vmem>>, vector<1x16xf32>,
      %broadcast_in_dim3A_51 = arith.constant 0.000000e+00 : f32
      %broadcast_in_dim3A_52 = vector.broadcast %broadcast_in_dim3A_51 : f32 to vector<16xf32>
      %swap3A_53 = arith.index_cast %scan3A_44 : i32 to index
      %swap3A_54 = arith.constant 0 : index
      %swap3A_55 = tpu.vector_load %arg6[%swap3A_53, %swap3A_54] {strides = array<i32>} : memref<128x16xf32, #tpu.memory_space<vmem>>, vector<1x16xf32>,
      %swap3A_56 = vector.shape_cast %swap3A_55 : vector<1x16xf32> to vector<16xf32>
      %swap3A_57 = vector.shape_cast %broadcast_in_dim3A_52 : vector<16xf32> to vector<1x16xf32>
      tpu.vector_store %arg6[%swap3A_53, %swap3A_54], %swap3A_57 {strides = array<i32>} : memref<128x16xf32, #tpu.memory_space<vmem>>, vector<1x16xf32>,
      %scan3A_58 = arith.constant 0 : i32
      scf.yield %scan3A_58 : i32
    }
    %scan3A_5 = arith.constant 128 : i32
    %mul3A = arith.constant 640 : i32
    %mul3A_6 = arith.muli %arg1, %mul3A : i32
    %add3A = arith.constant 0 : i32
    %add3A_7 = arith.addi %mul3A_6, %add3A : i32
    "tpu.region"() ({
      %run_scoped3A = tpu.sem_alloc : memref<!tpu.dma_semaphore, #tpu.memory_space<semaphore_mem>>
      %dma_start3A = arith.constant 0 : i32
      %dma_start3A_44 = tpu.memref_slice %arg7[%add3A_7, %dma_start3A] : memref<10240x16xf32, #tpu.memory_space<vmem_shared>> -> memref<128x16xf32, #tpu.memory_space<vmem_shared>>
      %dma_start3A_45 = arith.constant 0 : i32
      %dma_start3A_46 = tpu.memref_slice %arg7[%add3A_7, %dma_start3A_45] : memref<10240x16xf32, #tpu.memory_space<vmem_shared>> -> memref<128x16xf32, #tpu.memory_space<vmem_shared>>
      tpu.enqueue_dma source(%arg6 : memref<128x16xf32, #tpu.memory_space<vmem>>) target(%dma_start3A_46 : memref<128x16xf32, #tpu.memory_space<vmem_shared>>) target_semaphore(%run_scoped3A : memref<!tpu.dma_semaphore, #tpu.memory_space<semaphore_mem>>)
      %dma_wait3A = arith.constant 0 : i32
      %dma_wait3A_47 = tpu.memref_slice %arg7[%add3A_7, %dma_wait3A] : memref<10240x16xf32, #tpu.memory_space<vmem_shared>> -> memref<128x16xf32, #tpu.memory_space<vmem_shared>>
      %dma_wait3A_48 = arith.constant 0 : i32
      %dma_wait3A_49 = tpu.memref_slice %arg7[%add3A_7, %dma_wait3A_48] : memref<10240x16xf32, #tpu.memory_space<vmem_shared>> -> memref<128x16xf32, #tpu.memory_space<vmem_shared>>
      tpu.wait_dma2 semaphore(%run_scoped3A : memref<!tpu.dma_semaphore, #tpu.memory_space<semaphore_mem>>) src(%arg6 : memref<128x16xf32, #tpu.memory_space<vmem>>) dst(%dma_wait3A_49 : memref<128x16xf32, #tpu.memory_space<vmem_shared>>)
      tpu.yield
    }) : () -> ()
    %mul3A_8 = arith.constant 640 : i32
    %mul3A_9 = arith.muli %arg1, %mul3A_8 : i32
    %add3A_10 = arith.constant 128 : i32
    %add3A_11 = arith.addi %mul3A_9, %add3A_10 : i32
    "tpu.region"() ({
      %run_scoped3A = tpu.sem_alloc : memref<!tpu.dma_semaphore, #tpu.memory_space<semaphore_mem>>
      %dma_start3A = arith.constant 0 : i32
      %dma_start3A_44 = tpu.memref_slice %arg7[%add3A_11, %dma_start3A] : memref<10240x16xf32, #tpu.memory_space<vmem_shared>> -> memref<128x16xf32, #tpu.memory_space<vmem_shared>>
      %dma_start3A_45 = arith.constant 0 : i32
      %dma_start3A_46 = tpu.memref_slice %arg7[%add3A_11, %dma_start3A_45] : memref<10240x16xf32, #tpu.memory_space<vmem_shared>> -> memref<128x16xf32, #tpu.memory_space<vmem_shared>>
      tpu.enqueue_dma source(%arg6 : memref<128x16xf32, #tpu.memory_space<vmem>>) target(%dma_start3A_46 : memref<128x16xf32, #tpu.memory_space<vmem_shared>>) target_semaphore(%run_scoped3A : memref<!tpu.dma_semaphore, #tpu.memory_space<semaphore_mem>>)
      %dma_wait3A = arith.constant 0 : i32
      %dma_wait3A_47 = tpu.memref_slice %arg7[%add3A_11, %dma_wait3A] : memref<10240x16xf32, #tpu.memory_space<vmem_shared>> -> memref<128x16xf32, #tpu.memory_space<vmem_shared>>
      %dma_wait3A_48 = arith.constant 0 : i32
      %dma_wait3A_49 = tpu.memref_slice %arg7[%add3A_11, %dma_wait3A_48] : memref<10240x16xf32, #tpu.memory_space<vmem_shared>> -> memref<128x16xf32, #tpu.memory_space<vmem_shared>>
      tpu.wait_dma2 semaphore(%run_scoped3A : memref<!tpu.dma_semaphore, #tpu.memory_space<semaphore_mem>>) src(%arg6 : memref<128x16xf32, #tpu.memory_space<vmem>>) dst(%dma_wait3A_49 : memref<128x16xf32, #tpu.memory_space<vmem_shared>>)
      tpu.yield
    }) : () -> ()
    %mul3A_12 = arith.constant 640 : i32
    %mul3A_13 = arith.muli %arg1, %mul3A_12 : i32
    %add3A_14 = arith.constant 256 : i32
    %add3A_15 = arith.addi %mul3A_13, %add3A_14 : i32
    "tpu.region"() ({
      %run_scoped3A = tpu.sem_alloc : memref<!tpu.dma_semaphore, #tpu.memory_space<semaphore_mem>>
      %dma_start3A = arith.constant 0 : i32
      %dma_start3A_44 = tpu.memref_slice %arg7[%add3A_15, %dma_start3A] : memref<10240x16xf32, #tpu.memory_space<vmem_shared>> -> memref<128x16xf32, #tpu.memory_space<vmem_shared>>
      %dma_start3A_45 = arith.constant 0 : i32
      %dma_start3A_46 = tpu.memref_slice %arg7[%add3A_15, %dma_start3A_45] : memref<10240x16xf32, #tpu.memory_space<vmem_shared>> -> memref<128x16xf32, #tpu.memory_space<vmem_shared>>
      tpu.enqueue_dma source(%arg6 : memref<128x16xf32, #tpu.memory_space<vmem>>) target(%dma_start3A_46 : memref<128x16xf32, #tpu.memory_space<vmem_shared>>) target_semaphore(%run_scoped3A : memref<!tpu.dma_semaphore, #tpu.memory_space<semaphore_mem>>)
      %dma_wait3A = arith.constant 0 : i32
      %dma_wait3A_47 = tpu.memref_slice %arg7[%add3A_15, %dma_wait3A] : memref<10240x16xf32, #tpu.memory_space<vmem_shared>> -> memref<128x16xf32, #tpu.memory_space<vmem_shared>>
      %dma_wait3A_48 = arith.constant 0 : i32
      %dma_wait3A_49 = tpu.memref_slice %arg7[%add3A_15, %dma_wait3A_48] : memref<10240x16xf32, #tpu.memory_space<vmem_shared>> -> memref<128x16xf32, #tpu.memory_space<vmem_shared>>
      tpu.wait_dma2 semaphore(%run_scoped3A : memref<!tpu.dma_semaphore, #tpu.memory_space<semaphore_mem>>) src(%arg6 : memref<128x16xf32, #tpu.memory_space<vmem>>) dst(%dma_wait3A_49 : memref<128x16xf32, #tpu.memory_space<vmem_shared>>)
      tpu.yield
    }) : () -> ()
    %mul3A_16 = arith.constant 640 : i32
    %mul3A_17 = arith.muli %arg1, %mul3A_16 : i32
    %add3A_18 = arith.constant 384 : i32
    %add3A_19 = arith.addi %mul3A_17, %add3A_18 : i32
    "tpu.region"() ({
      %run_scoped3A = tpu.sem_alloc : memref<!tpu.dma_semaphore, #tpu.memory_space<semaphore_mem>>
      %dma_start3A = arith.constant 0 : i32
      %dma_start3A_44 = tpu.memref_slice %arg7[%add3A_19, %dma_start3A] : memref<10240x16xf32, #tpu.memory_space<vmem_shared>> -> memref<128x16xf32, #tpu.memory_space<vmem_shared>>
      %dma_start3A_45 = arith.constant 0 : i32
      %dma_start3A_46 = tpu.memref_slice %arg7[%add3A_19, %dma_start3A_45] : memref<10240x16xf32, #tpu.memory_space<vmem_shared>> -> memref<128x16xf32, #tpu.memory_space<vmem_shared>>
      tpu.enqueue_dma source(%arg6 : memref<128x16xf32, #tpu.memory_space<vmem>>) target(%dma_start3A_46 : memref<128x16xf32, #tpu.memory_space<vmem_shared>>) target_semaphore(%run_scoped3A : memref<!tpu.dma_semaphore, #tpu.memory_space<semaphore_mem>>)
      %dma_wait3A = arith.constant 0 : i32
      %dma_wait3A_47 = tpu.memref_slice %arg7[%add3A_19, %dma_wait3A] : memref<10240x16xf32, #tpu.memory_space<vmem_shared>> -> memref<128x16xf32, #tpu.memory_space<vmem_shared>>
      %dma_wait3A_48 = arith.constant 0 : i32
      %dma_wait3A_49 = tpu.memref_slice %arg7[%add3A_19, %dma_wait3A_48] : memref<10240x16xf32, #tpu.memory_space<vmem_shared>> -> memref<128x16xf32, #tpu.memory_space<vmem_shared>>
      tpu.wait_dma2 semaphore(%run_scoped3A : memref<!tpu.dma_semaphore, #tpu.memory_space<semaphore_mem>>) src(%arg6 : memref<128x16xf32, #tpu.memory_space<vmem>>) dst(%dma_wait3A_49 : memref<128x16xf32, #tpu.memory_space<vmem_shared>>)
      tpu.yield
    }) : () -> ()
    %mul3A_20 = arith.constant 640 : i32
    %mul3A_21 = arith.muli %arg1, %mul3A_20 : i32
    %add3A_22 = arith.constant 512 : i32
    %add3A_23 = arith.addi %mul3A_21, %add3A_22 : i32
    "tpu.region"() ({
      %run_scoped3A = tpu.sem_alloc : memref<!tpu.dma_semaphore, #tpu.memory_space<semaphore_mem>>
      %dma_start3A = arith.constant 0 : i32
      %dma_start3A_44 = tpu.memref_slice %arg7[%add3A_23, %dma_start3A] : memref<10240x16xf32, #tpu.memory_space<vmem_shared>> -> memref<128x16xf32, #tpu.memory_space<vmem_shared>>
      %dma_start3A_45 = arith.constant 0 : i32
      %dma_start3A_46 = tpu.memref_slice %arg7[%add3A_23, %dma_start3A_45] : memref<10240x16xf32, #tpu.memory_space<vmem_shared>> -> memref<128x16xf32, #tpu.memory_space<vmem_shared>>
      tpu.enqueue_dma source(%arg6 : memref<128x16xf32, #tpu.memory_space<vmem>>) target(%dma_start3A_46 : memref<128x16xf32, #tpu.memory_space<vmem_shared>>) target_semaphore(%run_scoped3A : memref<!tpu.dma_semaphore, #tpu.memory_space<semaphore_mem>>)
      %dma_wait3A = arith.constant 0 : i32
      %dma_wait3A_47 = tpu.memref_slice %arg7[%add3A_23, %dma_wait3A] : memref<10240x16xf32, #tpu.memory_space<vmem_shared>> -> memref<128x16xf32, #tpu.memory_space<vmem_shared>>
      %dma_wait3A_48 = arith.constant 0 : i32
      %dma_wait3A_49 = tpu.memref_slice %arg7[%add3A_23, %dma_wait3A_48] : memref<10240x16xf32, #tpu.memory_space<vmem_shared>> -> memref<128x16xf32, #tpu.memory_space<vmem_shared>>
      tpu.wait_dma2 semaphore(%run_scoped3A : memref<!tpu.dma_semaphore, #tpu.memory_space<semaphore_mem>>) src(%arg6 : memref<128x16xf32, #tpu.memory_space<vmem>>) dst(%dma_wait3A_49 : memref<128x16xf32, #tpu.memory_space<vmem_shared>>)
      tpu.yield
    }) : () -> ()
    %barrier3A = arith.constant 0 : index
    tpu.barrier barrier_id(%barrier3A)
    %mul3A_24 = arith.constant 16 : i32
    %mul3A_25 = arith.muli %arg0, %mul3A_24 : i32
    %add3A_26 = arith.addi %mul3A_25, %arg1 : i32
    %mul3A_27 = arith.constant 80 : i32
    %mul3A_28 = arith.muli %add3A_26, %mul3A_27 : i32
    %scan3A_29 = arith.constant 0 : i32
    %scan3A_30 = arith.constant 0 : i32
    %scan3A_31 = arith.constant 10 : i32
    %scan3A_32 = arith.addi %scan3A_30, %scan3A_31 : i32
    %scan3A_33 = arith.constant 1 : i32
    %scan3A_34 = scf.for %scan3A_44 = %scan3A_30 to %scan3A_32 step %scan3A_33 iter_args(%scan3A_45 = %scan3A_29) -> (i32)  : i32 {
      %mul3A_46 = arith.constant 8 : i32
      %mul3A_47 = arith.muli %scan3A_44, %mul3A_46 : i32
      %add3A_48 = arith.addi %mul3A_28, %mul3A_47 : i32
      "tpu.region"() ({
        %run_scoped3A_57 = tpu.sem_alloc : memref<!tpu.dma_semaphore, #tpu.memory_space<semaphore_mem>>
        %dma_start3A = arith.constant 0 : i32
        %dma_start3A_58 = tpu.memref_slice %arg2[%add3A_48, %dma_start3A] : memref<2560x128xi32, #tpu.memory_space<hbm>> -> memref<8x128xi32, #tpu.memory_space<hbm>>
        %dma_start3A_59 = arith.constant 0 : i32
        %dma_start3A_60 = tpu.memref_slice %arg2[%add3A_48, %dma_start3A_59] : memref<2560x128xi32, #tpu.memory_space<hbm>> -> memref<8x128xi32, #tpu.memory_space<hbm>>
        tpu.enqueue_dma source(%dma_start3A_60 : memref<8x128xi32, #tpu.memory_space<hbm>>) target(%arg4 : memref<8x128xi32, #tpu.memory_space<vmem>>) target_semaphore(%run_scoped3A_57 : memref<!tpu.dma_semaphore, #tpu.memory_space<semaphore_mem>>)
        %dma_wait3A = arith.constant 0 : i32
        %dma_wait3A_61 = tpu.memref_slice %arg2[%add3A_48, %dma_wait3A] : memref<2560x128xi32, #tpu.memory_space<hbm>> -> memref<8x128xi32, #tpu.memory_space<hbm>>
        %dma_wait3A_62 = arith.constant 0 : i32
        %dma_wait3A_63 = tpu.memref_slice %arg2[%add3A_48, %dma_wait3A_62] : memref<2560x128xi32, #tpu.memory_space<hbm>> -> memref<8x128xi32, #tpu.memory_space<hbm>>
        tpu.wait_dma2 semaphore(%run_scoped3A_57 : memref<!tpu.dma_semaphore, #tpu.memory_space<semaphore_mem>>) src(%dma_wait3A_63 : memref<8x128xi32, #tpu.memory_space<hbm>>) dst(%arg4 : memref<8x128xi32, #tpu.memory_space<vmem>>)
        tpu.yield
      }) : () -> ()
      %run_scoped3A = arith.constant 0 : i32
      "tpu.region"() ({
        %run_scoped3A_57 = tpu.sem_alloc : memref<!tpu.dma_semaphore, #tpu.memory_space<semaphore_mem>>
        %dma_start3A = arith.constant 0 : i32
        %dma_start3A_58 = tpu.memref_slice %arg4[%run_scoped3A, %dma_start3A] : memref<8x128xi32, #tpu.memory_space<vmem>> -> memref<1x128xi32, #tpu.memory_space<vmem>>
        %dma_start3A_59 = tpu.memref_squeeze %dma_start3A_58 : memref<1x128xi32, #tpu.memory_space<vmem>> -> memref<128xi32, #tpu.memory_space<vmem>>
        %dma_start3A_60 = arith.constant 0 : i32
        %dma_start3A_61 = arith.constant 0 : i32
        %dma_start3A_62 = tpu.memref_slice %arg7[%dma_start3A_60, %dma_start3A_61] : memref<10240x16xf32, #tpu.memory_space<vmem_shared>> -> memref<10240x16xf32, #tpu.memory_space<vmem_shared>>
        tpu.enqueue_indirect_dma source(%arg5 : memref<128x16xf32, #tpu.memory_space<vmem>>) target(%dma_start3A_62 : memref<10240x16xf32, #tpu.memory_space<vmem_shared>>) offsets(%dma_start3A_59 : memref<128xi32, #tpu.memory_space<vmem>>) semaphore(%run_scoped3A_57 : memref<!tpu.dma_semaphore, #tpu.memory_space<semaphore_mem>>) {add = true}
        %dma_wait3A = arith.constant 0 : i32
        %dma_wait3A_63 = tpu.memref_slice %arg4[%run_scoped3A, %dma_wait3A] : memref<8x128xi32, #tpu.memory_space<vmem>> -> memref<1x128xi32, #tpu.memory_space<vmem>>
        %dma_wait3A_64 = tpu.memref_squeeze %dma_wait3A_63 : memref<1x128xi32, #tpu.memory_space<vmem>> -> memref<128xi32, #tpu.memory_space<vmem>>
        %dma_wait3A_65 = arith.constant 0 : i32
        %dma_wait3A_66 = arith.constant 0 : i32
        %dma_wait3A_67 = tpu.memref_slice %arg7[%dma_wait3A_65, %dma_wait3A_66] : memref<10240x16xf32, #tpu.memory_space<vmem_shared>> -> memref<10240x16xf32, #tpu.memory_space<vmem_shared>>
        tpu.wait_indirect_dma semaphore(%run_scoped3A_57 : memref<!tpu.dma_semaphore, #tpu.memory_space<semaphore_mem>>) src(%arg5 : memref<128x16xf32, #tpu.memory_space<vmem>>) dst(%dma_wait3A_67 : memref<10240x16xf32, #tpu.memory_space<vmem_shared>>)
        tpu.yield
      }) : () -> ()
      %run_scoped3A_49 = arith.constant 1 : i32
      "tpu.region"() ({
        %run_scoped3A_57 = tpu.sem_alloc : memref<!tpu.dma_semaphore, #tpu.memory_space<semaphore_mem>>
        %dma_start3A = arith.constant 0 : i32
        %dma_start3A_58 = tpu.memref_slice %arg4[%run_scoped3A_49, %dma_start3A] : memref<8x128xi32, #tpu.memory_space<vmem>> -> memref<1x128xi32, #tpu.memory_space<vmem>>
        %dma_start3A_59 = tpu.memref_squeeze %dma_start3A_58 : memref<1x128xi32, #tpu.memory_space<vmem>> -> memref<128xi32, #tpu.memory_space<vmem>>
        %dma_start3A_60 = arith.constant 0 : i32
        %dma_start3A_61 = arith.constant 0 : i32
        %dma_start3A_62 = tpu.memref_slice %arg7[%dma_start3A_60, %dma_start3A_61] : memref<10240x16xf32, #tpu.memory_space<vmem_shared>> -> memref<10240x16xf32, #tpu.memory_space<vmem_shared>>
        tpu.enqueue_indirect_dma source(%arg5 : memref<128x16xf32, #tpu.memory_space<vmem>>) target(%dma_start3A_62 : memref<10240x16xf32, #tpu.memory_space<vmem_shared>>) offsets(%dma_start3A_59 : memref<128xi32, #tpu.memory_space<vmem>>) semaphore(%run_scoped3A_57 : memref<!tpu.dma_semaphore, #tpu.memory_space<semaphore_mem>>) {add = true}
        %dma_wait3A = arith.constant 0 : i32
        %dma_wait3A_63 = tpu.memref_slice %arg4[%run_scoped3A_49, %dma_wait3A] : memref<8x128xi32, #tpu.memory_space<vmem>> -> memref<1x128xi32, #tpu.memory_space<vmem>>
        %dma_wait3A_64 = tpu.memref_squeeze %dma_wait3A_63 : memref<1x128xi32, #tpu.memory_space<vmem>> -> memref<128xi32, #tpu.memory_space<vmem>>
        %dma_wait3A_65 = arith.constant 0 : i32
        %dma_wait3A_66 = arith.constant 0 : i32
        %dma_wait3A_67 = tpu.memref_slice %arg7[%dma_wait3A_65, %dma_wait3A_66] : memref<10240x16xf32, #tpu.memory_space<vmem_shared>> -> memref<10240x16xf32, #tpu.memory_space<vmem_shared>>
        tpu.wait_indirect_dma semaphore(%run_scoped3A_57 : memref<!tpu.dma_semaphore, #tpu.memory_space<semaphore_mem>>) src(%arg5 : memref<128x16xf32, #tpu.memory_space<vmem>>) dst(%dma_wait3A_67 : memref<10240x16xf32, #tpu.memory_space<vmem_shared>>)
        tpu.yield
      }) : () -> ()
      %run_scoped3A_50 = arith.constant 2 : i32
      "tpu.region"() ({
        %run_scoped3A_57 = tpu.sem_alloc : memref<!tpu.dma_semaphore, #tpu.memory_space<semaphore_mem>>
        %dma_start3A = arith.constant 0 : i32
        %dma_start3A_58 = tpu.memref_slice %arg4[%run_scoped3A_50, %dma_start3A] : memref<8x128xi32, #tpu.memory_space<vmem>> -> memref<1x128xi32, #tpu.memory_space<vmem>>
        %dma_start3A_59 = tpu.memref_squeeze %dma_start3A_58 : memref<1x128xi32, #tpu.memory_space<vmem>> -> memref<128xi32, #tpu.memory_space<vmem>>
        %dma_start3A_60 = arith.constant 0 : i32
        %dma_start3A_61 = arith.constant 0 : i32
        %dma_start3A_62 = tpu.memref_slice %arg7[%dma_start3A_60, %dma_start3A_61] : memref<10240x16xf32, #tpu.memory_space<vmem_shared>> -> memref<10240x16xf32, #tpu.memory_space<vmem_shared>>
        tpu.enqueue_indirect_dma source(%arg5 : memref<128x16xf32, #tpu.memory_space<vmem>>) target(%dma_start3A_62 : memref<10240x16xf32, #tpu.memory_space<vmem_shared>>) offsets(%dma_start3A_59 : memref<128xi32, #tpu.memory_space<vmem>>) semaphore(%run_scoped3A_57 : memref<!tpu.dma_semaphore, #tpu.memory_space<semaphore_mem>>) {add = true}
        %dma_wait3A = arith.constant 0 : i32
        %dma_wait3A_63 = tpu.memref_slice %arg4[%run_scoped3A_50, %dma_wait3A] : memref<8x128xi32, #tpu.memory_space<vmem>> -> memref<1x128xi32, #tpu.memory_space<vmem>>
        %dma_wait3A_64 = tpu.memref_squeeze %dma_wait3A_63 : memref<1x128xi32, #tpu.memory_space<vmem>> -> memref<128xi32, #tpu.memory_space<vmem>>
        %dma_wait3A_65 = arith.constant 0 : i32
        %dma_wait3A_66 = arith.constant 0 : i32
        %dma_wait3A_67 = tpu.memref_slice %arg7[%dma_wait3A_65, %dma_wait3A_66] : memref<10240x16xf32, #tpu.memory_space<vmem_shared>> -> memref<10240x16xf32, #tpu.memory_space<vmem_shared>>
        tpu.wait_indirect_dma semaphore(%run_scoped3A_57 : memref<!tpu.dma_semaphore, #tpu.memory_space<semaphore_mem>>) src(%arg5 : memref<128x16xf32, #tpu.memory_space<vmem>>) dst(%dma_wait3A_67 : memref<10240x16xf32, #tpu.memory_space<vmem_shared>>)
        tpu.yield
      }) : () -> ()
      %run_scoped3A_51 = arith.constant 3 : i32
      "tpu.region"() ({
        %run_scoped3A_57 = tpu.sem_alloc : memref<!tpu.dma_semaphore, #tpu.memory_space<semaphore_mem>>
        %dma_start3A = arith.constant 0 : i32
        %dma_start3A_58 = tpu.memref_slice %arg4[%run_scoped3A_51, %dma_start3A] : memref<8x128xi32, #tpu.memory_space<vmem>> -> memref<1x128xi32, #tpu.memory_space<vmem>>
        %dma_start3A_59 = tpu.memref_squeeze %dma_start3A_58 : memref<1x128xi32, #tpu.memory_space<vmem>> -> memref<128xi32, #tpu.memory_space<vmem>>
        %dma_start3A_60 = arith.constant 0 : i32
        %dma_start3A_61 = arith.constant 0 : i32
        %dma_start3A_62 = tpu.memref_slice %arg7[%dma_start3A_60, %dma_start3A_61] : memref<10240x16xf32, #tpu.memory_space<vmem_shared>> -> memref<10240x16xf32, #tpu.memory_space<vmem_shared>>
        tpu.enqueue_indirect_dma source(%arg5 : memref<128x16xf32, #tpu.memory_space<vmem>>) target(%dma_start3A_62 : memref<10240x16xf32, #tpu.memory_space<vmem_shared>>) offsets(%dma_start3A_59 : memref<128xi32, #tpu.memory_space<vmem>>) semaphore(%run_scoped3A_57 : memref<!tpu.dma_semaphore, #tpu.memory_space<semaphore_mem>>) {add = true}
        %dma_wait3A = arith.constant 0 : i32
        %dma_wait3A_63 = tpu.memref_slice %arg4[%run_scoped3A_51, %dma_wait3A] : memref<8x128xi32, #tpu.memory_space<vmem>> -> memref<1x128xi32, #tpu.memory_space<vmem>>
        %dma_wait3A_64 = tpu.memref_squeeze %dma_wait3A_63 : memref<1x128xi32, #tpu.memory_space<vmem>> -> memref<128xi32, #tpu.memory_space<vmem>>
        %dma_wait3A_65 = arith.constant 0 : i32
        %dma_wait3A_66 = arith.constant 0 : i32
        %dma_wait3A_67 = tpu.memref_slice %arg7[%dma_wait3A_65, %dma_wait3A_66] : memref<10240x16xf32, #tpu.memory_space<vmem_shared>> -> memref<10240x16xf32, #tpu.memory_space<vmem_shared>>
        tpu.wait_indirect_dma semaphore(%run_scoped3A_57 : memref<!tpu.dma_semaphore, #tpu.memory_space<semaphore_mem>>) src(%arg5 : memref<128x16xf32, #tpu.memory_space<vmem>>) dst(%dma_wait3A_67 : memref<10240x16xf32, #tpu.memory_space<vmem_shared>>)
        tpu.yield
      }) : () -> ()
      %run_scoped3A_52 = arith.constant 4 : i32
      "tpu.region"() ({
        %run_scoped3A_57 = tpu.sem_alloc : memref<!tpu.dma_semaphore, #tpu.memory_space<semaphore_mem>>
        %dma_start3A = arith.constant 0 : i32
        %dma_start3A_58 = tpu.memref_slice %arg4[%run_scoped3A_52, %dma_start3A] : memref<8x128xi32, #tpu.memory_space<vmem>> -> memref<1x128xi32, #tpu.memory_space<vmem>>
        %dma_start3A_59 = tpu.memref_squeeze %dma_start3A_58 : memref<1x128xi32, #tpu.memory_space<vmem>> -> memref<128xi32, #tpu.memory_space<vmem>>
        %dma_start3A_60 = arith.constant 0 : i32
        %dma_start3A_61 = arith.constant 0 : i32
        %dma_start3A_62 = tpu.memref_slice %arg7[%dma_start3A_60, %dma_start3A_61] : memref<10240x16xf32, #tpu.memory_space<vmem_shared>> -> memref<10240x16xf32, #tpu.memory_space<vmem_shared>>
        tpu.enqueue_indirect_dma source(%arg5 : memref<128x16xf32, #tpu.memory_space<vmem>>) target(%dma_start3A_62 : memref<10240x16xf32, #tpu.memory_space<vmem_shared>>) offsets(%dma_start3A_59 : memref<128xi32, #tpu.memory_space<vmem>>) semaphore(%run_scoped3A_57 : memref<!tpu.dma_semaphore, #tpu.memory_space<semaphore_mem>>) {add = true}
        %dma_wait3A = arith.constant 0 : i32
        %dma_wait3A_63 = tpu.memref_slice %arg4[%run_scoped3A_52, %dma_wait3A] : memref<8x128xi32, #tpu.memory_space<vmem>> -> memref<1x128xi32, #tpu.memory_space<vmem>>
        %dma_wait3A_64 = tpu.memref_squeeze %dma_wait3A_63 : memref<1x128xi32, #tpu.memory_space<vmem>> -> memref<128xi32, #tpu.memory_space<vmem>>
        %dma_wait3A_65 = arith.constant 0 : i32
        %dma_wait3A_66 = arith.constant 0 : i32
        %dma_wait3A_67 = tpu.memref_slice %arg7[%dma_wait3A_65, %dma_wait3A_66] : memref<10240x16xf32, #tpu.memory_space<vmem_shared>> -> memref<10240x16xf32, #tpu.memory_space<vmem_shared>>
        tpu.wait_indirect_dma semaphore(%run_scoped3A_57 : memref<!tpu.dma_semaphore, #tpu.memory_space<semaphore_mem>>) src(%arg5 : memref<128x16xf32, #tpu.memory_space<vmem>>) dst(%dma_wait3A_67 : memref<10240x16xf32, #tpu.memory_space<vmem_shared>>)
        tpu.yield
      }) : () -> ()
      %run_scoped3A_53 = arith.constant 5 : i32
      "tpu.region"() ({
        %run_scoped3A_57 = tpu.sem_alloc : memref<!tpu.dma_semaphore, #tpu.memory_space<semaphore_mem>>
        %dma_start3A = arith.constant 0 : i32
        %dma_start3A_58 = tpu.memref_slice %arg4[%run_scoped3A_53, %dma_start3A] : memref<8x128xi32, #tpu.memory_space<vmem>> -> memref<1x128xi32, #tpu.memory_space<vmem>>
        %dma_start3A_59 = tpu.memref_squeeze %dma_start3A_58 : memref<1x128xi32, #tpu.memory_space<vmem>> -> memref<128xi32, #tpu.memory_space<vmem>>
        %dma_start3A_60 = arith.constant 0 : i32
        %dma_start3A_61 = arith.constant 0 : i32
        %dma_start3A_62 = tpu.memref_slice %arg7[%dma_start3A_60, %dma_start3A_61] : memref<10240x16xf32, #tpu.memory_space<vmem_shared>> -> memref<10240x16xf32, #tpu.memory_space<vmem_shared>>
        tpu.enqueue_indirect_dma source(%arg5 : memref<128x16xf32, #tpu.memory_space<vmem>>) target(%dma_start3A_62 : memref<10240x16xf32, #tpu.memory_space<vmem_shared>>) offsets(%dma_start3A_59 : memref<128xi32, #tpu.memory_space<vmem>>) semaphore(%run_scoped3A_57 : memref<!tpu.dma_semaphore, #tpu.memory_space<semaphore_mem>>) {add = true}
        %dma_wait3A = arith.constant 0 : i32
        %dma_wait3A_63 = tpu.memref_slice %arg4[%run_scoped3A_53, %dma_wait3A] : memref<8x128xi32, #tpu.memory_space<vmem>> -> memref<1x128xi32, #tpu.memory_space<vmem>>
        %dma_wait3A_64 = tpu.memref_squeeze %dma_wait3A_63 : memref<1x128xi32, #tpu.memory_space<vmem>> -> memref<128xi32, #tpu.memory_space<vmem>>
        %dma_wait3A_65 = arith.constant 0 : i32
        %dma_wait3A_66 = arith.constant 0 : i32
        %dma_wait3A_67 = tpu.memref_slice %arg7[%dma_wait3A_65, %dma_wait3A_66] : memref<10240x16xf32, #tpu.memory_space<vmem_shared>> -> memref<10240x16xf32, #tpu.memory_space<vmem_shared>>
        tpu.wait_indirect_dma semaphore(%run_scoped3A_57 : memref<!tpu.dma_semaphore, #tpu.memory_space<semaphore_mem>>) src(%arg5 : memref<128x16xf32, #tpu.memory_space<vmem>>) dst(%dma_wait3A_67 : memref<10240x16xf32, #tpu.memory_space<vmem_shared>>)
        tpu.yield
      }) : () -> ()
      %run_scoped3A_54 = arith.constant 6 : i32
      "tpu.region"() ({
        %run_scoped3A_57 = tpu.sem_alloc : memref<!tpu.dma_semaphore, #tpu.memory_space<semaphore_mem>>
        %dma_start3A = arith.constant 0 : i32
        %dma_start3A_58 = tpu.memref_slice %arg4[%run_scoped3A_54, %dma_start3A] : memref<8x128xi32, #tpu.memory_space<vmem>> -> memref<1x128xi32, #tpu.memory_space<vmem>>
        %dma_start3A_59 = tpu.memref_squeeze %dma_start3A_58 : memref<1x128xi32, #tpu.memory_space<vmem>> -> memref<128xi32, #tpu.memory_space<vmem>>
        %dma_start3A_60 = arith.constant 0 : i32
        %dma_start3A_61 = arith.constant 0 : i32
        %dma_start3A_62 = tpu.memref_slice %arg7[%dma_start3A_60, %dma_start3A_61] : memref<10240x16xf32, #tpu.memory_space<vmem_shared>> -> memref<10240x16xf32, #tpu.memory_space<vmem_shared>>
        tpu.enqueue_indirect_dma source(%arg5 : memref<128x16xf32, #tpu.memory_space<vmem>>) target(%dma_start3A_62 : memref<10240x16xf32, #tpu.memory_space<vmem_shared>>) offsets(%dma_start3A_59 : memref<128xi32, #tpu.memory_space<vmem>>) semaphore(%run_scoped3A_57 : memref<!tpu.dma_semaphore, #tpu.memory_space<semaphore_mem>>) {add = true}
        %dma_wait3A = arith.constant 0 : i32
        %dma_wait3A_63 = tpu.memref_slice %arg4[%run_scoped3A_54, %dma_wait3A] : memref<8x128xi32, #tpu.memory_space<vmem>> -> memref<1x128xi32, #tpu.memory_space<vmem>>
        %dma_wait3A_64 = tpu.memref_squeeze %dma_wait3A_63 : memref<1x128xi32, #tpu.memory_space<vmem>> -> memref<128xi32, #tpu.memory_space<vmem>>
        %dma_wait3A_65 = arith.constant 0 : i32
        %dma_wait3A_66 = arith.constant 0 : i32
        %dma_wait3A_67 = tpu.memref_slice %arg7[%dma_wait3A_65, %dma_wait3A_66] : memref<10240x16xf32, #tpu.memory_space<vmem_shared>> -> memref<10240x16xf32, #tpu.memory_space<vmem_shared>>
        tpu.wait_indirect_dma semaphore(%run_scoped3A_57 : memref<!tpu.dma_semaphore, #tpu.memory_space<semaphore_mem>>) src(%arg5 : memref<128x16xf32, #tpu.memory_space<vmem>>) dst(%dma_wait3A_67 : memref<10240x16xf32, #tpu.memory_space<vmem_shared>>)
        tpu.yield
      }) : () -> ()
      %run_scoped3A_55 = arith.constant 7 : i32
      "tpu.region"() ({
        %run_scoped3A_57 = tpu.sem_alloc : memref<!tpu.dma_semaphore, #tpu.memory_space<semaphore_mem>>
        %dma_start3A = arith.constant 0 : i32
        %dma_start3A_58 = tpu.memref_slice %arg4[%run_scoped3A_55, %dma_start3A] : memref<8x128xi32, #tpu.memory_space<vmem>> -> memref<1x128xi32, #tpu.memory_space<vmem>>
        %dma_start3A_59 = tpu.memref_squeeze %dma_start3A_58 : memref<1x128xi32, #tpu.memory_space<vmem>> -> memref<128xi32, #tpu.memory_space<vmem>>
        %dma_start3A_60 = arith.constant 0 : i32
        %dma_start3A_61 = arith.constant 0 : i32
        %dma_start3A_62 = tpu.memref_slice %arg7[%dma_start3A_60, %dma_start3A_61] : memref<10240x16xf32, #tpu.memory_space<vmem_shared>> -> memref<10240x16xf32, #tpu.memory_space<vmem_shared>>
        tpu.enqueue_indirect_dma source(%arg5 : memref<128x16xf32, #tpu.memory_space<vmem>>) target(%dma_start3A_62 : memref<10240x16xf32, #tpu.memory_space<vmem_shared>>) offsets(%dma_start3A_59 : memref<128xi32, #tpu.memory_space<vmem>>) semaphore(%run_scoped3A_57 : memref<!tpu.dma_semaphore, #tpu.memory_space<semaphore_mem>>) {add = true}
        %dma_wait3A = arith.constant 0 : i32
        %dma_wait3A_63 = tpu.memref_slice %arg4[%run_scoped3A_55, %dma_wait3A] : memref<8x128xi32, #tpu.memory_space<vmem>> -> memref<1x128xi32, #tpu.memory_space<vmem>>
        %dma_wait3A_64 = tpu.memref_squeeze %dma_wait3A_63 : memref<1x128xi32, #tpu.memory_space<vmem>> -> memref<128xi32, #tpu.memory_space<vmem>>
        %dma_wait3A_65 = arith.constant 0 : i32
        %dma_wait3A_66 = arith.constant 0 : i32
        %dma_wait3A_67 = tpu.memref_slice %arg7[%dma_wait3A_65, %dma_wait3A_66] : memref<10240x16xf32, #tpu.memory_space<vmem_shared>> -> memref<10240x16xf32, #tpu.memory_space<vmem_shared>>
        tpu.wait_indirect_dma semaphore(%run_scoped3A_57 : memref<!tpu.dma_semaphore, #tpu.memory_space<semaphore_mem>>) src(%arg5 : memref<128x16xf32, #tpu.memory_space<vmem>>) dst(%dma_wait3A_67 : memref<10240x16xf32, #tpu.memory_space<vmem_shared>>)
        tpu.yield
      }) : () -> ()
      %scan3A_56 = arith.constant 0 : i32
      scf.yield %scan3A_56 : i32
    }
    %scan3A_35 = arith.constant 10 : i32
    %barrier3A_36 = arith.constant 0 : index
    tpu.barrier barrier_id(%barrier3A_36)
    %mul3A_37 = arith.constant 640 : i32
    %mul3A_38 = arith.muli %arg1, %mul3A_37 : i32
    %mul3A_39 = arith.constant 10240 : i32
    %mul3A_40 = arith.muli %arg0, %mul3A_39 : i32
    %mul3A_41 = arith.constant 640 : i32
    %mul3A_42 = arith.muli %arg1, %mul3A_41 : i32
    %add3A_43 = arith.addi %mul3A_40, %mul3A_42 : i32
    "tpu.region"() ({
      %run_scoped3A = tpu.sem_alloc : memref<!tpu.dma_semaphore, #tpu.memory_space<semaphore_mem>>
      %dma_start3A = arith.constant 0 : i32
      %dma_start3A_44 = tpu.memref_slice %arg3[%add3A_43, %dma_start3A] : memref<20480x16xf32, #tpu.memory_space<hbm>> -> memref<640x16xf32, #tpu.memory_space<hbm>>
      %dma_start3A_45 = arith.constant 0 : i32
      %dma_start3A_46 = tpu.memref_slice %arg7[%mul3A_38, %dma_start3A_45] : memref<10240x16xf32, #tpu.memory_space<vmem_shared>> -> memref<640x16xf32, #tpu.memory_space<vmem_shared>>
      tpu.enqueue_dma source(%dma_start3A_46 : memref<640x16xf32, #tpu.memory_space<vmem_shared>>) target(%dma_start3A_44 : memref<640x16xf32, #tpu.memory_space<hbm>>) target_semaphore(%run_scoped3A : memref<!tpu.dma_semaphore, #tpu.memory_space<semaphore_mem>>)
      %dma_wait3A = arith.constant 0 : i32
      %dma_wait3A_47 = tpu.memref_slice %arg3[%add3A_43, %dma_wait3A] : memref<20480x16xf32, #tpu.memory_space<hbm>> -> memref<640x16xf32, #tpu.memory_space<hbm>>
      %dma_wait3A_48 = arith.constant 0 : i32
      %dma_wait3A_49 = tpu.memref_slice %arg7[%mul3A_38, %dma_wait3A_48] : memref<10240x16xf32, #tpu.memory_space<vmem_shared>> -> memref<640x16xf32, #tpu.memory_space<vmem_shared>>
      tpu.wait_dma2 semaphore(%run_scoped3A : memref<!tpu.dma_semaphore, #tpu.memory_space<semaphore_mem>>) src(%dma_wait3A_49 : memref<640x16xf32, #tpu.memory_space<vmem_shared>>) dst(%dma_wait3A_47 : memref<640x16xf32, #tpu.memory_space<hbm>>)
      tpu.yield
    }) : () -> ()
    return
  }
}

#map = affine_map<(d0, d1) -> (0, 0)>
module attributes {stable_mosaic.version = 14 : i64} {
  func.func @_agg_kernel(%arg0: i32, %arg1: i32, %arg2: memref<10000x64xf32, #tpu.memory_space<hbm>>, %arg3: memref<10000x64xf32, #tpu.memory_space<hbm>>, %arg4: memref<10000x64xf32, #tpu.memory_space<hbm>>, %arg5: memref<10000x64xf32, #tpu.memory_space<hbm>>, %arg6: memref<2560x128xi32, #tpu.memory_space<hbm>>, %arg7: memref<2560x128xi32, #tpu.memory_space<hbm>>, %arg8: memref<40960x64xf32, #tpu.memory_space<hbm>>, %arg9: memref<8x128xi32, #tpu.memory_space<vmem>>, %arg10: memref<8x128xi32, #tpu.memory_space<vmem>>, %arg11: memref<1024x64xf32, #tpu.memory_space<vmem>>, %arg12: memref<128x64xf32, #tpu.memory_space<vmem>>, %arg13: memref<10240x64xf32, #tpu.memory_space<vmem_shared>>, %arg14: memref<!tpu.dma_semaphore, #tpu.memory_space<semaphore_mem>>) attributes {dimension_semantics = [#tpu.dimension_semantics<core_parallel>, #tpu.dimension_semantics<subcore_parallel>], iteration_bounds = array<i64: 2, 16>, scalar_prefetch = 0 : i64, scratch_operands = 6 : i64, tpu.core_type = #tpu.core_type<sc_vector_subcore>, window_params = [{transform_indices = #map}, {transform_indices = #map}, {transform_indices = #map}, {transform_indices = #map}, {transform_indices = #map}, {transform_indices = #map}, {transform_indices = #map}]} {
    %scan3A = arith.constant 0 : i32
    %scan3A_0 = arith.constant 0 : i32
    %scan3A_1 = arith.constant 128 : i32
    %scan3A_2 = arith.addi %scan3A_0, %scan3A_1 : i32
    %scan3A_3 = arith.constant 1 : i32
    %scan3A_4 = scf.for %scan3A_112 = %scan3A_0 to %scan3A_2 step %scan3A_3 iter_args(%scan3A_113 = %scan3A) -> (i32)  : i32 {
      %broadcast_in_dim3A = arith.constant 0.000000e+00 : f32
      %broadcast_in_dim3A_114 = vector.broadcast %broadcast_in_dim3A : f32 to vector<16xf32>
      %swap3A = arith.index_cast %scan3A_112 : i32 to index
      %swap3A_115 = arith.constant 0 : index
      %swap3A_116 = tpu.vector_load %arg12[%swap3A, %swap3A_115] {strides = array<i32>} : memref<128x64xf32, #tpu.memory_space<vmem>>, vector<1x16xf32>,
      %swap3A_117 = vector.shape_cast %swap3A_116 : vector<1x16xf32> to vector<16xf32>
      %swap3A_118 = vector.shape_cast %broadcast_in_dim3A_114 : vector<16xf32> to vector<1x16xf32>
      tpu.vector_store %arg12[%swap3A, %swap3A_115], %swap3A_118 {strides = array<i32>} : memref<128x64xf32, #tpu.memory_space<vmem>>, vector<1x16xf32>,
      %broadcast_in_dim3A_119 = arith.constant 0.000000e+00 : f32
      %broadcast_in_dim3A_120 = vector.broadcast %broadcast_in_dim3A_119 : f32 to vector<16xf32>
      %swap3A_121 = arith.index_cast %scan3A_112 : i32 to index
      %swap3A_122 = arith.constant 16 : index
      %swap3A_123 = tpu.vector_load %arg12[%swap3A_121, %swap3A_122] {strides = array<i32>} : memref<128x64xf32, #tpu.memory_space<vmem>>, vector<1x16xf32>,
      %swap3A_124 = vector.shape_cast %swap3A_123 : vector<1x16xf32> to vector<16xf32>
      %swap3A_125 = vector.shape_cast %broadcast_in_dim3A_120 : vector<16xf32> to vector<1x16xf32>
      tpu.vector_store %arg12[%swap3A_121, %swap3A_122], %swap3A_125 {strides = array<i32>} : memref<128x64xf32, #tpu.memory_space<vmem>>, vector<1x16xf32>,
      %broadcast_in_dim3A_126 = arith.constant 0.000000e+00 : f32
      %broadcast_in_dim3A_127 = vector.broadcast %broadcast_in_dim3A_126 : f32 to vector<16xf32>
      %swap3A_128 = arith.index_cast %scan3A_112 : i32 to index
      %swap3A_129 = arith.constant 32 : index
      %swap3A_130 = tpu.vector_load %arg12[%swap3A_128, %swap3A_129] {strides = array<i32>} : memref<128x64xf32, #tpu.memory_space<vmem>>, vector<1x16xf32>,
      %swap3A_131 = vector.shape_cast %swap3A_130 : vector<1x16xf32> to vector<16xf32>
      %swap3A_132 = vector.shape_cast %broadcast_in_dim3A_127 : vector<16xf32> to vector<1x16xf32>
      tpu.vector_store %arg12[%swap3A_128, %swap3A_129], %swap3A_132 {strides = array<i32>} : memref<128x64xf32, #tpu.memory_space<vmem>>, vector<1x16xf32>,
      %broadcast_in_dim3A_133 = arith.constant 0.000000e+00 : f32
      %broadcast_in_dim3A_134 = vector.broadcast %broadcast_in_dim3A_133 : f32 to vector<16xf32>
      %swap3A_135 = arith.index_cast %scan3A_112 : i32 to index
      %swap3A_136 = arith.constant 48 : index
      %swap3A_137 = tpu.vector_load %arg12[%swap3A_135, %swap3A_136] {strides = array<i32>} : memref<128x64xf32, #tpu.memory_space<vmem>>, vector<1x16xf32>,
      %swap3A_138 = vector.shape_cast %swap3A_137 : vector<1x16xf32> to vector<16xf32>
      %swap3A_139 = vector.shape_cast %broadcast_in_dim3A_134 : vector<16xf32> to vector<1x16xf32>
      tpu.vector_store %arg12[%swap3A_135, %swap3A_136], %swap3A_139 {strides = array<i32>} : memref<128x64xf32, #tpu.memory_space<vmem>>, vector<1x16xf32>,
      %scan3A_140 = arith.constant 0 : i32
      scf.yield %scan3A_140 : i32
    }
    %scan3A_5 = arith.constant 128 : i32
    %mul3A = arith.constant 160 : i32
    %mul3A_6 = arith.muli %arg1, %mul3A : i32
    %mul3A_7 = arith.constant 640 : i32
    %mul3A_8 = arith.muli %arg1, %mul3A_7 : i32
    %add3A = arith.constant 0 : i32
    %add3A_9 = arith.addi %mul3A_8, %add3A : i32
    "tpu.region"() ({
      %run_scoped3A = tpu.sem_alloc : memref<!tpu.dma_semaphore, #tpu.memory_space<semaphore_mem>>
      %dma_start3A = arith.constant 0 : i32
      %dma_start3A_112 = tpu.memref_slice %arg13[%add3A_9, %dma_start3A] : memref<10240x64xf32, #tpu.memory_space<vmem_shared>> -> memref<128x64xf32, #tpu.memory_space<vmem_shared>>
      %dma_start3A_113 = arith.constant 0 : i32
      %dma_start3A_114 = tpu.memref_slice %arg13[%add3A_9, %dma_start3A_113] : memref<10240x64xf32, #tpu.memory_space<vmem_shared>> -> memref<128x64xf32, #tpu.memory_space<vmem_shared>>
      tpu.enqueue_dma source(%arg12 : memref<128x64xf32, #tpu.memory_space<vmem>>) target(%dma_start3A_114 : memref<128x64xf32, #tpu.memory_space<vmem_shared>>) target_semaphore(%run_scoped3A : memref<!tpu.dma_semaphore, #tpu.memory_space<semaphore_mem>>)
      %dma_wait3A = arith.constant 0 : i32
      %dma_wait3A_115 = tpu.memref_slice %arg13[%add3A_9, %dma_wait3A] : memref<10240x64xf32, #tpu.memory_space<vmem_shared>> -> memref<128x64xf32, #tpu.memory_space<vmem_shared>>
      %dma_wait3A_116 = arith.constant 0 : i32
      %dma_wait3A_117 = tpu.memref_slice %arg13[%add3A_9, %dma_wait3A_116] : memref<10240x64xf32, #tpu.memory_space<vmem_shared>> -> memref<128x64xf32, #tpu.memory_space<vmem_shared>>
      tpu.wait_dma2 semaphore(%run_scoped3A : memref<!tpu.dma_semaphore, #tpu.memory_space<semaphore_mem>>) src(%arg12 : memref<128x64xf32, #tpu.memory_space<vmem>>) dst(%dma_wait3A_117 : memref<128x64xf32, #tpu.memory_space<vmem_shared>>)
      tpu.yield
    }) : () -> ()
    %mul3A_10 = arith.constant 640 : i32
    %mul3A_11 = arith.muli %arg1, %mul3A_10 : i32
    %add3A_12 = arith.constant 128 : i32
    %add3A_13 = arith.addi %mul3A_11, %add3A_12 : i32
    "tpu.region"() ({
      %run_scoped3A = tpu.sem_alloc : memref<!tpu.dma_semaphore, #tpu.memory_space<semaphore_mem>>
      %dma_start3A = arith.constant 0 : i32
      %dma_start3A_112 = tpu.memref_slice %arg13[%add3A_13, %dma_start3A] : memref<10240x64xf32, #tpu.memory_space<vmem_shared>> -> memref<128x64xf32, #tpu.memory_space<vmem_shared>>
      %dma_start3A_113 = arith.constant 0 : i32
      %dma_start3A_114 = tpu.memref_slice %arg13[%add3A_13, %dma_start3A_113] : memref<10240x64xf32, #tpu.memory_space<vmem_shared>> -> memref<128x64xf32, #tpu.memory_space<vmem_shared>>
      tpu.enqueue_dma source(%arg12 : memref<128x64xf32, #tpu.memory_space<vmem>>) target(%dma_start3A_114 : memref<128x64xf32, #tpu.memory_space<vmem_shared>>) target_semaphore(%run_scoped3A : memref<!tpu.dma_semaphore, #tpu.memory_space<semaphore_mem>>)
      %dma_wait3A = arith.constant 0 : i32
      %dma_wait3A_115 = tpu.memref_slice %arg13[%add3A_13, %dma_wait3A] : memref<10240x64xf32, #tpu.memory_space<vmem_shared>> -> memref<128x64xf32, #tpu.memory_space<vmem_shared>>
      %dma_wait3A_116 = arith.constant 0 : i32
      %dma_wait3A_117 = tpu.memref_slice %arg13[%add3A_13, %dma_wait3A_116] : memref<10240x64xf32, #tpu.memory_space<vmem_shared>> -> memref<128x64xf32, #tpu.memory_space<vmem_shared>>
      tpu.wait_dma2 semaphore(%run_scoped3A : memref<!tpu.dma_semaphore, #tpu.memory_space<semaphore_mem>>) src(%arg12 : memref<128x64xf32, #tpu.memory_space<vmem>>) dst(%dma_wait3A_117 : memref<128x64xf32, #tpu.memory_space<vmem_shared>>)
      tpu.yield
    }) : () -> ()
    %mul3A_14 = arith.constant 640 : i32
    %mul3A_15 = arith.muli %arg1, %mul3A_14 : i32
    %add3A_16 = arith.constant 256 : i32
    %add3A_17 = arith.addi %mul3A_15, %add3A_16 : i32
    "tpu.region"() ({
      %run_scoped3A = tpu.sem_alloc : memref<!tpu.dma_semaphore, #tpu.memory_space<semaphore_mem>>
      %dma_start3A = arith.constant 0 : i32
      %dma_start3A_112 = tpu.memref_slice %arg13[%add3A_17, %dma_start3A] : memref<10240x64xf32, #tpu.memory_space<vmem_shared>> -> memref<128x64xf32, #tpu.memory_space<vmem_shared>>
      %dma_start3A_113 = arith.constant 0 : i32
      %dma_start3A_114 = tpu.memref_slice %arg13[%add3A_17, %dma_start3A_113] : memref<10240x64xf32, #tpu.memory_space<vmem_shared>> -> memref<128x64xf32, #tpu.memory_space<vmem_shared>>
      tpu.enqueue_dma source(%arg12 : memref<128x64xf32, #tpu.memory_space<vmem>>) target(%dma_start3A_114 : memref<128x64xf32, #tpu.memory_space<vmem_shared>>) target_semaphore(%run_scoped3A : memref<!tpu.dma_semaphore, #tpu.memory_space<semaphore_mem>>)
      %dma_wait3A = arith.constant 0 : i32
      %dma_wait3A_115 = tpu.memref_slice %arg13[%add3A_17, %dma_wait3A] : memref<10240x64xf32, #tpu.memory_space<vmem_shared>> -> memref<128x64xf32, #tpu.memory_space<vmem_shared>>
      %dma_wait3A_116 = arith.constant 0 : i32
      %dma_wait3A_117 = tpu.memref_slice %arg13[%add3A_17, %dma_wait3A_116] : memref<10240x64xf32, #tpu.memory_space<vmem_shared>> -> memref<128x64xf32, #tpu.memory_space<vmem_shared>>
      tpu.wait_dma2 semaphore(%run_scoped3A : memref<!tpu.dma_semaphore, #tpu.memory_space<semaphore_mem>>) src(%arg12 : memref<128x64xf32, #tpu.memory_space<vmem>>) dst(%dma_wait3A_117 : memref<128x64xf32, #tpu.memory_space<vmem_shared>>)
      tpu.yield
    }) : () -> ()
    %mul3A_18 = arith.constant 640 : i32
    %mul3A_19 = arith.muli %arg1, %mul3A_18 : i32
    %add3A_20 = arith.constant 384 : i32
    %add3A_21 = arith.addi %mul3A_19, %add3A_20 : i32
    "tpu.region"() ({
      %run_scoped3A = tpu.sem_alloc : memref<!tpu.dma_semaphore, #tpu.memory_space<semaphore_mem>>
      %dma_start3A = arith.constant 0 : i32
      %dma_start3A_112 = tpu.memref_slice %arg13[%add3A_21, %dma_start3A] : memref<10240x64xf32, #tpu.memory_space<vmem_shared>> -> memref<128x64xf32, #tpu.memory_space<vmem_shared>>
      %dma_start3A_113 = arith.constant 0 : i32
      %dma_start3A_114 = tpu.memref_slice %arg13[%add3A_21, %dma_start3A_113] : memref<10240x64xf32, #tpu.memory_space<vmem_shared>> -> memref<128x64xf32, #tpu.memory_space<vmem_shared>>
      tpu.enqueue_dma source(%arg12 : memref<128x64xf32, #tpu.memory_space<vmem>>) target(%dma_start3A_114 : memref<128x64xf32, #tpu.memory_space<vmem_shared>>) target_semaphore(%run_scoped3A : memref<!tpu.dma_semaphore, #tpu.memory_space<semaphore_mem>>)
      %dma_wait3A = arith.constant 0 : i32
      %dma_wait3A_115 = tpu.memref_slice %arg13[%add3A_21, %dma_wait3A] : memref<10240x64xf32, #tpu.memory_space<vmem_shared>> -> memref<128x64xf32, #tpu.memory_space<vmem_shared>>
      %dma_wait3A_116 = arith.constant 0 : i32
      %dma_wait3A_117 = tpu.memref_slice %arg13[%add3A_21, %dma_wait3A_116] : memref<10240x64xf32, #tpu.memory_space<vmem_shared>> -> memref<128x64xf32, #tpu.memory_space<vmem_shared>>
      tpu.wait_dma2 semaphore(%run_scoped3A : memref<!tpu.dma_semaphore, #tpu.memory_space<semaphore_mem>>) src(%arg12 : memref<128x64xf32, #tpu.memory_space<vmem>>) dst(%dma_wait3A_117 : memref<128x64xf32, #tpu.memory_space<vmem_shared>>)
      tpu.yield
    }) : () -> ()
    %mul3A_22 = arith.constant 640 : i32
    %mul3A_23 = arith.muli %arg1, %mul3A_22 : i32
    %add3A_24 = arith.constant 512 : i32
    %add3A_25 = arith.addi %mul3A_23, %add3A_24 : i32
    "tpu.region"() ({
      %run_scoped3A = tpu.sem_alloc : memref<!tpu.dma_semaphore, #tpu.memory_space<semaphore_mem>>
      %dma_start3A = arith.constant 0 : i32
      %dma_start3A_112 = tpu.memref_slice %arg13[%add3A_25, %dma_start3A] : memref<10240x64xf32, #tpu.memory_space<vmem_shared>> -> memref<128x64xf32, #tpu.memory_space<vmem_shared>>
      %dma_start3A_113 = arith.constant 0 : i32
      %dma_start3A_114 = tpu.memref_slice %arg13[%add3A_25, %dma_start3A_113] : memref<10240x64xf32, #tpu.memory_space<vmem_shared>> -> memref<128x64xf32, #tpu.memory_space<vmem_shared>>
      tpu.enqueue_dma source(%arg12 : memref<128x64xf32, #tpu.memory_space<vmem>>) target(%dma_start3A_114 : memref<128x64xf32, #tpu.memory_space<vmem_shared>>) target_semaphore(%run_scoped3A : memref<!tpu.dma_semaphore, #tpu.memory_space<semaphore_mem>>)
      %dma_wait3A = arith.constant 0 : i32
      %dma_wait3A_115 = tpu.memref_slice %arg13[%add3A_25, %dma_wait3A] : memref<10240x64xf32, #tpu.memory_space<vmem_shared>> -> memref<128x64xf32, #tpu.memory_space<vmem_shared>>
      %dma_wait3A_116 = arith.constant 0 : i32
      %dma_wait3A_117 = tpu.memref_slice %arg13[%add3A_25, %dma_wait3A_116] : memref<10240x64xf32, #tpu.memory_space<vmem_shared>> -> memref<128x64xf32, #tpu.memory_space<vmem_shared>>
      tpu.wait_dma2 semaphore(%run_scoped3A : memref<!tpu.dma_semaphore, #tpu.memory_space<semaphore_mem>>) src(%arg12 : memref<128x64xf32, #tpu.memory_space<vmem>>) dst(%dma_wait3A_117 : memref<128x64xf32, #tpu.memory_space<vmem_shared>>)
      tpu.yield
    }) : () -> ()
    %barrier3A = arith.constant 0 : index
    tpu.barrier barrier_id(%barrier3A)
    %add3A_26 = arith.constant 0 : i32
    %add3A_27 = arith.addi %mul3A_6, %add3A_26 : i32
    "tpu.region"() ({
      %run_scoped3A = tpu.sem_alloc : memref<!tpu.dma_semaphore, #tpu.memory_space<semaphore_mem>>
      %dma_start3A = arith.constant 0 : i32
      %dma_start3A_112 = arith.constant 0 : i32
      %dma_start3A_113 = tpu.memref_slice %arg9[%dma_start3A, %dma_start3A_112] : memref<8x128xi32, #tpu.memory_space<vmem>> -> memref<4x128xi32, #tpu.memory_space<vmem>>
      %dma_start3A_114 = arith.constant 0 : i32
      %dma_start3A_115 = tpu.memref_slice %arg6[%add3A_27, %dma_start3A_114] : memref<2560x128xi32, #tpu.memory_space<hbm>> -> memref<4x128xi32, #tpu.memory_space<hbm>>
      %dma_start3A_116 = arith.constant 0 : i32
      %dma_start3A_117 = arith.constant 0 : i32
      %dma_start3A_118 = tpu.memref_slice %arg9[%dma_start3A_116, %dma_start3A_117] : memref<8x128xi32, #tpu.memory_space<vmem>> -> memref<4x128xi32, #tpu.memory_space<vmem>>
      %dma_start3A_119 = arith.constant 0 : i32
      %dma_start3A_120 = tpu.memref_slice %arg6[%add3A_27, %dma_start3A_119] : memref<2560x128xi32, #tpu.memory_space<hbm>> -> memref<4x128xi32, #tpu.memory_space<hbm>>
      tpu.enqueue_dma source(%dma_start3A_120 : memref<4x128xi32, #tpu.memory_space<hbm>>) target(%dma_start3A_118 : memref<4x128xi32, #tpu.memory_space<vmem>>) target_semaphore(%run_scoped3A : memref<!tpu.dma_semaphore, #tpu.memory_space<semaphore_mem>>)
      %dma_wait3A = arith.constant 0 : i32
      %dma_wait3A_121 = arith.constant 0 : i32
      %dma_wait3A_122 = tpu.memref_slice %arg9[%dma_wait3A, %dma_wait3A_121] : memref<8x128xi32, #tpu.memory_space<vmem>> -> memref<4x128xi32, #tpu.memory_space<vmem>>
      %dma_wait3A_123 = arith.constant 0 : i32
      %dma_wait3A_124 = tpu.memref_slice %arg6[%add3A_27, %dma_wait3A_123] : memref<2560x128xi32, #tpu.memory_space<hbm>> -> memref<4x128xi32, #tpu.memory_space<hbm>>
      %dma_wait3A_125 = arith.constant 0 : i32
      %dma_wait3A_126 = arith.constant 0 : i32
      %dma_wait3A_127 = tpu.memref_slice %arg9[%dma_wait3A_125, %dma_wait3A_126] : memref<8x128xi32, #tpu.memory_space<vmem>> -> memref<4x128xi32, #tpu.memory_space<vmem>>
      %dma_wait3A_128 = arith.constant 0 : i32
      %dma_wait3A_129 = tpu.memref_slice %arg6[%add3A_27, %dma_wait3A_128] : memref<2560x128xi32, #tpu.memory_space<hbm>> -> memref<4x128xi32, #tpu.memory_space<hbm>>
      tpu.wait_dma2 semaphore(%run_scoped3A : memref<!tpu.dma_semaphore, #tpu.memory_space<semaphore_mem>>) src(%dma_wait3A_129 : memref<4x128xi32, #tpu.memory_space<hbm>>) dst(%dma_wait3A_127 : memref<4x128xi32, #tpu.memory_space<vmem>>)
      tpu.yield
    }) : () -> ()
    %add3A_28 = arith.constant 0 : i32
    %add3A_29 = arith.addi %mul3A_6, %add3A_28 : i32
    "tpu.region"() ({
      %run_scoped3A = tpu.sem_alloc : memref<!tpu.dma_semaphore, #tpu.memory_space<semaphore_mem>>
      %dma_start3A = arith.constant 0 : i32
      %dma_start3A_112 = arith.constant 0 : i32
      %dma_start3A_113 = tpu.memref_slice %arg10[%dma_start3A, %dma_start3A_112] : memref<8x128xi32, #tpu.memory_space<vmem>> -> memref<4x128xi32, #tpu.memory_space<vmem>>
      %dma_start3A_114 = arith.constant 0 : i32
      %dma_start3A_115 = tpu.memref_slice %arg7[%add3A_29, %dma_start3A_114] : memref<2560x128xi32, #tpu.memory_space<hbm>> -> memref<4x128xi32, #tpu.memory_space<hbm>>
      %dma_start3A_116 = arith.constant 0 : i32
      %dma_start3A_117 = arith.constant 0 : i32
      %dma_start3A_118 = tpu.memref_slice %arg10[%dma_start3A_116, %dma_start3A_117] : memref<8x128xi32, #tpu.memory_space<vmem>> -> memref<4x128xi32, #tpu.memory_space<vmem>>
      %dma_start3A_119 = arith.constant 0 : i32
      %dma_start3A_120 = tpu.memref_slice %arg7[%add3A_29, %dma_start3A_119] : memref<2560x128xi32, #tpu.memory_space<hbm>> -> memref<4x128xi32, #tpu.memory_space<hbm>>
      tpu.enqueue_dma source(%dma_start3A_120 : memref<4x128xi32, #tpu.memory_space<hbm>>) target(%dma_start3A_118 : memref<4x128xi32, #tpu.memory_space<vmem>>) target_semaphore(%run_scoped3A : memref<!tpu.dma_semaphore, #tpu.memory_space<semaphore_mem>>)
      %dma_wait3A = arith.constant 0 : i32
      %dma_wait3A_121 = arith.constant 0 : i32
      %dma_wait3A_122 = tpu.memref_slice %arg10[%dma_wait3A, %dma_wait3A_121] : memref<8x128xi32, #tpu.memory_space<vmem>> -> memref<4x128xi32, #tpu.memory_space<vmem>>
      %dma_wait3A_123 = arith.constant 0 : i32
      %dma_wait3A_124 = tpu.memref_slice %arg7[%add3A_29, %dma_wait3A_123] : memref<2560x128xi32, #tpu.memory_space<hbm>> -> memref<4x128xi32, #tpu.memory_space<hbm>>
      %dma_wait3A_125 = arith.constant 0 : i32
      %dma_wait3A_126 = arith.constant 0 : i32
      %dma_wait3A_127 = tpu.memref_slice %arg10[%dma_wait3A_125, %dma_wait3A_126] : memref<8x128xi32, #tpu.memory_space<vmem>> -> memref<4x128xi32, #tpu.memory_space<vmem>>
      %dma_wait3A_128 = arith.constant 0 : i32
      %dma_wait3A_129 = tpu.memref_slice %arg7[%add3A_29, %dma_wait3A_128] : memref<2560x128xi32, #tpu.memory_space<hbm>> -> memref<4x128xi32, #tpu.memory_space<hbm>>
      tpu.wait_dma2 semaphore(%run_scoped3A : memref<!tpu.dma_semaphore, #tpu.memory_space<semaphore_mem>>) src(%dma_wait3A_129 : memref<4x128xi32, #tpu.memory_space<hbm>>) dst(%dma_wait3A_127 : memref<4x128xi32, #tpu.memory_space<vmem>>)
      tpu.yield
    }) : () -> ()
    %eq3A = arith.constant 0 : i32
    %eq3A_30 = arith.cmpi eq, %arg0, %eq3A : i32
    %convert_element_type3A = arith.extui %eq3A_30 : i1 to i32
    %cond3A = arith.constant 0 : i32
    %cond3A_31 = arith.cmpi ne, %convert_element_type3A, %cond3A : i32
    scf.if %cond3A_31 {
      %dma_start3A = arith.constant 0 : i32
      %dma_start3A_112 = arith.constant 0 : i32
      %dma_start3A_113 = arith.constant 0 : i32
      %dma_start3A_114 = tpu.memref_slice %arg11[%dma_start3A_112, %dma_start3A_113] : memref<1024x64xf32, #tpu.memory_space<vmem>> -> memref<128x64xf32, #tpu.memory_space<vmem>>
      %dma_start3A_115 = arith.constant 0 : i32
      %dma_start3A_116 = tpu.memref_slice %arg9[%dma_start3A, %dma_start3A_115] : memref<8x128xi32, #tpu.memory_space<vmem>> -> memref<1x128xi32, #tpu.memory_space<vmem>>
      %dma_start3A_117 = tpu.memref_squeeze %dma_start3A_116 : memref<1x128xi32, #tpu.memory_space<vmem>> -> memref<128xi32, #tpu.memory_space<vmem>>
      %dma_start3A_118 = arith.constant 0 : i32
      %dma_start3A_119 = arith.constant 0 : i32
      %dma_start3A_120 = tpu.memref_slice %arg2[%dma_start3A_118, %dma_start3A_119] : memref<10000x64xf32, #tpu.memory_space<hbm>> -> memref<10000x64xf32, #tpu.memory_space<hbm>>
      tpu.enqueue_indirect_dma source(%dma_start3A_120 : memref<10000x64xf32, #tpu.memory_space<hbm>>) target(%dma_start3A_114 : memref<128x64xf32, #tpu.memory_space<vmem>>) offsets(%dma_start3A_117 : memref<128xi32, #tpu.memory_space<vmem>>) semaphore(%arg14 : memref<!tpu.dma_semaphore, #tpu.memory_space<semaphore_mem>>)
      %dma_start3A_121 = arith.constant 1 : i32
      %dma_start3A_122 = arith.constant 128 : i32
      %dma_start3A_123 = arith.constant 0 : i32
      %dma_start3A_124 = tpu.memref_slice %arg11[%dma_start3A_122, %dma_start3A_123] : memref<1024x64xf32, #tpu.memory_space<vmem>> -> memref<128x64xf32, #tpu.memory_space<vmem>>
      %dma_start3A_125 = arith.constant 0 : i32
      %dma_start3A_126 = tpu.memref_slice %arg9[%dma_start3A_121, %dma_start3A_125] : memref<8x128xi32, #tpu.memory_space<vmem>> -> memref<1x128xi32, #tpu.memory_space<vmem>>
      %dma_start3A_127 = tpu.memref_squeeze %dma_start3A_126 : memref<1x128xi32, #tpu.memory_space<vmem>> -> memref<128xi32, #tpu.memory_space<vmem>>
      %dma_start3A_128 = arith.constant 0 : i32
      %dma_start3A_129 = arith.constant 0 : i32
      %dma_start3A_130 = tpu.memref_slice %arg2[%dma_start3A_128, %dma_start3A_129] : memref<10000x64xf32, #tpu.memory_space<hbm>> -> memref<10000x64xf32, #tpu.memory_space<hbm>>
      tpu.enqueue_indirect_dma source(%dma_start3A_130 : memref<10000x64xf32, #tpu.memory_space<hbm>>) target(%dma_start3A_124 : memref<128x64xf32, #tpu.memory_space<vmem>>) offsets(%dma_start3A_127 : memref<128xi32, #tpu.memory_space<vmem>>) semaphore(%arg14 : memref<!tpu.dma_semaphore, #tpu.memory_space<semaphore_mem>>)
      %dma_start3A_131 = arith.constant 2 : i32
      %dma_start3A_132 = arith.constant 256 : i32
      %dma_start3A_133 = arith.constant 0 : i32
      %dma_start3A_134 = tpu.memref_slice %arg11[%dma_start3A_132, %dma_start3A_133] : memref<1024x64xf32, #tpu.memory_space<vmem>> -> memref<128x64xf32, #tpu.memory_space<vmem>>
      %dma_start3A_135 = arith.constant 0 : i32
      %dma_start3A_136 = tpu.memref_slice %arg9[%dma_start3A_131, %dma_start3A_135] : memref<8x128xi32, #tpu.memory_space<vmem>> -> memref<1x128xi32, #tpu.memory_space<vmem>>
      %dma_start3A_137 = tpu.memref_squeeze %dma_start3A_136 : memref<1x128xi32, #tpu.memory_space<vmem>> -> memref<128xi32, #tpu.memory_space<vmem>>
      %dma_start3A_138 = arith.constant 0 : i32
      %dma_start3A_139 = arith.constant 0 : i32
      %dma_start3A_140 = tpu.memref_slice %arg2[%dma_start3A_138, %dma_start3A_139] : memref<10000x64xf32, #tpu.memory_space<hbm>> -> memref<10000x64xf32, #tpu.memory_space<hbm>>
      tpu.enqueue_indirect_dma source(%dma_start3A_140 : memref<10000x64xf32, #tpu.memory_space<hbm>>) target(%dma_start3A_134 : memref<128x64xf32, #tpu.memory_space<vmem>>) offsets(%dma_start3A_137 : memref<128xi32, #tpu.memory_space<vmem>>) semaphore(%arg14 : memref<!tpu.dma_semaphore, #tpu.memory_space<semaphore_mem>>)
      %dma_start3A_141 = arith.constant 3 : i32
      %dma_start3A_142 = arith.constant 384 : i32
      %dma_start3A_143 = arith.constant 0 : i32
      %dma_start3A_144 = tpu.memref_slice %arg11[%dma_start3A_142, %dma_start3A_143] : memref<1024x64xf32, #tpu.memory_space<vmem>> -> memref<128x64xf32, #tpu.memory_space<vmem>>
      %dma_start3A_145 = arith.constant 0 : i32
      %dma_start3A_146 = tpu.memref_slice %arg9[%dma_start3A_141, %dma_start3A_145] : memref<8x128xi32, #tpu.memory_space<vmem>> -> memref<1x128xi32, #tpu.memory_space<vmem>>
      %dma_start3A_147 = tpu.memref_squeeze %dma_start3A_146 : memref<1x128xi32, #tpu.memory_space<vmem>> -> memref<128xi32, #tpu.memory_space<vmem>>
      %dma_start3A_148 = arith.constant 0 : i32
      %dma_start3A_149 = arith.constant 0 : i32
      %dma_start3A_150 = tpu.memref_slice %arg2[%dma_start3A_148, %dma_start3A_149] : memref<10000x64xf32, #tpu.memory_space<hbm>> -> memref<10000x64xf32, #tpu.memory_space<hbm>>
      tpu.enqueue_indirect_dma source(%dma_start3A_150 : memref<10000x64xf32, #tpu.memory_space<hbm>>) target(%dma_start3A_144 : memref<128x64xf32, #tpu.memory_space<vmem>>) offsets(%dma_start3A_147 : memref<128xi32, #tpu.memory_space<vmem>>) semaphore(%arg14 : memref<!tpu.dma_semaphore, #tpu.memory_space<semaphore_mem>>)
    } else {
    }
    %eq3A_32 = arith.constant 1 : i32
    %eq3A_33 = arith.cmpi eq, %arg0, %eq3A_32 : i32
    %convert_element_type3A_34 = arith.extui %eq3A_33 : i1 to i32
    %cond3A_35 = arith.constant 0 : i32
    %cond3A_36 = arith.cmpi ne, %convert_element_type3A_34, %cond3A_35 : i32
    scf.if %cond3A_36 {
      %dma_start3A = arith.constant 0 : i32
      %dma_start3A_112 = arith.constant 0 : i32
      %dma_start3A_113 = arith.constant 0 : i32
      %dma_start3A_114 = tpu.memref_slice %arg11[%dma_start3A_112, %dma_start3A_113] : memref<1024x64xf32, #tpu.memory_space<vmem>> -> memref<128x64xf32, #tpu.memory_space<vmem>>
      %dma_start3A_115 = arith.constant 0 : i32
      %dma_start3A_116 = tpu.memref_slice %arg9[%dma_start3A, %dma_start3A_115] : memref<8x128xi32, #tpu.memory_space<vmem>> -> memref<1x128xi32, #tpu.memory_space<vmem>>
      %dma_start3A_117 = tpu.memref_squeeze %dma_start3A_116 : memref<1x128xi32, #tpu.memory_space<vmem>> -> memref<128xi32, #tpu.memory_space<vmem>>
      %dma_start3A_118 = arith.constant 0 : i32
      %dma_start3A_119 = arith.constant 0 : i32
      %dma_start3A_120 = tpu.memref_slice %arg4[%dma_start3A_118, %dma_start3A_119] : memref<10000x64xf32, #tpu.memory_space<hbm>> -> memref<10000x64xf32, #tpu.memory_space<hbm>>
      tpu.enqueue_indirect_dma source(%dma_start3A_120 : memref<10000x64xf32, #tpu.memory_space<hbm>>) target(%dma_start3A_114 : memref<128x64xf32, #tpu.memory_space<vmem>>) offsets(%dma_start3A_117 : memref<128xi32, #tpu.memory_space<vmem>>) semaphore(%arg14 : memref<!tpu.dma_semaphore, #tpu.memory_space<semaphore_mem>>)
      %dma_start3A_121 = arith.constant 1 : i32
      %dma_start3A_122 = arith.constant 128 : i32
      %dma_start3A_123 = arith.constant 0 : i32
      %dma_start3A_124 = tpu.memref_slice %arg11[%dma_start3A_122, %dma_start3A_123] : memref<1024x64xf32, #tpu.memory_space<vmem>> -> memref<128x64xf32, #tpu.memory_space<vmem>>
      %dma_start3A_125 = arith.constant 0 : i32
      %dma_start3A_126 = tpu.memref_slice %arg9[%dma_start3A_121, %dma_start3A_125] : memref<8x128xi32, #tpu.memory_space<vmem>> -> memref<1x128xi32, #tpu.memory_space<vmem>>
      %dma_start3A_127 = tpu.memref_squeeze %dma_start3A_126 : memref<1x128xi32, #tpu.memory_space<vmem>> -> memref<128xi32, #tpu.memory_space<vmem>>
      %dma_start3A_128 = arith.constant 0 : i32
      %dma_start3A_129 = arith.constant 0 : i32
      %dma_start3A_130 = tpu.memref_slice %arg4[%dma_start3A_128, %dma_start3A_129] : memref<10000x64xf32, #tpu.memory_space<hbm>> -> memref<10000x64xf32, #tpu.memory_space<hbm>>
      tpu.enqueue_indirect_dma source(%dma_start3A_130 : memref<10000x64xf32, #tpu.memory_space<hbm>>) target(%dma_start3A_124 : memref<128x64xf32, #tpu.memory_space<vmem>>) offsets(%dma_start3A_127 : memref<128xi32, #tpu.memory_space<vmem>>) semaphore(%arg14 : memref<!tpu.dma_semaphore, #tpu.memory_space<semaphore_mem>>)
      %dma_start3A_131 = arith.constant 2 : i32
      %dma_start3A_132 = arith.constant 256 : i32
      %dma_start3A_133 = arith.constant 0 : i32
      %dma_start3A_134 = tpu.memref_slice %arg11[%dma_start3A_132, %dma_start3A_133] : memref<1024x64xf32, #tpu.memory_space<vmem>> -> memref<128x64xf32, #tpu.memory_space<vmem>>
      %dma_start3A_135 = arith.constant 0 : i32
      %dma_start3A_136 = tpu.memref_slice %arg9[%dma_start3A_131, %dma_start3A_135] : memref<8x128xi32, #tpu.memory_space<vmem>> -> memref<1x128xi32, #tpu.memory_space<vmem>>
      %dma_start3A_137 = tpu.memref_squeeze %dma_start3A_136 : memref<1x128xi32, #tpu.memory_space<vmem>> -> memref<128xi32, #tpu.memory_space<vmem>>
      %dma_start3A_138 = arith.constant 0 : i32
      %dma_start3A_139 = arith.constant 0 : i32
      %dma_start3A_140 = tpu.memref_slice %arg4[%dma_start3A_138, %dma_start3A_139] : memref<10000x64xf32, #tpu.memory_space<hbm>> -> memref<10000x64xf32, #tpu.memory_space<hbm>>
      tpu.enqueue_indirect_dma source(%dma_start3A_140 : memref<10000x64xf32, #tpu.memory_space<hbm>>) target(%dma_start3A_134 : memref<128x64xf32, #tpu.memory_space<vmem>>) offsets(%dma_start3A_137 : memref<128xi32, #tpu.memory_space<vmem>>) semaphore(%arg14 : memref<!tpu.dma_semaphore, #tpu.memory_space<semaphore_mem>>)
      %dma_start3A_141 = arith.constant 3 : i32
      %dma_start3A_142 = arith.constant 384 : i32
      %dma_start3A_143 = arith.constant 0 : i32
      %dma_start3A_144 = tpu.memref_slice %arg11[%dma_start3A_142, %dma_start3A_143] : memref<1024x64xf32, #tpu.memory_space<vmem>> -> memref<128x64xf32, #tpu.memory_space<vmem>>
      %dma_start3A_145 = arith.constant 0 : i32
      %dma_start3A_146 = tpu.memref_slice %arg9[%dma_start3A_141, %dma_start3A_145] : memref<8x128xi32, #tpu.memory_space<vmem>> -> memref<1x128xi32, #tpu.memory_space<vmem>>
      %dma_start3A_147 = tpu.memref_squeeze %dma_start3A_146 : memref<1x128xi32, #tpu.memory_space<vmem>> -> memref<128xi32, #tpu.memory_space<vmem>>
      %dma_start3A_148 = arith.constant 0 : i32
      %dma_start3A_149 = arith.constant 0 : i32
      %dma_start3A_150 = tpu.memref_slice %arg4[%dma_start3A_148, %dma_start3A_149] : memref<10000x64xf32, #tpu.memory_space<hbm>> -> memref<10000x64xf32, #tpu.memory_space<hbm>>
      tpu.enqueue_indirect_dma source(%dma_start3A_150 : memref<10000x64xf32, #tpu.memory_space<hbm>>) target(%dma_start3A_144 : memref<128x64xf32, #tpu.memory_space<vmem>>) offsets(%dma_start3A_147 : memref<128xi32, #tpu.memory_space<vmem>>) semaphore(%arg14 : memref<!tpu.dma_semaphore, #tpu.memory_space<semaphore_mem>>)
    } else {
    }
    %scan3A_37 = arith.constant 0 : i32
    %scan3A_38 = arith.constant 0 : i32
    %scan3A_39 = arith.constant 20 : i32
    %scan3A_40 = arith.addi %scan3A_38, %scan3A_39 : i32
    %scan3A_41 = arith.constant 1 : i32
    %scan3A_42 = scf.for %scan3A_112 = %scan3A_38 to %scan3A_40 step %scan3A_41 iter_args(%scan3A_113 = %scan3A_37) -> (i32)  : i32 {
      %mul3A_114 = arith.constant 2 : i32
      %mul3A_115 = arith.muli %scan3A_112, %mul3A_114 : i32
      %dma_wait3A = arith.constant 0 : i32
      %dma_wait3A_116 = arith.constant 0 : i32
      %dma_wait3A_117 = tpu.memref_slice %arg11[%dma_wait3A, %dma_wait3A_116] : memref<1024x64xf32, #tpu.memory_space<vmem>> -> memref<512x64xf32, #tpu.memory_space<vmem>>
      %dma_wait3A_118 = arith.constant 0 : i32
      %dma_wait3A_119 = arith.constant 0 : i32
      %dma_wait3A_120 = tpu.memref_slice %arg2[%dma_wait3A_118, %dma_wait3A_119] : memref<10000x64xf32, #tpu.memory_space<hbm>> -> memref<512x64xf32, #tpu.memory_space<hbm>>
      %dma_wait3A_121 = arith.constant 0 : i32
      %dma_wait3A_122 = arith.constant 0 : i32
      %dma_wait3A_123 = tpu.memref_slice %arg11[%dma_wait3A_121, %dma_wait3A_122] : memref<1024x64xf32, #tpu.memory_space<vmem>> -> memref<512x64xf32, #tpu.memory_space<vmem>>
      %dma_wait3A_124 = arith.constant 0 : i32
      %dma_wait3A_125 = arith.constant 0 : i32
      %dma_wait3A_126 = tpu.memref_slice %arg2[%dma_wait3A_124, %dma_wait3A_125] : memref<10000x64xf32, #tpu.memory_space<hbm>> -> memref<512x64xf32, #tpu.memory_space<hbm>>
      tpu.wait_dma2 semaphore(%arg14 : memref<!tpu.dma_semaphore, #tpu.memory_space<semaphore_mem>>) src(%dma_wait3A_126 : memref<512x64xf32, #tpu.memory_space<hbm>>) dst(%dma_wait3A_123 : memref<512x64xf32, #tpu.memory_space<vmem>>)
      %add3A_127 = arith.constant 1 : i32
      %add3A_128 = arith.addi %mul3A_115, %add3A_127 : i32
      %lt3A = arith.constant 40 : i32
      %lt3A_129 = arith.cmpi slt, %add3A_128, %lt3A : i32
      %convert_element_type3A_130 = arith.extui %lt3A_129 : i1 to i32
      %cond3A_131 = arith.constant 0 : i32
      %cond3A_132 = arith.cmpi ne, %convert_element_type3A_130, %cond3A_131 : i32
      scf.if %cond3A_132 {
        %add3A_160 = arith.constant 1 : i32
        %add3A_161 = arith.addi %mul3A_115, %add3A_160 : i32
        %mul3A_162 = arith.constant 4 : i32
        %mul3A_163 = arith.muli %add3A_161, %mul3A_162 : i32
        %add3A_164 = arith.addi %mul3A_6, %mul3A_163 : i32
        "tpu.region"() ({
          %run_scoped3A_178 = tpu.sem_alloc : memref<!tpu.dma_semaphore, #tpu.memory_space<semaphore_mem>>
          %dma_start3A = arith.constant 4 : i32
          %dma_start3A_179 = arith.constant 0 : i32
          %dma_start3A_180 = tpu.memref_slice %arg9[%dma_start3A, %dma_start3A_179] : memref<8x128xi32, #tpu.memory_space<vmem>> -> memref<4x128xi32, #tpu.memory_space<vmem>>
          %dma_start3A_181 = arith.constant 0 : i32
          %dma_start3A_182 = tpu.memref_slice %arg6[%add3A_164, %dma_start3A_181] : memref<2560x128xi32, #tpu.memory_space<hbm>> -> memref<4x128xi32, #tpu.memory_space<hbm>>
          %dma_start3A_183 = arith.constant 4 : i32
          %dma_start3A_184 = arith.constant 0 : i32
          %dma_start3A_185 = tpu.memref_slice %arg9[%dma_start3A_183, %dma_start3A_184] : memref<8x128xi32, #tpu.memory_space<vmem>> -> memref<4x128xi32, #tpu.memory_space<vmem>>
          %dma_start3A_186 = arith.constant 0 : i32
          %dma_start3A_187 = tpu.memref_slice %arg6[%add3A_164, %dma_start3A_186] : memref<2560x128xi32, #tpu.memory_space<hbm>> -> memref<4x128xi32, #tpu.memory_space<hbm>>
          tpu.enqueue_dma source(%dma_start3A_187 : memref<4x128xi32, #tpu.memory_space<hbm>>) target(%dma_start3A_185 : memref<4x128xi32, #tpu.memory_space<vmem>>) target_semaphore(%run_scoped3A_178 : memref<!tpu.dma_semaphore, #tpu.memory_space<semaphore_mem>>)
          %dma_wait3A_188 = arith.constant 4 : i32
          %dma_wait3A_189 = arith.constant 0 : i32
          %dma_wait3A_190 = tpu.memref_slice %arg9[%dma_wait3A_188, %dma_wait3A_189] : memref<8x128xi32, #tpu.memory_space<vmem>> -> memref<4x128xi32, #tpu.memory_space<vmem>>
          %dma_wait3A_191 = arith.constant 0 : i32
          %dma_wait3A_192 = tpu.memref_slice %arg6[%add3A_164, %dma_wait3A_191] : memref<2560x128xi32, #tpu.memory_space<hbm>> -> memref<4x128xi32, #tpu.memory_space<hbm>>
          %dma_wait3A_193 = arith.constant 4 : i32
          %dma_wait3A_194 = arith.constant 0 : i32
          %dma_wait3A_195 = tpu.memref_slice %arg9[%dma_wait3A_193, %dma_wait3A_194] : memref<8x128xi32, #tpu.memory_space<vmem>> -> memref<4x128xi32, #tpu.memory_space<vmem>>
          %dma_wait3A_196 = arith.constant 0 : i32
          %dma_wait3A_197 = tpu.memref_slice %arg6[%add3A_164, %dma_wait3A_196] : memref<2560x128xi32, #tpu.memory_space<hbm>> -> memref<4x128xi32, #tpu.memory_space<hbm>>
          tpu.wait_dma2 semaphore(%run_scoped3A_178 : memref<!tpu.dma_semaphore, #tpu.memory_space<semaphore_mem>>) src(%dma_wait3A_197 : memref<4x128xi32, #tpu.memory_space<hbm>>) dst(%dma_wait3A_195 : memref<4x128xi32, #tpu.memory_space<vmem>>)
          tpu.yield
        }) : () -> ()
        %mul3A_165 = arith.constant 4 : i32
        %mul3A_166 = arith.muli %add3A_161, %mul3A_165 : i32
        %add3A_167 = arith.addi %mul3A_6, %mul3A_166 : i32
        "tpu.region"() ({
          %run_scoped3A_178 = tpu.sem_alloc : memref<!tpu.dma_semaphore, #tpu.memory_space<semaphore_mem>>
          %dma_start3A = arith.constant 4 : i32
          %dma_start3A_179 = arith.constant 0 : i32
          %dma_start3A_180 = tpu.memref_slice %arg10[%dma_start3A, %dma_start3A_179] : memref<8x128xi32, #tpu.memory_space<vmem>> -> memref<4x128xi32, #tpu.memory_space<vmem>>
          %dma_start3A_181 = arith.constant 0 : i32
          %dma_start3A_182 = tpu.memref_slice %arg7[%add3A_167, %dma_start3A_181] : memref<2560x128xi32, #tpu.memory_space<hbm>> -> memref<4x128xi32, #tpu.memory_space<hbm>>
          %dma_start3A_183 = arith.constant 4 : i32
          %dma_start3A_184 = arith.constant 0 : i32
          %dma_start3A_185 = tpu.memref_slice %arg10[%dma_start3A_183, %dma_start3A_184] : memref<8x128xi32, #tpu.memory_space<vmem>> -> memref<4x128xi32, #tpu.memory_space<vmem>>
          %dma_start3A_186 = arith.constant 0 : i32
          %dma_start3A_187 = tpu.memref_slice %arg7[%add3A_167, %dma_start3A_186] : memref<2560x128xi32, #tpu.memory_space<hbm>> -> memref<4x128xi32, #tpu.memory_space<hbm>>
          tpu.enqueue_dma source(%dma_start3A_187 : memref<4x128xi32, #tpu.memory_space<hbm>>) target(%dma_start3A_185 : memref<4x128xi32, #tpu.memory_space<vmem>>) target_semaphore(%run_scoped3A_178 : memref<!tpu.dma_semaphore, #tpu.memory_space<semaphore_mem>>)
          %dma_wait3A_188 = arith.constant 4 : i32
          %dma_wait3A_189 = arith.constant 0 : i32
          %dma_wait3A_190 = tpu.memref_slice %arg10[%dma_wait3A_188, %dma_wait3A_189] : memref<8x128xi32, #tpu.memory_space<vmem>> -> memref<4x128xi32, #tpu.memory_space<vmem>>
          %dma_wait3A_191 = arith.constant 0 : i32
          %dma_wait3A_192 = tpu.memref_slice %arg7[%add3A_167, %dma_wait3A_191] : memref<2560x128xi32, #tpu.memory_space<hbm>> -> memref<4x128xi32, #tpu.memory_space<hbm>>
          %dma_wait3A_193 = arith.constant 4 : i32
          %dma_wait3A_194 = arith.constant 0 : i32
          %dma_wait3A_195 = tpu.memref_slice %arg10[%dma_wait3A_193, %dma_wait3A_194] : memref<8x128xi32, #tpu.memory_space<vmem>> -> memref<4x128xi32, #tpu.memory_space<vmem>>
          %dma_wait3A_196 = arith.constant 0 : i32
          %dma_wait3A_197 = tpu.memref_slice %arg7[%add3A_167, %dma_wait3A_196] : memref<2560x128xi32, #tpu.memory_space<hbm>> -> memref<4x128xi32, #tpu.memory_space<hbm>>
          tpu.wait_dma2 semaphore(%run_scoped3A_178 : memref<!tpu.dma_semaphore, #tpu.memory_space<semaphore_mem>>) src(%dma_wait3A_197 : memref<4x128xi32, #tpu.memory_space<hbm>>) dst(%dma_wait3A_195 : memref<4x128xi32, #tpu.memory_space<vmem>>)
          tpu.yield
        }) : () -> ()
        %eq3A_168 = arith.constant 0 : i32
        %eq3A_169 = arith.cmpi eq, %arg0, %eq3A_168 : i32
        %convert_element_type3A_170 = arith.extui %eq3A_169 : i1 to i32
        %cond3A_171 = arith.constant 0 : i32
        %cond3A_172 = arith.cmpi ne, %convert_element_type3A_170, %cond3A_171 : i32
        scf.if %cond3A_172 {
          %dma_start3A = arith.constant 4 : i32
          %dma_start3A_178 = arith.constant 512 : i32
          %dma_start3A_179 = arith.constant 0 : i32
          %dma_start3A_180 = tpu.memref_slice %arg11[%dma_start3A_178, %dma_start3A_179] : memref<1024x64xf32, #tpu.memory_space<vmem>> -> memref<128x64xf32, #tpu.memory_space<vmem>>
          %dma_start3A_181 = arith.constant 0 : i32
          %dma_start3A_182 = tpu.memref_slice %arg9[%dma_start3A, %dma_start3A_181] : memref<8x128xi32, #tpu.memory_space<vmem>> -> memref<1x128xi32, #tpu.memory_space<vmem>>
          %dma_start3A_183 = tpu.memref_squeeze %dma_start3A_182 : memref<1x128xi32, #tpu.memory_space<vmem>> -> memref<128xi32, #tpu.memory_space<vmem>>
          %dma_start3A_184 = arith.constant 0 : i32
          %dma_start3A_185 = arith.constant 0 : i32
          %dma_start3A_186 = tpu.memref_slice %arg2[%dma_start3A_184, %dma_start3A_185] : memref<10000x64xf32, #tpu.memory_space<hbm>> -> memref<10000x64xf32, #tpu.memory_space<hbm>>
          tpu.enqueue_indirect_dma source(%dma_start3A_186 : memref<10000x64xf32, #tpu.memory_space<hbm>>) target(%dma_start3A_180 : memref<128x64xf32, #tpu.memory_space<vmem>>) offsets(%dma_start3A_183 : memref<128xi32, #tpu.memory_space<vmem>>) semaphore(%arg14 : memref<!tpu.dma_semaphore, #tpu.memory_space<semaphore_mem>>)
          %dma_start3A_187 = arith.constant 5 : i32
          %dma_start3A_188 = arith.constant 640 : i32
          %dma_start3A_189 = arith.constant 0 : i32
          %dma_start3A_190 = tpu.memref_slice %arg11[%dma_start3A_188, %dma_start3A_189] : memref<1024x64xf32, #tpu.memory_space<vmem>> -> memref<128x64xf32, #tpu.memory_space<vmem>>
          %dma_start3A_191 = arith.constant 0 : i32
          %dma_start3A_192 = tpu.memref_slice %arg9[%dma_start3A_187, %dma_start3A_191] : memref<8x128xi32, #tpu.memory_space<vmem>> -> memref<1x128xi32, #tpu.memory_space<vmem>>
          %dma_start3A_193 = tpu.memref_squeeze %dma_start3A_192 : memref<1x128xi32, #tpu.memory_space<vmem>> -> memref<128xi32, #tpu.memory_space<vmem>>
          %dma_start3A_194 = arith.constant 0 : i32
          %dma_start3A_195 = arith.constant 0 : i32
          %dma_start3A_196 = tpu.memref_slice %arg2[%dma_start3A_194, %dma_start3A_195] : memref<10000x64xf32, #tpu.memory_space<hbm>> -> memref<10000x64xf32, #tpu.memory_space<hbm>>
          tpu.enqueue_indirect_dma source(%dma_start3A_196 : memref<10000x64xf32, #tpu.memory_space<hbm>>) target(%dma_start3A_190 : memref<128x64xf32, #tpu.memory_space<vmem>>) offsets(%dma_start3A_193 : memref<128xi32, #tpu.memory_space<vmem>>) semaphore(%arg14 : memref<!tpu.dma_semaphore, #tpu.memory_space<semaphore_mem>>)
          %dma_start3A_197 = arith.constant 6 : i32
          %dma_start3A_198 = arith.constant 768 : i32
          %dma_start3A_199 = arith.constant 0 : i32
          %dma_start3A_200 = tpu.memref_slice %arg11[%dma_start3A_198, %dma_start3A_199] : memref<1024x64xf32, #tpu.memory_space<vmem>> -> memref<128x64xf32, #tpu.memory_space<vmem>>
          %dma_start3A_201 = arith.constant 0 : i32
          %dma_start3A_202 = tpu.memref_slice %arg9[%dma_start3A_197, %dma_start3A_201] : memref<8x128xi32, #tpu.memory_space<vmem>> -> memref<1x128xi32, #tpu.memory_space<vmem>>
          %dma_start3A_203 = tpu.memref_squeeze %dma_start3A_202 : memref<1x128xi32, #tpu.memory_space<vmem>> -> memref<128xi32, #tpu.memory_space<vmem>>
          %dma_start3A_204 = arith.constant 0 : i32
          %dma_start3A_205 = arith.constant 0 : i32
          %dma_start3A_206 = tpu.memref_slice %arg2[%dma_start3A_204, %dma_start3A_205] : memref<10000x64xf32, #tpu.memory_space<hbm>> -> memref<10000x64xf32, #tpu.memory_space<hbm>>
          tpu.enqueue_indirect_dma source(%dma_start3A_206 : memref<10000x64xf32, #tpu.memory_space<hbm>>) target(%dma_start3A_200 : memref<128x64xf32, #tpu.memory_space<vmem>>) offsets(%dma_start3A_203 : memref<128xi32, #tpu.memory_space<vmem>>) semaphore(%arg14 : memref<!tpu.dma_semaphore, #tpu.memory_space<semaphore_mem>>)
          %dma_start3A_207 = arith.constant 7 : i32
          %dma_start3A_208 = arith.constant 896 : i32
          %dma_start3A_209 = arith.constant 0 : i32
          %dma_start3A_210 = tpu.memref_slice %arg11[%dma_start3A_208, %dma_start3A_209] : memref<1024x64xf32, #tpu.memory_space<vmem>> -> memref<128x64xf32, #tpu.memory_space<vmem>>
          %dma_start3A_211 = arith.constant 0 : i32
          %dma_start3A_212 = tpu.memref_slice %arg9[%dma_start3A_207, %dma_start3A_211] : memref<8x128xi32, #tpu.memory_space<vmem>> -> memref<1x128xi32, #tpu.memory_space<vmem>>
          %dma_start3A_213 = tpu.memref_squeeze %dma_start3A_212 : memref<1x128xi32, #tpu.memory_space<vmem>> -> memref<128xi32, #tpu.memory_space<vmem>>
          %dma_start3A_214 = arith.constant 0 : i32
          %dma_start3A_215 = arith.constant 0 : i32
          %dma_start3A_216 = tpu.memref_slice %arg2[%dma_start3A_214, %dma_start3A_215] : memref<10000x64xf32, #tpu.memory_space<hbm>> -> memref<10000x64xf32, #tpu.memory_space<hbm>>
          tpu.enqueue_indirect_dma source(%dma_start3A_216 : memref<10000x64xf32, #tpu.memory_space<hbm>>) target(%dma_start3A_210 : memref<128x64xf32, #tpu.memory_space<vmem>>) offsets(%dma_start3A_213 : memref<128xi32, #tpu.memory_space<vmem>>) semaphore(%arg14 : memref<!tpu.dma_semaphore, #tpu.memory_space<semaphore_mem>>)
        } else {
        }
        %eq3A_173 = arith.constant 1 : i32
        %eq3A_174 = arith.cmpi eq, %arg0, %eq3A_173 : i32
        %convert_element_type3A_175 = arith.extui %eq3A_174 : i1 to i32
        %cond3A_176 = arith.constant 0 : i32
        %cond3A_177 = arith.cmpi ne, %convert_element_type3A_175, %cond3A_176 : i32
        scf.if %cond3A_177 {
          %dma_start3A = arith.constant 4 : i32
          %dma_start3A_178 = arith.constant 512 : i32
          %dma_start3A_179 = arith.constant 0 : i32
          %dma_start3A_180 = tpu.memref_slice %arg11[%dma_start3A_178, %dma_start3A_179] : memref<1024x64xf32, #tpu.memory_space<vmem>> -> memref<128x64xf32, #tpu.memory_space<vmem>>
          %dma_start3A_181 = arith.constant 0 : i32
          %dma_start3A_182 = tpu.memref_slice %arg9[%dma_start3A, %dma_start3A_181] : memref<8x128xi32, #tpu.memory_space<vmem>> -> memref<1x128xi32, #tpu.memory_space<vmem>>
          %dma_start3A_183 = tpu.memref_squeeze %dma_start3A_182 : memref<1x128xi32, #tpu.memory_space<vmem>> -> memref<128xi32, #tpu.memory_space<vmem>>
          %dma_start3A_184 = arith.constant 0 : i32
          %dma_start3A_185 = arith.constant 0 : i32
          %dma_start3A_186 = tpu.memref_slice %arg4[%dma_start3A_184, %dma_start3A_185] : memref<10000x64xf32, #tpu.memory_space<hbm>> -> memref<10000x64xf32, #tpu.memory_space<hbm>>
          tpu.enqueue_indirect_dma source(%dma_start3A_186 : memref<10000x64xf32, #tpu.memory_space<hbm>>) target(%dma_start3A_180 : memref<128x64xf32, #tpu.memory_space<vmem>>) offsets(%dma_start3A_183 : memref<128xi32, #tpu.memory_space<vmem>>) semaphore(%arg14 : memref<!tpu.dma_semaphore, #tpu.memory_space<semaphore_mem>>)
          %dma_start3A_187 = arith.constant 5 : i32
          %dma_start3A_188 = arith.constant 640 : i32
          %dma_start3A_189 = arith.constant 0 : i32
          %dma_start3A_190 = tpu.memref_slice %arg11[%dma_start3A_188, %dma_start3A_189] : memref<1024x64xf32, #tpu.memory_space<vmem>> -> memref<128x64xf32, #tpu.memory_space<vmem>>
          %dma_start3A_191 = arith.constant 0 : i32
          %dma_start3A_192 = tpu.memref_slice %arg9[%dma_start3A_187, %dma_start3A_191] : memref<8x128xi32, #tpu.memory_space<vmem>> -> memref<1x128xi32, #tpu.memory_space<vmem>>
          %dma_start3A_193 = tpu.memref_squeeze %dma_start3A_192 : memref<1x128xi32, #tpu.memory_space<vmem>> -> memref<128xi32, #tpu.memory_space<vmem>>
          %dma_start3A_194 = arith.constant 0 : i32
          %dma_start3A_195 = arith.constant 0 : i32
          %dma_start3A_196 = tpu.memref_slice %arg4[%dma_start3A_194, %dma_start3A_195] : memref<10000x64xf32, #tpu.memory_space<hbm>> -> memref<10000x64xf32, #tpu.memory_space<hbm>>
          tpu.enqueue_indirect_dma source(%dma_start3A_196 : memref<10000x64xf32, #tpu.memory_space<hbm>>) target(%dma_start3A_190 : memref<128x64xf32, #tpu.memory_space<vmem>>) offsets(%dma_start3A_193 : memref<128xi32, #tpu.memory_space<vmem>>) semaphore(%arg14 : memref<!tpu.dma_semaphore, #tpu.memory_space<semaphore_mem>>)
          %dma_start3A_197 = arith.constant 6 : i32
          %dma_start3A_198 = arith.constant 768 : i32
          %dma_start3A_199 = arith.constant 0 : i32
          %dma_start3A_200 = tpu.memref_slice %arg11[%dma_start3A_198, %dma_start3A_199] : memref<1024x64xf32, #tpu.memory_space<vmem>> -> memref<128x64xf32, #tpu.memory_space<vmem>>
          %dma_start3A_201 = arith.constant 0 : i32
          %dma_start3A_202 = tpu.memref_slice %arg9[%dma_start3A_197, %dma_start3A_201] : memref<8x128xi32, #tpu.memory_space<vmem>> -> memref<1x128xi32, #tpu.memory_space<vmem>>
          %dma_start3A_203 = tpu.memref_squeeze %dma_start3A_202 : memref<1x128xi32, #tpu.memory_space<vmem>> -> memref<128xi32, #tpu.memory_space<vmem>>
          %dma_start3A_204 = arith.constant 0 : i32
          %dma_start3A_205 = arith.constant 0 : i32
          %dma_start3A_206 = tpu.memref_slice %arg4[%dma_start3A_204, %dma_start3A_205] : memref<10000x64xf32, #tpu.memory_space<hbm>> -> memref<10000x64xf32, #tpu.memory_space<hbm>>
          tpu.enqueue_indirect_dma source(%dma_start3A_206 : memref<10000x64xf32, #tpu.memory_space<hbm>>) target(%dma_start3A_200 : memref<128x64xf32, #tpu.memory_space<vmem>>) offsets(%dma_start3A_203 : memref<128xi32, #tpu.memory_space<vmem>>) semaphore(%arg14 : memref<!tpu.dma_semaphore, #tpu.memory_space<semaphore_mem>>)
          %dma_start3A_207 = arith.constant 7 : i32
          %dma_start3A_208 = arith.constant 896 : i32
          %dma_start3A_209 = arith.constant 0 : i32
          %dma_start3A_210 = tpu.memref_slice %arg11[%dma_start3A_208, %dma_start3A_209] : memref<1024x64xf32, #tpu.memory_space<vmem>> -> memref<128x64xf32, #tpu.memory_space<vmem>>
          %dma_start3A_211 = arith.constant 0 : i32
          %dma_start3A_212 = tpu.memref_slice %arg9[%dma_start3A_207, %dma_start3A_211] : memref<8x128xi32, #tpu.memory_space<vmem>> -> memref<1x128xi32, #tpu.memory_space<vmem>>
          %dma_start3A_213 = tpu.memref_squeeze %dma_start3A_212 : memref<1x128xi32, #tpu.memory_space<vmem>> -> memref<128xi32, #tpu.memory_space<vmem>>
          %dma_start3A_214 = arith.constant 0 : i32
          %dma_start3A_215 = arith.constant 0 : i32
          %dma_start3A_216 = tpu.memref_slice %arg4[%dma_start3A_214, %dma_start3A_215] : memref<10000x64xf32, #tpu.memory_space<hbm>> -> memref<10000x64xf32, #tpu.memory_space<hbm>>
          tpu.enqueue_indirect_dma source(%dma_start3A_216 : memref<10000x64xf32, #tpu.memory_space<hbm>>) target(%dma_start3A_210 : memref<128x64xf32, #tpu.memory_space<vmem>>) offsets(%dma_start3A_213 : memref<128xi32, #tpu.memory_space<vmem>>) semaphore(%arg14 : memref<!tpu.dma_semaphore, #tpu.memory_space<semaphore_mem>>)
        } else {
        }
      } else {
      }
      %run_scoped3A = arith.constant 0 : i32
      "tpu.region"() ({
        %run_scoped3A_160 = tpu.sem_alloc : memref<!tpu.dma_semaphore, #tpu.memory_space<semaphore_mem>>
        %dma_start3A = arith.constant 0 : i32
        %dma_start3A_161 = arith.constant 0 : i32
        %dma_start3A_162 = tpu.memref_slice %arg11[%dma_start3A, %dma_start3A_161] : memref<1024x64xf32, #tpu.memory_space<vmem>> -> memref<128x64xf32, #tpu.memory_space<vmem>>
        %dma_start3A_163 = arith.constant 0 : i32
        %dma_start3A_164 = tpu.memref_slice %arg10[%run_scoped3A, %dma_start3A_163] : memref<8x128xi32, #tpu.memory_space<vmem>> -> memref<1x128xi32, #tpu.memory_space<vmem>>
        %dma_start3A_165 = tpu.memref_squeeze %dma_start3A_164 : memref<1x128xi32, #tpu.memory_space<vmem>> -> memref<128xi32, #tpu.memory_space<vmem>>
        %dma_start3A_166 = arith.constant 0 : i32
        %dma_start3A_167 = arith.constant 0 : i32
        %dma_start3A_168 = tpu.memref_slice %arg13[%dma_start3A_166, %dma_start3A_167] : memref<10240x64xf32, #tpu.memory_space<vmem_shared>> -> memref<10240x64xf32, #tpu.memory_space<vmem_shared>>
        tpu.enqueue_indirect_dma source(%dma_start3A_162 : memref<128x64xf32, #tpu.memory_space<vmem>>) target(%dma_start3A_168 : memref<10240x64xf32, #tpu.memory_space<vmem_shared>>) offsets(%dma_start3A_165 : memref<128xi32, #tpu.memory_space<vmem>>) semaphore(%run_scoped3A_160 : memref<!tpu.dma_semaphore, #tpu.memory_space<semaphore_mem>>) {add = true}
        %dma_wait3A_169 = arith.constant 0 : i32
        %dma_wait3A_170 = arith.constant 0 : i32
        %dma_wait3A_171 = tpu.memref_slice %arg11[%dma_wait3A_169, %dma_wait3A_170] : memref<1024x64xf32, #tpu.memory_space<vmem>> -> memref<128x64xf32, #tpu.memory_space<vmem>>
        %dma_wait3A_172 = arith.constant 0 : i32
        %dma_wait3A_173 = tpu.memref_slice %arg10[%run_scoped3A, %dma_wait3A_172] : memref<8x128xi32, #tpu.memory_space<vmem>> -> memref<1x128xi32, #tpu.memory_space<vmem>>
        %dma_wait3A_174 = tpu.memref_squeeze %dma_wait3A_173 : memref<1x128xi32, #tpu.memory_space<vmem>> -> memref<128xi32, #tpu.memory_space<vmem>>
        %dma_wait3A_175 = arith.constant 0 : i32
        %dma_wait3A_176 = arith.constant 0 : i32
        %dma_wait3A_177 = tpu.memref_slice %arg13[%dma_wait3A_175, %dma_wait3A_176] : memref<10240x64xf32, #tpu.memory_space<vmem_shared>> -> memref<10240x64xf32, #tpu.memory_space<vmem_shared>>
        tpu.wait_indirect_dma semaphore(%run_scoped3A_160 : memref<!tpu.dma_semaphore, #tpu.memory_space<semaphore_mem>>) src(%dma_wait3A_171 : memref<128x64xf32, #tpu.memory_space<vmem>>) dst(%dma_wait3A_177 : memref<10240x64xf32, #tpu.memory_space<vmem_shared>>)
        tpu.yield
      }) : () -> ()
      %run_scoped3A_133 = arith.constant 1 : i32
      "tpu.region"() ({
        %run_scoped3A_160 = tpu.sem_alloc : memref<!tpu.dma_semaphore, #tpu.memory_space<semaphore_mem>>
        %dma_start3A = arith.constant 128 : i32
        %dma_start3A_161 = arith.constant 0 : i32
        %dma_start3A_162 = tpu.memref_slice %arg11[%dma_start3A, %dma_start3A_161] : memref<1024x64xf32, #tpu.memory_space<vmem>> -> memref<128x64xf32, #tpu.memory_space<vmem>>
        %dma_start3A_163 = arith.constant 0 : i32
        %dma_start3A_164 = tpu.memref_slice %arg10[%run_scoped3A_133, %dma_start3A_163] : memref<8x128xi32, #tpu.memory_space<vmem>> -> memref<1x128xi32, #tpu.memory_space<vmem>>
        %dma_start3A_165 = tpu.memref_squeeze %dma_start3A_164 : memref<1x128xi32, #tpu.memory_space<vmem>> -> memref<128xi32, #tpu.memory_space<vmem>>
        %dma_start3A_166 = arith.constant 0 : i32
        %dma_start3A_167 = arith.constant 0 : i32
        %dma_start3A_168 = tpu.memref_slice %arg13[%dma_start3A_166, %dma_start3A_167] : memref<10240x64xf32, #tpu.memory_space<vmem_shared>> -> memref<10240x64xf32, #tpu.memory_space<vmem_shared>>
        tpu.enqueue_indirect_dma source(%dma_start3A_162 : memref<128x64xf32, #tpu.memory_space<vmem>>) target(%dma_start3A_168 : memref<10240x64xf32, #tpu.memory_space<vmem_shared>>) offsets(%dma_start3A_165 : memref<128xi32, #tpu.memory_space<vmem>>) semaphore(%run_scoped3A_160 : memref<!tpu.dma_semaphore, #tpu.memory_space<semaphore_mem>>) {add = true}
        %dma_wait3A_169 = arith.constant 128 : i32
        %dma_wait3A_170 = arith.constant 0 : i32
        %dma_wait3A_171 = tpu.memref_slice %arg11[%dma_wait3A_169, %dma_wait3A_170] : memref<1024x64xf32, #tpu.memory_space<vmem>> -> memref<128x64xf32, #tpu.memory_space<vmem>>
        %dma_wait3A_172 = arith.constant 0 : i32
        %dma_wait3A_173 = tpu.memref_slice %arg10[%run_scoped3A_133, %dma_wait3A_172] : memref<8x128xi32, #tpu.memory_space<vmem>> -> memref<1x128xi32, #tpu.memory_space<vmem>>
        %dma_wait3A_174 = tpu.memref_squeeze %dma_wait3A_173 : memref<1x128xi32, #tpu.memory_space<vmem>> -> memref<128xi32, #tpu.memory_space<vmem>>
        %dma_wait3A_175 = arith.constant 0 : i32
        %dma_wait3A_176 = arith.constant 0 : i32
        %dma_wait3A_177 = tpu.memref_slice %arg13[%dma_wait3A_175, %dma_wait3A_176] : memref<10240x64xf32, #tpu.memory_space<vmem_shared>> -> memref<10240x64xf32, #tpu.memory_space<vmem_shared>>
        tpu.wait_indirect_dma semaphore(%run_scoped3A_160 : memref<!tpu.dma_semaphore, #tpu.memory_space<semaphore_mem>>) src(%dma_wait3A_171 : memref<128x64xf32, #tpu.memory_space<vmem>>) dst(%dma_wait3A_177 : memref<10240x64xf32, #tpu.memory_space<vmem_shared>>)
        tpu.yield
      }) : () -> ()
      %run_scoped3A_134 = arith.constant 2 : i32
      "tpu.region"() ({
        %run_scoped3A_160 = tpu.sem_alloc : memref<!tpu.dma_semaphore, #tpu.memory_space<semaphore_mem>>
        %dma_start3A = arith.constant 256 : i32
        %dma_start3A_161 = arith.constant 0 : i32
        %dma_start3A_162 = tpu.memref_slice %arg11[%dma_start3A, %dma_start3A_161] : memref<1024x64xf32, #tpu.memory_space<vmem>> -> memref<128x64xf32, #tpu.memory_space<vmem>>
        %dma_start3A_163 = arith.constant 0 : i32
        %dma_start3A_164 = tpu.memref_slice %arg10[%run_scoped3A_134, %dma_start3A_163] : memref<8x128xi32, #tpu.memory_space<vmem>> -> memref<1x128xi32, #tpu.memory_space<vmem>>
        %dma_start3A_165 = tpu.memref_squeeze %dma_start3A_164 : memref<1x128xi32, #tpu.memory_space<vmem>> -> memref<128xi32, #tpu.memory_space<vmem>>
        %dma_start3A_166 = arith.constant 0 : i32
        %dma_start3A_167 = arith.constant 0 : i32
        %dma_start3A_168 = tpu.memref_slice %arg13[%dma_start3A_166, %dma_start3A_167] : memref<10240x64xf32, #tpu.memory_space<vmem_shared>> -> memref<10240x64xf32, #tpu.memory_space<vmem_shared>>
        tpu.enqueue_indirect_dma source(%dma_start3A_162 : memref<128x64xf32, #tpu.memory_space<vmem>>) target(%dma_start3A_168 : memref<10240x64xf32, #tpu.memory_space<vmem_shared>>) offsets(%dma_start3A_165 : memref<128xi32, #tpu.memory_space<vmem>>) semaphore(%run_scoped3A_160 : memref<!tpu.dma_semaphore, #tpu.memory_space<semaphore_mem>>) {add = true}
        %dma_wait3A_169 = arith.constant 256 : i32
        %dma_wait3A_170 = arith.constant 0 : i32
        %dma_wait3A_171 = tpu.memref_slice %arg11[%dma_wait3A_169, %dma_wait3A_170] : memref<1024x64xf32, #tpu.memory_space<vmem>> -> memref<128x64xf32, #tpu.memory_space<vmem>>
        %dma_wait3A_172 = arith.constant 0 : i32
        %dma_wait3A_173 = tpu.memref_slice %arg10[%run_scoped3A_134, %dma_wait3A_172] : memref<8x128xi32, #tpu.memory_space<vmem>> -> memref<1x128xi32, #tpu.memory_space<vmem>>
        %dma_wait3A_174 = tpu.memref_squeeze %dma_wait3A_173 : memref<1x128xi32, #tpu.memory_space<vmem>> -> memref<128xi32, #tpu.memory_space<vmem>>
        %dma_wait3A_175 = arith.constant 0 : i32
        %dma_wait3A_176 = arith.constant 0 : i32
        %dma_wait3A_177 = tpu.memref_slice %arg13[%dma_wait3A_175, %dma_wait3A_176] : memref<10240x64xf32, #tpu.memory_space<vmem_shared>> -> memref<10240x64xf32, #tpu.memory_space<vmem_shared>>
        tpu.wait_indirect_dma semaphore(%run_scoped3A_160 : memref<!tpu.dma_semaphore, #tpu.memory_space<semaphore_mem>>) src(%dma_wait3A_171 : memref<128x64xf32, #tpu.memory_space<vmem>>) dst(%dma_wait3A_177 : memref<10240x64xf32, #tpu.memory_space<vmem_shared>>)
        tpu.yield
      }) : () -> ()
      %run_scoped3A_135 = arith.constant 3 : i32
      "tpu.region"() ({
        %run_scoped3A_160 = tpu.sem_alloc : memref<!tpu.dma_semaphore, #tpu.memory_space<semaphore_mem>>
        %dma_start3A = arith.constant 384 : i32
        %dma_start3A_161 = arith.constant 0 : i32
        %dma_start3A_162 = tpu.memref_slice %arg11[%dma_start3A, %dma_start3A_161] : memref<1024x64xf32, #tpu.memory_space<vmem>> -> memref<128x64xf32, #tpu.memory_space<vmem>>
        %dma_start3A_163 = arith.constant 0 : i32
        %dma_start3A_164 = tpu.memref_slice %arg10[%run_scoped3A_135, %dma_start3A_163] : memref<8x128xi32, #tpu.memory_space<vmem>> -> memref<1x128xi32, #tpu.memory_space<vmem>>
        %dma_start3A_165 = tpu.memref_squeeze %dma_start3A_164 : memref<1x128xi32, #tpu.memory_space<vmem>> -> memref<128xi32, #tpu.memory_space<vmem>>
        %dma_start3A_166 = arith.constant 0 : i32
        %dma_start3A_167 = arith.constant 0 : i32
        %dma_start3A_168 = tpu.memref_slice %arg13[%dma_start3A_166, %dma_start3A_167] : memref<10240x64xf32, #tpu.memory_space<vmem_shared>> -> memref<10240x64xf32, #tpu.memory_space<vmem_shared>>
        tpu.enqueue_indirect_dma source(%dma_start3A_162 : memref<128x64xf32, #tpu.memory_space<vmem>>) target(%dma_start3A_168 : memref<10240x64xf32, #tpu.memory_space<vmem_shared>>) offsets(%dma_start3A_165 : memref<128xi32, #tpu.memory_space<vmem>>) semaphore(%run_scoped3A_160 : memref<!tpu.dma_semaphore, #tpu.memory_space<semaphore_mem>>) {add = true}
        %dma_wait3A_169 = arith.constant 384 : i32
        %dma_wait3A_170 = arith.constant 0 : i32
        %dma_wait3A_171 = tpu.memref_slice %arg11[%dma_wait3A_169, %dma_wait3A_170] : memref<1024x64xf32, #tpu.memory_space<vmem>> -> memref<128x64xf32, #tpu.memory_space<vmem>>
        %dma_wait3A_172 = arith.constant 0 : i32
        %dma_wait3A_173 = tpu.memref_slice %arg10[%run_scoped3A_135, %dma_wait3A_172] : memref<8x128xi32, #tpu.memory_space<vmem>> -> memref<1x128xi32, #tpu.memory_space<vmem>>
        %dma_wait3A_174 = tpu.memref_squeeze %dma_wait3A_173 : memref<1x128xi32, #tpu.memory_space<vmem>> -> memref<128xi32, #tpu.memory_space<vmem>>
        %dma_wait3A_175 = arith.constant 0 : i32
        %dma_wait3A_176 = arith.constant 0 : i32
        %dma_wait3A_177 = tpu.memref_slice %arg13[%dma_wait3A_175, %dma_wait3A_176] : memref<10240x64xf32, #tpu.memory_space<vmem_shared>> -> memref<10240x64xf32, #tpu.memory_space<vmem_shared>>
        tpu.wait_indirect_dma semaphore(%run_scoped3A_160 : memref<!tpu.dma_semaphore, #tpu.memory_space<semaphore_mem>>) src(%dma_wait3A_171 : memref<128x64xf32, #tpu.memory_space<vmem>>) dst(%dma_wait3A_177 : memref<10240x64xf32, #tpu.memory_space<vmem_shared>>)
        tpu.yield
      }) : () -> ()
      %dma_wait3A_136 = arith.constant 512 : i32
      %dma_wait3A_137 = arith.constant 0 : i32
      %dma_wait3A_138 = tpu.memref_slice %arg11[%dma_wait3A_136, %dma_wait3A_137] : memref<1024x64xf32, #tpu.memory_space<vmem>> -> memref<512x64xf32, #tpu.memory_space<vmem>>
      %dma_wait3A_139 = arith.constant 0 : i32
      %dma_wait3A_140 = arith.constant 0 : i32
      %dma_wait3A_141 = tpu.memref_slice %arg2[%dma_wait3A_139, %dma_wait3A_140] : memref<10000x64xf32, #tpu.memory_space<hbm>> -> memref<512x64xf32, #tpu.memory_space<hbm>>
      %dma_wait3A_142 = arith.constant 512 : i32
      %dma_wait3A_143 = arith.constant 0 : i32
      %dma_wait3A_144 = tpu.memref_slice %arg11[%dma_wait3A_142, %dma_wait3A_143] : memref<1024x64xf32, #tpu.memory_space<vmem>> -> memref<512x64xf32, #tpu.memory_space<vmem>>
      %dma_wait3A_145 = arith.constant 0 : i32
      %dma_wait3A_146 = arith.constant 0 : i32
      %dma_wait3A_147 = tpu.memref_slice %arg2[%dma_wait3A_145, %dma_wait3A_146] : memref<10000x64xf32, #tpu.memory_space<hbm>> -> memref<512x64xf32, #tpu.memory_space<hbm>>
      tpu.wait_dma2 semaphore(%arg14 : memref<!tpu.dma_semaphore, #tpu.memory_space<semaphore_mem>>) src(%dma_wait3A_147 : memref<512x64xf32, #tpu.memory_space<hbm>>) dst(%dma_wait3A_144 : memref<512x64xf32, #tpu.memory_space<vmem>>)
      %add3A_148 = arith.constant 2 : i32
      %add3A_149 = arith.addi %mul3A_115, %add3A_148 : i32
      %lt3A_150 = arith.constant 40 : i32
      %lt3A_151 = arith.cmpi slt, %add3A_149, %lt3A_150 : i32
      %convert_element_type3A_152 = arith.extui %lt3A_151 : i1 to i32
      %cond3A_153 = arith.constant 0 : i32
      %cond3A_154 = arith.cmpi ne, %convert_element_type3A_152, %cond3A_153 : i32
      scf.if %cond3A_154 {
        %add3A_160 = arith.constant 2 : i32
        %add3A_161 = arith.addi %mul3A_115, %add3A_160 : i32
        %mul3A_162 = arith.constant 4 : i32
        %mul3A_163 = arith.muli %add3A_161, %mul3A_162 : i32
        %add3A_164 = arith.addi %mul3A_6, %mul3A_163 : i32
        "tpu.region"() ({
          %run_scoped3A_178 = tpu.sem_alloc : memref<!tpu.dma_semaphore, #tpu.memory_space<semaphore_mem>>
          %dma_start3A = arith.constant 0 : i32
          %dma_start3A_179 = arith.constant 0 : i32
          %dma_start3A_180 = tpu.memref_slice %arg9[%dma_start3A, %dma_start3A_179] : memref<8x128xi32, #tpu.memory_space<vmem>> -> memref<4x128xi32, #tpu.memory_space<vmem>>
          %dma_start3A_181 = arith.constant 0 : i32
          %dma_start3A_182 = tpu.memref_slice %arg6[%add3A_164, %dma_start3A_181] : memref<2560x128xi32, #tpu.memory_space<hbm>> -> memref<4x128xi32, #tpu.memory_space<hbm>>
          %dma_start3A_183 = arith.constant 0 : i32
          %dma_start3A_184 = arith.constant 0 : i32
          %dma_start3A_185 = tpu.memref_slice %arg9[%dma_start3A_183, %dma_start3A_184] : memref<8x128xi32, #tpu.memory_space<vmem>> -> memref<4x128xi32, #tpu.memory_space<vmem>>
          %dma_start3A_186 = arith.constant 0 : i32
          %dma_start3A_187 = tpu.memref_slice %arg6[%add3A_164, %dma_start3A_186] : memref<2560x128xi32, #tpu.memory_space<hbm>> -> memref<4x128xi32, #tpu.memory_space<hbm>>
          tpu.enqueue_dma source(%dma_start3A_187 : memref<4x128xi32, #tpu.memory_space<hbm>>) target(%dma_start3A_185 : memref<4x128xi32, #tpu.memory_space<vmem>>) target_semaphore(%run_scoped3A_178 : memref<!tpu.dma_semaphore, #tpu.memory_space<semaphore_mem>>)
          %dma_wait3A_188 = arith.constant 0 : i32
          %dma_wait3A_189 = arith.constant 0 : i32
          %dma_wait3A_190 = tpu.memref_slice %arg9[%dma_wait3A_188, %dma_wait3A_189] : memref<8x128xi32, #tpu.memory_space<vmem>> -> memref<4x128xi32, #tpu.memory_space<vmem>>
          %dma_wait3A_191 = arith.constant 0 : i32
          %dma_wait3A_192 = tpu.memref_slice %arg6[%add3A_164, %dma_wait3A_191] : memref<2560x128xi32, #tpu.memory_space<hbm>> -> memref<4x128xi32, #tpu.memory_space<hbm>>
          %dma_wait3A_193 = arith.constant 0 : i32
          %dma_wait3A_194 = arith.constant 0 : i32
          %dma_wait3A_195 = tpu.memref_slice %arg9[%dma_wait3A_193, %dma_wait3A_194] : memref<8x128xi32, #tpu.memory_space<vmem>> -> memref<4x128xi32, #tpu.memory_space<vmem>>
          %dma_wait3A_196 = arith.constant 0 : i32
          %dma_wait3A_197 = tpu.memref_slice %arg6[%add3A_164, %dma_wait3A_196] : memref<2560x128xi32, #tpu.memory_space<hbm>> -> memref<4x128xi32, #tpu.memory_space<hbm>>
          tpu.wait_dma2 semaphore(%run_scoped3A_178 : memref<!tpu.dma_semaphore, #tpu.memory_space<semaphore_mem>>) src(%dma_wait3A_197 : memref<4x128xi32, #tpu.memory_space<hbm>>) dst(%dma_wait3A_195 : memref<4x128xi32, #tpu.memory_space<vmem>>)
          tpu.yield
        }) : () -> ()
        %mul3A_165 = arith.constant 4 : i32
        %mul3A_166 = arith.muli %add3A_161, %mul3A_165 : i32
        %add3A_167 = arith.addi %mul3A_6, %mul3A_166 : i32
        "tpu.region"() ({
          %run_scoped3A_178 = tpu.sem_alloc : memref<!tpu.dma_semaphore, #tpu.memory_space<semaphore_mem>>
          %dma_start3A = arith.constant 0 : i32
          %dma_start3A_179 = arith.constant 0 : i32
          %dma_start3A_180 = tpu.memref_slice %arg10[%dma_start3A, %dma_start3A_179] : memref<8x128xi32, #tpu.memory_space<vmem>> -> memref<4x128xi32, #tpu.memory_space<vmem>>
          %dma_start3A_181 = arith.constant 0 : i32
          %dma_start3A_182 = tpu.memref_slice %arg7[%add3A_167, %dma_start3A_181] : memref<2560x128xi32, #tpu.memory_space<hbm>> -> memref<4x128xi32, #tpu.memory_space<hbm>>
          %dma_start3A_183 = arith.constant 0 : i32
          %dma_start3A_184 = arith.constant 0 : i32
          %dma_start3A_185 = tpu.memref_slice %arg10[%dma_start3A_183, %dma_start3A_184] : memref<8x128xi32, #tpu.memory_space<vmem>> -> memref<4x128xi32, #tpu.memory_space<vmem>>
          %dma_start3A_186 = arith.constant 0 : i32
          %dma_start3A_187 = tpu.memref_slice %arg7[%add3A_167, %dma_start3A_186] : memref<2560x128xi32, #tpu.memory_space<hbm>> -> memref<4x128xi32, #tpu.memory_space<hbm>>
          tpu.enqueue_dma source(%dma_start3A_187 : memref<4x128xi32, #tpu.memory_space<hbm>>) target(%dma_start3A_185 : memref<4x128xi32, #tpu.memory_space<vmem>>) target_semaphore(%run_scoped3A_178 : memref<!tpu.dma_semaphore, #tpu.memory_space<semaphore_mem>>)
          %dma_wait3A_188 = arith.constant 0 : i32
          %dma_wait3A_189 = arith.constant 0 : i32
          %dma_wait3A_190 = tpu.memref_slice %arg10[%dma_wait3A_188, %dma_wait3A_189] : memref<8x128xi32, #tpu.memory_space<vmem>> -> memref<4x128xi32, #tpu.memory_space<vmem>>
          %dma_wait3A_191 = arith.constant 0 : i32
          %dma_wait3A_192 = tpu.memref_slice %arg7[%add3A_167, %dma_wait3A_191] : memref<2560x128xi32, #tpu.memory_space<hbm>> -> memref<4x128xi32, #tpu.memory_space<hbm>>
          %dma_wait3A_193 = arith.constant 0 : i32
          %dma_wait3A_194 = arith.constant 0 : i32
          %dma_wait3A_195 = tpu.memref_slice %arg10[%dma_wait3A_193, %dma_wait3A_194] : memref<8x128xi32, #tpu.memory_space<vmem>> -> memref<4x128xi32, #tpu.memory_space<vmem>>
          %dma_wait3A_196 = arith.constant 0 : i32
          %dma_wait3A_197 = tpu.memref_slice %arg7[%add3A_167, %dma_wait3A_196] : memref<2560x128xi32, #tpu.memory_space<hbm>> -> memref<4x128xi32, #tpu.memory_space<hbm>>
          tpu.wait_dma2 semaphore(%run_scoped3A_178 : memref<!tpu.dma_semaphore, #tpu.memory_space<semaphore_mem>>) src(%dma_wait3A_197 : memref<4x128xi32, #tpu.memory_space<hbm>>) dst(%dma_wait3A_195 : memref<4x128xi32, #tpu.memory_space<vmem>>)
          tpu.yield
        }) : () -> ()
        %eq3A_168 = arith.constant 0 : i32
        %eq3A_169 = arith.cmpi eq, %arg0, %eq3A_168 : i32
        %convert_element_type3A_170 = arith.extui %eq3A_169 : i1 to i32
        %cond3A_171 = arith.constant 0 : i32
        %cond3A_172 = arith.cmpi ne, %convert_element_type3A_170, %cond3A_171 : i32
        scf.if %cond3A_172 {
          %dma_start3A = arith.constant 0 : i32
          %dma_start3A_178 = arith.constant 0 : i32
          %dma_start3A_179 = arith.constant 0 : i32
          %dma_start3A_180 = tpu.memref_slice %arg11[%dma_start3A_178, %dma_start3A_179] : memref<1024x64xf32, #tpu.memory_space<vmem>> -> memref<128x64xf32, #tpu.memory_space<vmem>>
          %dma_start3A_181 = arith.constant 0 : i32
          %dma_start3A_182 = tpu.memref_slice %arg9[%dma_start3A, %dma_start3A_181] : memref<8x128xi32, #tpu.memory_space<vmem>> -> memref<1x128xi32, #tpu.memory_space<vmem>>
          %dma_start3A_183 = tpu.memref_squeeze %dma_start3A_182 : memref<1x128xi32, #tpu.memory_space<vmem>> -> memref<128xi32, #tpu.memory_space<vmem>>
          %dma_start3A_184 = arith.constant 0 : i32
          %dma_start3A_185 = arith.constant 0 : i32
          %dma_start3A_186 = tpu.memref_slice %arg2[%dma_start3A_184, %dma_start3A_185] : memref<10000x64xf32, #tpu.memory_space<hbm>> -> memref<10000x64xf32, #tpu.memory_space<hbm>>
          tpu.enqueue_indirect_dma source(%dma_start3A_186 : memref<10000x64xf32, #tpu.memory_space<hbm>>) target(%dma_start3A_180 : memref<128x64xf32, #tpu.memory_space<vmem>>) offsets(%dma_start3A_183 : memref<128xi32, #tpu.memory_space<vmem>>) semaphore(%arg14 : memref<!tpu.dma_semaphore, #tpu.memory_space<semaphore_mem>>)
          %dma_start3A_187 = arith.constant 1 : i32
          %dma_start3A_188 = arith.constant 128 : i32
          %dma_start3A_189 = arith.constant 0 : i32
          %dma_start3A_190 = tpu.memref_slice %arg11[%dma_start3A_188, %dma_start3A_189] : memref<1024x64xf32, #tpu.memory_space<vmem>> -> memref<128x64xf32, #tpu.memory_space<vmem>>
          %dma_start3A_191 = arith.constant 0 : i32
          %dma_start3A_192 = tpu.memref_slice %arg9[%dma_start3A_187, %dma_start3A_191] : memref<8x128xi32, #tpu.memory_space<vmem>> -> memref<1x128xi32, #tpu.memory_space<vmem>>
          %dma_start3A_193 = tpu.memref_squeeze %dma_start3A_192 : memref<1x128xi32, #tpu.memory_space<vmem>> -> memref<128xi32, #tpu.memory_space<vmem>>
          %dma_start3A_194 = arith.constant 0 : i32
          %dma_start3A_195 = arith.constant 0 : i32
          %dma_start3A_196 = tpu.memref_slice %arg2[%dma_start3A_194, %dma_start3A_195] : memref<10000x64xf32, #tpu.memory_space<hbm>> -> memref<10000x64xf32, #tpu.memory_space<hbm>>
          tpu.enqueue_indirect_dma source(%dma_start3A_196 : memref<10000x64xf32, #tpu.memory_space<hbm>>) target(%dma_start3A_190 : memref<128x64xf32, #tpu.memory_space<vmem>>) offsets(%dma_start3A_193 : memref<128xi32, #tpu.memory_space<vmem>>) semaphore(%arg14 : memref<!tpu.dma_semaphore, #tpu.memory_space<semaphore_mem>>)
          %dma_start3A_197 = arith.constant 2 : i32
          %dma_start3A_198 = arith.constant 256 : i32
          %dma_start3A_199 = arith.constant 0 : i32
          %dma_start3A_200 = tpu.memref_slice %arg11[%dma_start3A_198, %dma_start3A_199] : memref<1024x64xf32, #tpu.memory_space<vmem>> -> memref<128x64xf32, #tpu.memory_space<vmem>>
          %dma_start3A_201 = arith.constant 0 : i32
          %dma_start3A_202 = tpu.memref_slice %arg9[%dma_start3A_197, %dma_start3A_201] : memref<8x128xi32, #tpu.memory_space<vmem>> -> memref<1x128xi32, #tpu.memory_space<vmem>>
          %dma_start3A_203 = tpu.memref_squeeze %dma_start3A_202 : memref<1x128xi32, #tpu.memory_space<vmem>> -> memref<128xi32, #tpu.memory_space<vmem>>
          %dma_start3A_204 = arith.constant 0 : i32
          %dma_start3A_205 = arith.constant 0 : i32
          %dma_start3A_206 = tpu.memref_slice %arg2[%dma_start3A_204, %dma_start3A_205] : memref<10000x64xf32, #tpu.memory_space<hbm>> -> memref<10000x64xf32, #tpu.memory_space<hbm>>
          tpu.enqueue_indirect_dma source(%dma_start3A_206 : memref<10000x64xf32, #tpu.memory_space<hbm>>) target(%dma_start3A_200 : memref<128x64xf32, #tpu.memory_space<vmem>>) offsets(%dma_start3A_203 : memref<128xi32, #tpu.memory_space<vmem>>) semaphore(%arg14 : memref<!tpu.dma_semaphore, #tpu.memory_space<semaphore_mem>>)
          %dma_start3A_207 = arith.constant 3 : i32
          %dma_start3A_208 = arith.constant 384 : i32
          %dma_start3A_209 = arith.constant 0 : i32
          %dma_start3A_210 = tpu.memref_slice %arg11[%dma_start3A_208, %dma_start3A_209] : memref<1024x64xf32, #tpu.memory_space<vmem>> -> memref<128x64xf32, #tpu.memory_space<vmem>>
          %dma_start3A_211 = arith.constant 0 : i32
          %dma_start3A_212 = tpu.memref_slice %arg9[%dma_start3A_207, %dma_start3A_211] : memref<8x128xi32, #tpu.memory_space<vmem>> -> memref<1x128xi32, #tpu.memory_space<vmem>>
          %dma_start3A_213 = tpu.memref_squeeze %dma_start3A_212 : memref<1x128xi32, #tpu.memory_space<vmem>> -> memref<128xi32, #tpu.memory_space<vmem>>
          %dma_start3A_214 = arith.constant 0 : i32
          %dma_start3A_215 = arith.constant 0 : i32
          %dma_start3A_216 = tpu.memref_slice %arg2[%dma_start3A_214, %dma_start3A_215] : memref<10000x64xf32, #tpu.memory_space<hbm>> -> memref<10000x64xf32, #tpu.memory_space<hbm>>
          tpu.enqueue_indirect_dma source(%dma_start3A_216 : memref<10000x64xf32, #tpu.memory_space<hbm>>) target(%dma_start3A_210 : memref<128x64xf32, #tpu.memory_space<vmem>>) offsets(%dma_start3A_213 : memref<128xi32, #tpu.memory_space<vmem>>) semaphore(%arg14 : memref<!tpu.dma_semaphore, #tpu.memory_space<semaphore_mem>>)
        } else {
        }
        %eq3A_173 = arith.constant 1 : i32
        %eq3A_174 = arith.cmpi eq, %arg0, %eq3A_173 : i32
        %convert_element_type3A_175 = arith.extui %eq3A_174 : i1 to i32
        %cond3A_176 = arith.constant 0 : i32
        %cond3A_177 = arith.cmpi ne, %convert_element_type3A_175, %cond3A_176 : i32
        scf.if %cond3A_177 {
          %dma_start3A = arith.constant 0 : i32
          %dma_start3A_178 = arith.constant 0 : i32
          %dma_start3A_179 = arith.constant 0 : i32
          %dma_start3A_180 = tpu.memref_slice %arg11[%dma_start3A_178, %dma_start3A_179] : memref<1024x64xf32, #tpu.memory_space<vmem>> -> memref<128x64xf32, #tpu.memory_space<vmem>>
          %dma_start3A_181 = arith.constant 0 : i32
          %dma_start3A_182 = tpu.memref_slice %arg9[%dma_start3A, %dma_start3A_181] : memref<8x128xi32, #tpu.memory_space<vmem>> -> memref<1x128xi32, #tpu.memory_space<vmem>>
          %dma_start3A_183 = tpu.memref_squeeze %dma_start3A_182 : memref<1x128xi32, #tpu.memory_space<vmem>> -> memref<128xi32, #tpu.memory_space<vmem>>
          %dma_start3A_184 = arith.constant 0 : i32
          %dma_start3A_185 = arith.constant 0 : i32
          %dma_start3A_186 = tpu.memref_slice %arg4[%dma_start3A_184, %dma_start3A_185] : memref<10000x64xf32, #tpu.memory_space<hbm>> -> memref<10000x64xf32, #tpu.memory_space<hbm>>
          tpu.enqueue_indirect_dma source(%dma_start3A_186 : memref<10000x64xf32, #tpu.memory_space<hbm>>) target(%dma_start3A_180 : memref<128x64xf32, #tpu.memory_space<vmem>>) offsets(%dma_start3A_183 : memref<128xi32, #tpu.memory_space<vmem>>) semaphore(%arg14 : memref<!tpu.dma_semaphore, #tpu.memory_space<semaphore_mem>>)
          %dma_start3A_187 = arith.constant 1 : i32
          %dma_start3A_188 = arith.constant 128 : i32
          %dma_start3A_189 = arith.constant 0 : i32
          %dma_start3A_190 = tpu.memref_slice %arg11[%dma_start3A_188, %dma_start3A_189] : memref<1024x64xf32, #tpu.memory_space<vmem>> -> memref<128x64xf32, #tpu.memory_space<vmem>>
          %dma_start3A_191 = arith.constant 0 : i32
          %dma_start3A_192 = tpu.memref_slice %arg9[%dma_start3A_187, %dma_start3A_191] : memref<8x128xi32, #tpu.memory_space<vmem>> -> memref<1x128xi32, #tpu.memory_space<vmem>>
          %dma_start3A_193 = tpu.memref_squeeze %dma_start3A_192 : memref<1x128xi32, #tpu.memory_space<vmem>> -> memref<128xi32, #tpu.memory_space<vmem>>
          %dma_start3A_194 = arith.constant 0 : i32
          %dma_start3A_195 = arith.constant 0 : i32
          %dma_start3A_196 = tpu.memref_slice %arg4[%dma_start3A_194, %dma_start3A_195] : memref<10000x64xf32, #tpu.memory_space<hbm>> -> memref<10000x64xf32, #tpu.memory_space<hbm>>
          tpu.enqueue_indirect_dma source(%dma_start3A_196 : memref<10000x64xf32, #tpu.memory_space<hbm>>) target(%dma_start3A_190 : memref<128x64xf32, #tpu.memory_space<vmem>>) offsets(%dma_start3A_193 : memref<128xi32, #tpu.memory_space<vmem>>) semaphore(%arg14 : memref<!tpu.dma_semaphore, #tpu.memory_space<semaphore_mem>>)
          %dma_start3A_197 = arith.constant 2 : i32
          %dma_start3A_198 = arith.constant 256 : i32
          %dma_start3A_199 = arith.constant 0 : i32
          %dma_start3A_200 = tpu.memref_slice %arg11[%dma_start3A_198, %dma_start3A_199] : memref<1024x64xf32, #tpu.memory_space<vmem>> -> memref<128x64xf32, #tpu.memory_space<vmem>>
          %dma_start3A_201 = arith.constant 0 : i32
          %dma_start3A_202 = tpu.memref_slice %arg9[%dma_start3A_197, %dma_start3A_201] : memref<8x128xi32, #tpu.memory_space<vmem>> -> memref<1x128xi32, #tpu.memory_space<vmem>>
          %dma_start3A_203 = tpu.memref_squeeze %dma_start3A_202 : memref<1x128xi32, #tpu.memory_space<vmem>> -> memref<128xi32, #tpu.memory_space<vmem>>
          %dma_start3A_204 = arith.constant 0 : i32
          %dma_start3A_205 = arith.constant 0 : i32
          %dma_start3A_206 = tpu.memref_slice %arg4[%dma_start3A_204, %dma_start3A_205] : memref<10000x64xf32, #tpu.memory_space<hbm>> -> memref<10000x64xf32, #tpu.memory_space<hbm>>
          tpu.enqueue_indirect_dma source(%dma_start3A_206 : memref<10000x64xf32, #tpu.memory_space<hbm>>) target(%dma_start3A_200 : memref<128x64xf32, #tpu.memory_space<vmem>>) offsets(%dma_start3A_203 : memref<128xi32, #tpu.memory_space<vmem>>) semaphore(%arg14 : memref<!tpu.dma_semaphore, #tpu.memory_space<semaphore_mem>>)
          %dma_start3A_207 = arith.constant 3 : i32
          %dma_start3A_208 = arith.constant 384 : i32
          %dma_start3A_209 = arith.constant 0 : i32
          %dma_start3A_210 = tpu.memref_slice %arg11[%dma_start3A_208, %dma_start3A_209] : memref<1024x64xf32, #tpu.memory_space<vmem>> -> memref<128x64xf32, #tpu.memory_space<vmem>>
          %dma_start3A_211 = arith.constant 0 : i32
          %dma_start3A_212 = tpu.memref_slice %arg9[%dma_start3A_207, %dma_start3A_211] : memref<8x128xi32, #tpu.memory_space<vmem>> -> memref<1x128xi32, #tpu.memory_space<vmem>>
          %dma_start3A_213 = tpu.memref_squeeze %dma_start3A_212 : memref<1x128xi32, #tpu.memory_space<vmem>> -> memref<128xi32, #tpu.memory_space<vmem>>
          %dma_start3A_214 = arith.constant 0 : i32
          %dma_start3A_215 = arith.constant 0 : i32
          %dma_start3A_216 = tpu.memref_slice %arg4[%dma_start3A_214, %dma_start3A_215] : memref<10000x64xf32, #tpu.memory_space<hbm>> -> memref<10000x64xf32, #tpu.memory_space<hbm>>
          tpu.enqueue_indirect_dma source(%dma_start3A_216 : memref<10000x64xf32, #tpu.memory_space<hbm>>) target(%dma_start3A_210 : memref<128x64xf32, #tpu.memory_space<vmem>>) offsets(%dma_start3A_213 : memref<128xi32, #tpu.memory_space<vmem>>) semaphore(%arg14 : memref<!tpu.dma_semaphore, #tpu.memory_space<semaphore_mem>>)
        } else {
        }
      } else {
      }
      %run_scoped3A_155 = arith.constant 4 : i32
      "tpu.region"() ({
        %run_scoped3A_160 = tpu.sem_alloc : memref<!tpu.dma_semaphore, #tpu.memory_space<semaphore_mem>>
        %dma_start3A = arith.constant 512 : i32
        %dma_start3A_161 = arith.constant 0 : i32
        %dma_start3A_162 = tpu.memref_slice %arg11[%dma_start3A, %dma_start3A_161] : memref<1024x64xf32, #tpu.memory_space<vmem>> -> memref<128x64xf32, #tpu.memory_space<vmem>>
        %dma_start3A_163 = arith.constant 0 : i32
        %dma_start3A_164 = tpu.memref_slice %arg10[%run_scoped3A_155, %dma_start3A_163] : memref<8x128xi32, #tpu.memory_space<vmem>> -> memref<1x128xi32, #tpu.memory_space<vmem>>
        %dma_start3A_165 = tpu.memref_squeeze %dma_start3A_164 : memref<1x128xi32, #tpu.memory_space<vmem>> -> memref<128xi32, #tpu.memory_space<vmem>>
        %dma_start3A_166 = arith.constant 0 : i32
        %dma_start3A_167 = arith.constant 0 : i32
        %dma_start3A_168 = tpu.memref_slice %arg13[%dma_start3A_166, %dma_start3A_167] : memref<10240x64xf32, #tpu.memory_space<vmem_shared>> -> memref<10240x64xf32, #tpu.memory_space<vmem_shared>>
        tpu.enqueue_indirect_dma source(%dma_start3A_162 : memref<128x64xf32, #tpu.memory_space<vmem>>) target(%dma_start3A_168 : memref<10240x64xf32, #tpu.memory_space<vmem_shared>>) offsets(%dma_start3A_165 : memref<128xi32, #tpu.memory_space<vmem>>) semaphore(%run_scoped3A_160 : memref<!tpu.dma_semaphore, #tpu.memory_space<semaphore_mem>>) {add = true}
        %dma_wait3A_169 = arith.constant 512 : i32
        %dma_wait3A_170 = arith.constant 0 : i32
        %dma_wait3A_171 = tpu.memref_slice %arg11[%dma_wait3A_169, %dma_wait3A_170] : memref<1024x64xf32, #tpu.memory_space<vmem>> -> memref<128x64xf32, #tpu.memory_space<vmem>>
        %dma_wait3A_172 = arith.constant 0 : i32
        %dma_wait3A_173 = tpu.memref_slice %arg10[%run_scoped3A_155, %dma_wait3A_172] : memref<8x128xi32, #tpu.memory_space<vmem>> -> memref<1x128xi32, #tpu.memory_space<vmem>>
        %dma_wait3A_174 = tpu.memref_squeeze %dma_wait3A_173 : memref<1x128xi32, #tpu.memory_space<vmem>> -> memref<128xi32, #tpu.memory_space<vmem>>
        %dma_wait3A_175 = arith.constant 0 : i32
        %dma_wait3A_176 = arith.constant 0 : i32
        %dma_wait3A_177 = tpu.memref_slice %arg13[%dma_wait3A_175, %dma_wait3A_176] : memref<10240x64xf32, #tpu.memory_space<vmem_shared>> -> memref<10240x64xf32, #tpu.memory_space<vmem_shared>>
        tpu.wait_indirect_dma semaphore(%run_scoped3A_160 : memref<!tpu.dma_semaphore, #tpu.memory_space<semaphore_mem>>) src(%dma_wait3A_171 : memref<128x64xf32, #tpu.memory_space<vmem>>) dst(%dma_wait3A_177 : memref<10240x64xf32, #tpu.memory_space<vmem_shared>>)
        tpu.yield
      }) : () -> ()
      %run_scoped3A_156 = arith.constant 5 : i32
      "tpu.region"() ({
        %run_scoped3A_160 = tpu.sem_alloc : memref<!tpu.dma_semaphore, #tpu.memory_space<semaphore_mem>>
        %dma_start3A = arith.constant 640 : i32
        %dma_start3A_161 = arith.constant 0 : i32
        %dma_start3A_162 = tpu.memref_slice %arg11[%dma_start3A, %dma_start3A_161] : memref<1024x64xf32, #tpu.memory_space<vmem>> -> memref<128x64xf32, #tpu.memory_space<vmem>>
        %dma_start3A_163 = arith.constant 0 : i32
        %dma_start3A_164 = tpu.memref_slice %arg10[%run_scoped3A_156, %dma_start3A_163] : memref<8x128xi32, #tpu.memory_space<vmem>> -> memref<1x128xi32, #tpu.memory_space<vmem>>
        %dma_start3A_165 = tpu.memref_squeeze %dma_start3A_164 : memref<1x128xi32, #tpu.memory_space<vmem>> -> memref<128xi32, #tpu.memory_space<vmem>>
        %dma_start3A_166 = arith.constant 0 : i32
        %dma_start3A_167 = arith.constant 0 : i32
        %dma_start3A_168 = tpu.memref_slice %arg13[%dma_start3A_166, %dma_start3A_167] : memref<10240x64xf32, #tpu.memory_space<vmem_shared>> -> memref<10240x64xf32, #tpu.memory_space<vmem_shared>>
        tpu.enqueue_indirect_dma source(%dma_start3A_162 : memref<128x64xf32, #tpu.memory_space<vmem>>) target(%dma_start3A_168 : memref<10240x64xf32, #tpu.memory_space<vmem_shared>>) offsets(%dma_start3A_165 : memref<128xi32, #tpu.memory_space<vmem>>) semaphore(%run_scoped3A_160 : memref<!tpu.dma_semaphore, #tpu.memory_space<semaphore_mem>>) {add = true}
        %dma_wait3A_169 = arith.constant 640 : i32
        %dma_wait3A_170 = arith.constant 0 : i32
        %dma_wait3A_171 = tpu.memref_slice %arg11[%dma_wait3A_169, %dma_wait3A_170] : memref<1024x64xf32, #tpu.memory_space<vmem>> -> memref<128x64xf32, #tpu.memory_space<vmem>>
        %dma_wait3A_172 = arith.constant 0 : i32
        %dma_wait3A_173 = tpu.memref_slice %arg10[%run_scoped3A_156, %dma_wait3A_172] : memref<8x128xi32, #tpu.memory_space<vmem>> -> memref<1x128xi32, #tpu.memory_space<vmem>>
        %dma_wait3A_174 = tpu.memref_squeeze %dma_wait3A_173 : memref<1x128xi32, #tpu.memory_space<vmem>> -> memref<128xi32, #tpu.memory_space<vmem>>
        %dma_wait3A_175 = arith.constant 0 : i32
        %dma_wait3A_176 = arith.constant 0 : i32
        %dma_wait3A_177 = tpu.memref_slice %arg13[%dma_wait3A_175, %dma_wait3A_176] : memref<10240x64xf32, #tpu.memory_space<vmem_shared>> -> memref<10240x64xf32, #tpu.memory_space<vmem_shared>>
        tpu.wait_indirect_dma semaphore(%run_scoped3A_160 : memref<!tpu.dma_semaphore, #tpu.memory_space<semaphore_mem>>) src(%dma_wait3A_171 : memref<128x64xf32, #tpu.memory_space<vmem>>) dst(%dma_wait3A_177 : memref<10240x64xf32, #tpu.memory_space<vmem_shared>>)
        tpu.yield
      }) : () -> ()
      %run_scoped3A_157 = arith.constant 6 : i32
      "tpu.region"() ({
        %run_scoped3A_160 = tpu.sem_alloc : memref<!tpu.dma_semaphore, #tpu.memory_space<semaphore_mem>>
        %dma_start3A = arith.constant 768 : i32
        %dma_start3A_161 = arith.constant 0 : i32
        %dma_start3A_162 = tpu.memref_slice %arg11[%dma_start3A, %dma_start3A_161] : memref<1024x64xf32, #tpu.memory_space<vmem>> -> memref<128x64xf32, #tpu.memory_space<vmem>>
        %dma_start3A_163 = arith.constant 0 : i32
        %dma_start3A_164 = tpu.memref_slice %arg10[%run_scoped3A_157, %dma_start3A_163] : memref<8x128xi32, #tpu.memory_space<vmem>> -> memref<1x128xi32, #tpu.memory_space<vmem>>
        %dma_start3A_165 = tpu.memref_squeeze %dma_start3A_164 : memref<1x128xi32, #tpu.memory_space<vmem>> -> memref<128xi32, #tpu.memory_space<vmem>>
        %dma_start3A_166 = arith.constant 0 : i32
        %dma_start3A_167 = arith.constant 0 : i32
        %dma_start3A_168 = tpu.memref_slice %arg13[%dma_start3A_166, %dma_start3A_167] : memref<10240x64xf32, #tpu.memory_space<vmem_shared>> -> memref<10240x64xf32, #tpu.memory_space<vmem_shared>>
        tpu.enqueue_indirect_dma source(%dma_start3A_162 : memref<128x64xf32, #tpu.memory_space<vmem>>) target(%dma_start3A_168 : memref<10240x64xf32, #tpu.memory_space<vmem_shared>>) offsets(%dma_start3A_165 : memref<128xi32, #tpu.memory_space<vmem>>) semaphore(%run_scoped3A_160 : memref<!tpu.dma_semaphore, #tpu.memory_space<semaphore_mem>>) {add = true}
        %dma_wait3A_169 = arith.constant 768 : i32
        %dma_wait3A_170 = arith.constant 0 : i32
        %dma_wait3A_171 = tpu.memref_slice %arg11[%dma_wait3A_169, %dma_wait3A_170] : memref<1024x64xf32, #tpu.memory_space<vmem>> -> memref<128x64xf32, #tpu.memory_space<vmem>>
        %dma_wait3A_172 = arith.constant 0 : i32
        %dma_wait3A_173 = tpu.memref_slice %arg10[%run_scoped3A_157, %dma_wait3A_172] : memref<8x128xi32, #tpu.memory_space<vmem>> -> memref<1x128xi32, #tpu.memory_space<vmem>>
        %dma_wait3A_174 = tpu.memref_squeeze %dma_wait3A_173 : memref<1x128xi32, #tpu.memory_space<vmem>> -> memref<128xi32, #tpu.memory_space<vmem>>
        %dma_wait3A_175 = arith.constant 0 : i32
        %dma_wait3A_176 = arith.constant 0 : i32
        %dma_wait3A_177 = tpu.memref_slice %arg13[%dma_wait3A_175, %dma_wait3A_176] : memref<10240x64xf32, #tpu.memory_space<vmem_shared>> -> memref<10240x64xf32, #tpu.memory_space<vmem_shared>>
        tpu.wait_indirect_dma semaphore(%run_scoped3A_160 : memref<!tpu.dma_semaphore, #tpu.memory_space<semaphore_mem>>) src(%dma_wait3A_171 : memref<128x64xf32, #tpu.memory_space<vmem>>) dst(%dma_wait3A_177 : memref<10240x64xf32, #tpu.memory_space<vmem_shared>>)
        tpu.yield
      }) : () -> ()
      %run_scoped3A_158 = arith.constant 7 : i32
      "tpu.region"() ({
        %run_scoped3A_160 = tpu.sem_alloc : memref<!tpu.dma_semaphore, #tpu.memory_space<semaphore_mem>>
        %dma_start3A = arith.constant 896 : i32
        %dma_start3A_161 = arith.constant 0 : i32
        %dma_start3A_162 = tpu.memref_slice %arg11[%dma_start3A, %dma_start3A_161] : memref<1024x64xf32, #tpu.memory_space<vmem>> -> memref<128x64xf32, #tpu.memory_space<vmem>>
        %dma_start3A_163 = arith.constant 0 : i32
        %dma_start3A_164 = tpu.memref_slice %arg10[%run_scoped3A_158, %dma_start3A_163] : memref<8x128xi32, #tpu.memory_space<vmem>> -> memref<1x128xi32, #tpu.memory_space<vmem>>
        %dma_start3A_165 = tpu.memref_squeeze %dma_start3A_164 : memref<1x128xi32, #tpu.memory_space<vmem>> -> memref<128xi32, #tpu.memory_space<vmem>>
        %dma_start3A_166 = arith.constant 0 : i32
        %dma_start3A_167 = arith.constant 0 : i32
        %dma_start3A_168 = tpu.memref_slice %arg13[%dma_start3A_166, %dma_start3A_167] : memref<10240x64xf32, #tpu.memory_space<vmem_shared>> -> memref<10240x64xf32, #tpu.memory_space<vmem_shared>>
        tpu.enqueue_indirect_dma source(%dma_start3A_162 : memref<128x64xf32, #tpu.memory_space<vmem>>) target(%dma_start3A_168 : memref<10240x64xf32, #tpu.memory_space<vmem_shared>>) offsets(%dma_start3A_165 : memref<128xi32, #tpu.memory_space<vmem>>) semaphore(%run_scoped3A_160 : memref<!tpu.dma_semaphore, #tpu.memory_space<semaphore_mem>>) {add = true}
        %dma_wait3A_169 = arith.constant 896 : i32
        %dma_wait3A_170 = arith.constant 0 : i32
        %dma_wait3A_171 = tpu.memref_slice %arg11[%dma_wait3A_169, %dma_wait3A_170] : memref<1024x64xf32, #tpu.memory_space<vmem>> -> memref<128x64xf32, #tpu.memory_space<vmem>>
        %dma_wait3A_172 = arith.constant 0 : i32
        %dma_wait3A_173 = tpu.memref_slice %arg10[%run_scoped3A_158, %dma_wait3A_172] : memref<8x128xi32, #tpu.memory_space<vmem>> -> memref<1x128xi32, #tpu.memory_space<vmem>>
        %dma_wait3A_174 = tpu.memref_squeeze %dma_wait3A_173 : memref<1x128xi32, #tpu.memory_space<vmem>> -> memref<128xi32, #tpu.memory_space<vmem>>
        %dma_wait3A_175 = arith.constant 0 : i32
        %dma_wait3A_176 = arith.constant 0 : i32
        %dma_wait3A_177 = tpu.memref_slice %arg13[%dma_wait3A_175, %dma_wait3A_176] : memref<10240x64xf32, #tpu.memory_space<vmem_shared>> -> memref<10240x64xf32, #tpu.memory_space<vmem_shared>>
        tpu.wait_indirect_dma semaphore(%run_scoped3A_160 : memref<!tpu.dma_semaphore, #tpu.memory_space<semaphore_mem>>) src(%dma_wait3A_171 : memref<128x64xf32, #tpu.memory_space<vmem>>) dst(%dma_wait3A_177 : memref<10240x64xf32, #tpu.memory_space<vmem_shared>>)
        tpu.yield
      }) : () -> ()
      %scan3A_159 = arith.constant 0 : i32
      scf.yield %scan3A_159 : i32
    }
    %scan3A_43 = arith.constant 20 : i32
    %barrier3A_44 = arith.constant 0 : index
    tpu.barrier barrier_id(%barrier3A_44)
    %mul3A_45 = arith.constant 640 : i32
    %mul3A_46 = arith.muli %arg1, %mul3A_45 : i32
    %mul3A_47 = arith.constant 2 : i32
    %mul3A_48 = arith.muli %arg0, %mul3A_47 : i32
    %add3A_49 = arith.constant 0 : i32
    %add3A_50 = arith.addi %mul3A_48, %add3A_49 : i32
    %mul3A_51 = arith.constant 10240 : i32
    %mul3A_52 = arith.muli %add3A_50, %mul3A_51 : i32
    %mul3A_53 = arith.constant 640 : i32
    %mul3A_54 = arith.muli %arg1, %mul3A_53 : i32
    %add3A_55 = arith.addi %mul3A_52, %mul3A_54 : i32
    "tpu.region"() ({
      %run_scoped3A = tpu.sem_alloc : memref<!tpu.dma_semaphore, #tpu.memory_space<semaphore_mem>>
      %dma_start3A = arith.constant 0 : i32
      %dma_start3A_112 = tpu.memref_slice %arg8[%add3A_55, %dma_start3A] : memref<40960x64xf32, #tpu.memory_space<hbm>> -> memref<640x64xf32, #tpu.memory_space<hbm>>
      %dma_start3A_113 = arith.constant 0 : i32
      %dma_start3A_114 = tpu.memref_slice %arg13[%mul3A_46, %dma_start3A_113] : memref<10240x64xf32, #tpu.memory_space<vmem_shared>> -> memref<640x64xf32, #tpu.memory_space<vmem_shared>>
      tpu.enqueue_dma source(%dma_start3A_114 : memref<640x64xf32, #tpu.memory_space<vmem_shared>>) target(%dma_start3A_112 : memref<640x64xf32, #tpu.memory_space<hbm>>) target_semaphore(%run_scoped3A : memref<!tpu.dma_semaphore, #tpu.memory_space<semaphore_mem>>)
      %dma_wait3A = arith.constant 0 : i32
      %dma_wait3A_115 = tpu.memref_slice %arg8[%add3A_55, %dma_wait3A] : memref<40960x64xf32, #tpu.memory_space<hbm>> -> memref<640x64xf32, #tpu.memory_space<hbm>>
      %dma_wait3A_116 = arith.constant 0 : i32
      %dma_wait3A_117 = tpu.memref_slice %arg13[%mul3A_46, %dma_wait3A_116] : memref<10240x64xf32, #tpu.memory_space<vmem_shared>> -> memref<640x64xf32, #tpu.memory_space<vmem_shared>>
      tpu.wait_dma2 semaphore(%run_scoped3A : memref<!tpu.dma_semaphore, #tpu.memory_space<semaphore_mem>>) src(%dma_wait3A_117 : memref<640x64xf32, #tpu.memory_space<vmem_shared>>) dst(%dma_wait3A_115 : memref<640x64xf32, #tpu.memory_space<hbm>>)
      tpu.yield
    }) : () -> ()
    %barrier3A_56 = arith.constant 0 : index
    tpu.barrier barrier_id(%barrier3A_56)
    %mul3A_57 = arith.constant 640 : i32
    %mul3A_58 = arith.muli %arg1, %mul3A_57 : i32
    %add3A_59 = arith.constant 0 : i32
    %add3A_60 = arith.addi %mul3A_58, %add3A_59 : i32
    "tpu.region"() ({
      %run_scoped3A = tpu.sem_alloc : memref<!tpu.dma_semaphore, #tpu.memory_space<semaphore_mem>>
      %dma_start3A = arith.constant 0 : i32
      %dma_start3A_112 = tpu.memref_slice %arg13[%add3A_60, %dma_start3A] : memref<10240x64xf32, #tpu.memory_space<vmem_shared>> -> memref<128x64xf32, #tpu.memory_space<vmem_shared>>
      %dma_start3A_113 = arith.constant 0 : i32
      %dma_start3A_114 = tpu.memref_slice %arg13[%add3A_60, %dma_start3A_113] : memref<10240x64xf32, #tpu.memory_space<vmem_shared>> -> memref<128x64xf32, #tpu.memory_space<vmem_shared>>
      tpu.enqueue_dma source(%arg12 : memref<128x64xf32, #tpu.memory_space<vmem>>) target(%dma_start3A_114 : memref<128x64xf32, #tpu.memory_space<vmem_shared>>) target_semaphore(%run_scoped3A : memref<!tpu.dma_semaphore, #tpu.memory_space<semaphore_mem>>)
      %dma_wait3A = arith.constant 0 : i32
      %dma_wait3A_115 = tpu.memref_slice %arg13[%add3A_60, %dma_wait3A] : memref<10240x64xf32, #tpu.memory_space<vmem_shared>> -> memref<128x64xf32, #tpu.memory_space<vmem_shared>>
      %dma_wait3A_116 = arith.constant 0 : i32
      %dma_wait3A_117 = tpu.memref_slice %arg13[%add3A_60, %dma_wait3A_116] : memref<10240x64xf32, #tpu.memory_space<vmem_shared>> -> memref<128x64xf32, #tpu.memory_space<vmem_shared>>
      tpu.wait_dma2 semaphore(%run_scoped3A : memref<!tpu.dma_semaphore, #tpu.memory_space<semaphore_mem>>) src(%arg12 : memref<128x64xf32, #tpu.memory_space<vmem>>) dst(%dma_wait3A_117 : memref<128x64xf32, #tpu.memory_space<vmem_shared>>)
      tpu.yield
    }) : () -> ()
    %mul3A_61 = arith.constant 640 : i32
    %mul3A_62 = arith.muli %arg1, %mul3A_61 : i32
    %add3A_63 = arith.constant 128 : i32
    %add3A_64 = arith.addi %mul3A_62, %add3A_63 : i32
    "tpu.region"() ({
      %run_scoped3A = tpu.sem_alloc : memref<!tpu.dma_semaphore, #tpu.memory_space<semaphore_mem>>
      %dma_start3A = arith.constant 0 : i32
      %dma_start3A_112 = tpu.memref_slice %arg13[%add3A_64, %dma_start3A] : memref<10240x64xf32, #tpu.memory_space<vmem_shared>> -> memref<128x64xf32, #tpu.memory_space<vmem_shared>>
      %dma_start3A_113 = arith.constant 0 : i32
      %dma_start3A_114 = tpu.memref_slice %arg13[%add3A_64, %dma_start3A_113] : memref<10240x64xf32, #tpu.memory_space<vmem_shared>> -> memref<128x64xf32, #tpu.memory_space<vmem_shared>>
      tpu.enqueue_dma source(%arg12 : memref<128x64xf32, #tpu.memory_space<vmem>>) target(%dma_start3A_114 : memref<128x64xf32, #tpu.memory_space<vmem_shared>>) target_semaphore(%run_scoped3A : memref<!tpu.dma_semaphore, #tpu.memory_space<semaphore_mem>>)
      %dma_wait3A = arith.constant 0 : i32
      %dma_wait3A_115 = tpu.memref_slice %arg13[%add3A_64, %dma_wait3A] : memref<10240x64xf32, #tpu.memory_space<vmem_shared>> -> memref<128x64xf32, #tpu.memory_space<vmem_shared>>
      %dma_wait3A_116 = arith.constant 0 : i32
      %dma_wait3A_117 = tpu.memref_slice %arg13[%add3A_64, %dma_wait3A_116] : memref<10240x64xf32, #tpu.memory_space<vmem_shared>> -> memref<128x64xf32, #tpu.memory_space<vmem_shared>>
      tpu.wait_dma2 semaphore(%run_scoped3A : memref<!tpu.dma_semaphore, #tpu.memory_space<semaphore_mem>>) src(%arg12 : memref<128x64xf32, #tpu.memory_space<vmem>>) dst(%dma_wait3A_117 : memref<128x64xf32, #tpu.memory_space<vmem_shared>>)
      tpu.yield
    }) : () -> ()
    %mul3A_65 = arith.constant 640 : i32
    %mul3A_66 = arith.muli %arg1, %mul3A_65 : i32
    %add3A_67 = arith.constant 256 : i32
    %add3A_68 = arith.addi %mul3A_66, %add3A_67 : i32
    "tpu.region"() ({
      %run_scoped3A = tpu.sem_alloc : memref<!tpu.dma_semaphore, #tpu.memory_space<semaphore_mem>>
      %dma_start3A = arith.constant 0 : i32
      %dma_start3A_112 = tpu.memref_slice %arg13[%add3A_68, %dma_start3A] : memref<10240x64xf32, #tpu.memory_space<vmem_shared>> -> memref<128x64xf32, #tpu.memory_space<vmem_shared>>
      %dma_start3A_113 = arith.constant 0 : i32
      %dma_start3A_114 = tpu.memref_slice %arg13[%add3A_68, %dma_start3A_113] : memref<10240x64xf32, #tpu.memory_space<vmem_shared>> -> memref<128x64xf32, #tpu.memory_space<vmem_shared>>
      tpu.enqueue_dma source(%arg12 : memref<128x64xf32, #tpu.memory_space<vmem>>) target(%dma_start3A_114 : memref<128x64xf32, #tpu.memory_space<vmem_shared>>) target_semaphore(%run_scoped3A : memref<!tpu.dma_semaphore, #tpu.memory_space<semaphore_mem>>)
      %dma_wait3A = arith.constant 0 : i32
      %dma_wait3A_115 = tpu.memref_slice %arg13[%add3A_68, %dma_wait3A] : memref<10240x64xf32, #tpu.memory_space<vmem_shared>> -> memref<128x64xf32, #tpu.memory_space<vmem_shared>>
      %dma_wait3A_116 = arith.constant 0 : i32
      %dma_wait3A_117 = tpu.memref_slice %arg13[%add3A_68, %dma_wait3A_116] : memref<10240x64xf32, #tpu.memory_space<vmem_shared>> -> memref<128x64xf32, #tpu.memory_space<vmem_shared>>
      tpu.wait_dma2 semaphore(%run_scoped3A : memref<!tpu.dma_semaphore, #tpu.memory_space<semaphore_mem>>) src(%arg12 : memref<128x64xf32, #tpu.memory_space<vmem>>) dst(%dma_wait3A_117 : memref<128x64xf32, #tpu.memory_space<vmem_shared>>)
      tpu.yield
    }) : () -> ()
    %mul3A_69 = arith.constant 640 : i32
    %mul3A_70 = arith.muli %arg1, %mul3A_69 : i32
    %add3A_71 = arith.constant 384 : i32
    %add3A_72 = arith.addi %mul3A_70, %add3A_71 : i32
    "tpu.region"() ({
      %run_scoped3A = tpu.sem_alloc : memref<!tpu.dma_semaphore, #tpu.memory_space<semaphore_mem>>
      %dma_start3A = arith.constant 0 : i32
      %dma_start3A_112 = tpu.memref_slice %arg13[%add3A_72, %dma_start3A] : memref<10240x64xf32, #tpu.memory_space<vmem_shared>> -> memref<128x64xf32, #tpu.memory_space<vmem_shared>>
      %dma_start3A_113 = arith.constant 0 : i32
      %dma_start3A_114 = tpu.memref_slice %arg13[%add3A_72, %dma_start3A_113] : memref<10240x64xf32, #tpu.memory_space<vmem_shared>> -> memref<128x64xf32, #tpu.memory_space<vmem_shared>>
      tpu.enqueue_dma source(%arg12 : memref<128x64xf32, #tpu.memory_space<vmem>>) target(%dma_start3A_114 : memref<128x64xf32, #tpu.memory_space<vmem_shared>>) target_semaphore(%run_scoped3A : memref<!tpu.dma_semaphore, #tpu.memory_space<semaphore_mem>>)
      %dma_wait3A = arith.constant 0 : i32
      %dma_wait3A_115 = tpu.memref_slice %arg13[%add3A_72, %dma_wait3A] : memref<10240x64xf32, #tpu.memory_space<vmem_shared>> -> memref<128x64xf32, #tpu.memory_space<vmem_shared>>
      %dma_wait3A_116 = arith.constant 0 : i32
      %dma_wait3A_117 = tpu.memref_slice %arg13[%add3A_72, %dma_wait3A_116] : memref<10240x64xf32, #tpu.memory_space<vmem_shared>> -> memref<128x64xf32, #tpu.memory_space<vmem_shared>>
      tpu.wait_dma2 semaphore(%run_scoped3A : memref<!tpu.dma_semaphore, #tpu.memory_space<semaphore_mem>>) src(%arg12 : memref<128x64xf32, #tpu.memory_space<vmem>>) dst(%dma_wait3A_117 : memref<128x64xf32, #tpu.memory_space<vmem_shared>>)
      tpu.yield
    }) : () -> ()
    %mul3A_73 = arith.constant 640 : i32
    %mul3A_74 = arith.muli %arg1, %mul3A_73 : i32
    %add3A_75 = arith.constant 512 : i32
    %add3A_76 = arith.addi %mul3A_74, %add3A_75 : i32
    "tpu.region"() ({
      %run_scoped3A = tpu.sem_alloc : memref<!tpu.dma_semaphore, #tpu.memory_space<semaphore_mem>>
      %dma_start3A = arith.constant 0 : i32
      %dma_start3A_112 = tpu.memref_slice %arg13[%add3A_76, %dma_start3A] : memref<10240x64xf32, #tpu.memory_space<vmem_shared>> -> memref<128x64xf32, #tpu.memory_space<vmem_shared>>
      %dma_start3A_113 = arith.constant 0 : i32
      %dma_start3A_114 = tpu.memref_slice %arg13[%add3A_76, %dma_start3A_113] : memref<10240x64xf32, #tpu.memory_space<vmem_shared>> -> memref<128x64xf32, #tpu.memory_space<vmem_shared>>
      tpu.enqueue_dma source(%arg12 : memref<128x64xf32, #tpu.memory_space<vmem>>) target(%dma_start3A_114 : memref<128x64xf32, #tpu.memory_space<vmem_shared>>) target_semaphore(%run_scoped3A : memref<!tpu.dma_semaphore, #tpu.memory_space<semaphore_mem>>)
      %dma_wait3A = arith.constant 0 : i32
      %dma_wait3A_115 = tpu.memref_slice %arg13[%add3A_76, %dma_wait3A] : memref<10240x64xf32, #tpu.memory_space<vmem_shared>> -> memref<128x64xf32, #tpu.memory_space<vmem_shared>>
      %dma_wait3A_116 = arith.constant 0 : i32
      %dma_wait3A_117 = tpu.memref_slice %arg13[%add3A_76, %dma_wait3A_116] : memref<10240x64xf32, #tpu.memory_space<vmem_shared>> -> memref<128x64xf32, #tpu.memory_space<vmem_shared>>
      tpu.wait_dma2 semaphore(%run_scoped3A : memref<!tpu.dma_semaphore, #tpu.memory_space<semaphore_mem>>) src(%arg12 : memref<128x64xf32, #tpu.memory_space<vmem>>) dst(%dma_wait3A_117 : memref<128x64xf32, #tpu.memory_space<vmem_shared>>)
      tpu.yield
    }) : () -> ()
    %barrier3A_77 = arith.constant 0 : index
    tpu.barrier barrier_id(%barrier3A_77)
    %add3A_78 = arith.constant 0 : i32
    %add3A_79 = arith.addi %mul3A_6, %add3A_78 : i32
    "tpu.region"() ({
      %run_scoped3A = tpu.sem_alloc : memref<!tpu.dma_semaphore, #tpu.memory_space<semaphore_mem>>
      %dma_start3A = arith.constant 0 : i32
      %dma_start3A_112 = arith.constant 0 : i32
      %dma_start3A_113 = tpu.memref_slice %arg9[%dma_start3A, %dma_start3A_112] : memref<8x128xi32, #tpu.memory_space<vmem>> -> memref<4x128xi32, #tpu.memory_space<vmem>>
      %dma_start3A_114 = arith.constant 0 : i32
      %dma_start3A_115 = tpu.memref_slice %arg6[%add3A_79, %dma_start3A_114] : memref<2560x128xi32, #tpu.memory_space<hbm>> -> memref<4x128xi32, #tpu.memory_space<hbm>>
      %dma_start3A_116 = arith.constant 0 : i32
      %dma_start3A_117 = arith.constant 0 : i32
      %dma_start3A_118 = tpu.memref_slice %arg9[%dma_start3A_116, %dma_start3A_117] : memref<8x128xi32, #tpu.memory_space<vmem>> -> memref<4x128xi32, #tpu.memory_space<vmem>>
      %dma_start3A_119 = arith.constant 0 : i32
      %dma_start3A_120 = tpu.memref_slice %arg6[%add3A_79, %dma_start3A_119] : memref<2560x128xi32, #tpu.memory_space<hbm>> -> memref<4x128xi32, #tpu.memory_space<hbm>>
      tpu.enqueue_dma source(%dma_start3A_120 : memref<4x128xi32, #tpu.memory_space<hbm>>) target(%dma_start3A_118 : memref<4x128xi32, #tpu.memory_space<vmem>>) target_semaphore(%run_scoped3A : memref<!tpu.dma_semaphore, #tpu.memory_space<semaphore_mem>>)
      %dma_wait3A = arith.constant 0 : i32
      %dma_wait3A_121 = arith.constant 0 : i32
      %dma_wait3A_122 = tpu.memref_slice %arg9[%dma_wait3A, %dma_wait3A_121] : memref<8x128xi32, #tpu.memory_space<vmem>> -> memref<4x128xi32, #tpu.memory_space<vmem>>
      %dma_wait3A_123 = arith.constant 0 : i32
      %dma_wait3A_124 = tpu.memref_slice %arg6[%add3A_79, %dma_wait3A_123] : memref<2560x128xi32, #tpu.memory_space<hbm>> -> memref<4x128xi32, #tpu.memory_space<hbm>>
      %dma_wait3A_125 = arith.constant 0 : i32
      %dma_wait3A_126 = arith.constant 0 : i32
      %dma_wait3A_127 = tpu.memref_slice %arg9[%dma_wait3A_125, %dma_wait3A_126] : memref<8x128xi32, #tpu.memory_space<vmem>> -> memref<4x128xi32, #tpu.memory_space<vmem>>
      %dma_wait3A_128 = arith.constant 0 : i32
      %dma_wait3A_129 = tpu.memref_slice %arg6[%add3A_79, %dma_wait3A_128] : memref<2560x128xi32, #tpu.memory_space<hbm>> -> memref<4x128xi32, #tpu.memory_space<hbm>>
      tpu.wait_dma2 semaphore(%run_scoped3A : memref<!tpu.dma_semaphore, #tpu.memory_space<semaphore_mem>>) src(%dma_wait3A_129 : memref<4x128xi32, #tpu.memory_space<hbm>>) dst(%dma_wait3A_127 : memref<4x128xi32, #tpu.memory_space<vmem>>)
      tpu.yield
    }) : () -> ()
    %add3A_80 = arith.constant 0 : i32
    %add3A_81 = arith.addi %mul3A_6, %add3A_80 : i32
    "tpu.region"() ({
      %run_scoped3A = tpu.sem_alloc : memref<!tpu.dma_semaphore, #tpu.memory_space<semaphore_mem>>
      %dma_start3A = arith.constant 0 : i32
      %dma_start3A_112 = arith.constant 0 : i32
      %dma_start3A_113 = tpu.memref_slice %arg10[%dma_start3A, %dma_start3A_112] : memref<8x128xi32, #tpu.memory_space<vmem>> -> memref<4x128xi32, #tpu.memory_space<vmem>>
      %dma_start3A_114 = arith.constant 0 : i32
      %dma_start3A_115 = tpu.memref_slice %arg7[%add3A_81, %dma_start3A_114] : memref<2560x128xi32, #tpu.memory_space<hbm>> -> memref<4x128xi32, #tpu.memory_space<hbm>>
      %dma_start3A_116 = arith.constant 0 : i32
      %dma_start3A_117 = arith.constant 0 : i32
      %dma_start3A_118 = tpu.memref_slice %arg10[%dma_start3A_116, %dma_start3A_117] : memref<8x128xi32, #tpu.memory_space<vmem>> -> memref<4x128xi32, #tpu.memory_space<vmem>>
      %dma_start3A_119 = arith.constant 0 : i32
      %dma_start3A_120 = tpu.memref_slice %arg7[%add3A_81, %dma_start3A_119] : memref<2560x128xi32, #tpu.memory_space<hbm>> -> memref<4x128xi32, #tpu.memory_space<hbm>>
      tpu.enqueue_dma source(%dma_start3A_120 : memref<4x128xi32, #tpu.memory_space<hbm>>) target(%dma_start3A_118 : memref<4x128xi32, #tpu.memory_space<vmem>>) target_semaphore(%run_scoped3A : memref<!tpu.dma_semaphore, #tpu.memory_space<semaphore_mem>>)
      %dma_wait3A = arith.constant 0 : i32
      %dma_wait3A_121 = arith.constant 0 : i32
      %dma_wait3A_122 = tpu.memref_slice %arg10[%dma_wait3A, %dma_wait3A_121] : memref<8x128xi32, #tpu.memory_space<vmem>> -> memref<4x128xi32, #tpu.memory_space<vmem>>
      %dma_wait3A_123 = arith.constant 0 : i32
      %dma_wait3A_124 = tpu.memref_slice %arg7[%add3A_81, %dma_wait3A_123] : memref<2560x128xi32, #tpu.memory_space<hbm>> -> memref<4x128xi32, #tpu.memory_space<hbm>>
      %dma_wait3A_125 = arith.constant 0 : i32
      %dma_wait3A_126 = arith.constant 0 : i32
      %dma_wait3A_127 = tpu.memref_slice %arg10[%dma_wait3A_125, %dma_wait3A_126] : memref<8x128xi32, #tpu.memory_space<vmem>> -> memref<4x128xi32, #tpu.memory_space<vmem>>
      %dma_wait3A_128 = arith.constant 0 : i32
      %dma_wait3A_129 = tpu.memref_slice %arg7[%add3A_81, %dma_wait3A_128] : memref<2560x128xi32, #tpu.memory_space<hbm>> -> memref<4x128xi32, #tpu.memory_space<hbm>>
      tpu.wait_dma2 semaphore(%run_scoped3A : memref<!tpu.dma_semaphore, #tpu.memory_space<semaphore_mem>>) src(%dma_wait3A_129 : memref<4x128xi32, #tpu.memory_space<hbm>>) dst(%dma_wait3A_127 : memref<4x128xi32, #tpu.memory_space<vmem>>)
      tpu.yield
    }) : () -> ()
    %eq3A_82 = arith.constant 0 : i32
    %eq3A_83 = arith.cmpi eq, %arg0, %eq3A_82 : i32
    %convert_element_type3A_84 = arith.extui %eq3A_83 : i1 to i32
    %cond3A_85 = arith.constant 0 : i32
    %cond3A_86 = arith.cmpi ne, %convert_element_type3A_84, %cond3A_85 : i32
    scf.if %cond3A_86 {
      %dma_start3A = arith.constant 0 : i32
      %dma_start3A_112 = arith.constant 0 : i32
      %dma_start3A_113 = arith.constant 0 : i32
      %dma_start3A_114 = tpu.memref_slice %arg11[%dma_start3A_112, %dma_start3A_113] : memref<1024x64xf32, #tpu.memory_space<vmem>> -> memref<128x64xf32, #tpu.memory_space<vmem>>
      %dma_start3A_115 = arith.constant 0 : i32
      %dma_start3A_116 = tpu.memref_slice %arg9[%dma_start3A, %dma_start3A_115] : memref<8x128xi32, #tpu.memory_space<vmem>> -> memref<1x128xi32, #tpu.memory_space<vmem>>
      %dma_start3A_117 = tpu.memref_squeeze %dma_start3A_116 : memref<1x128xi32, #tpu.memory_space<vmem>> -> memref<128xi32, #tpu.memory_space<vmem>>
      %dma_start3A_118 = arith.constant 0 : i32
      %dma_start3A_119 = arith.constant 0 : i32
      %dma_start3A_120 = tpu.memref_slice %arg3[%dma_start3A_118, %dma_start3A_119] : memref<10000x64xf32, #tpu.memory_space<hbm>> -> memref<10000x64xf32, #tpu.memory_space<hbm>>
      tpu.enqueue_indirect_dma source(%dma_start3A_120 : memref<10000x64xf32, #tpu.memory_space<hbm>>) target(%dma_start3A_114 : memref<128x64xf32, #tpu.memory_space<vmem>>) offsets(%dma_start3A_117 : memref<128xi32, #tpu.memory_space<vmem>>) semaphore(%arg14 : memref<!tpu.dma_semaphore, #tpu.memory_space<semaphore_mem>>)
      %dma_start3A_121 = arith.constant 1 : i32
      %dma_start3A_122 = arith.constant 128 : i32
      %dma_start3A_123 = arith.constant 0 : i32
      %dma_start3A_124 = tpu.memref_slice %arg11[%dma_start3A_122, %dma_start3A_123] : memref<1024x64xf32, #tpu.memory_space<vmem>> -> memref<128x64xf32, #tpu.memory_space<vmem>>
      %dma_start3A_125 = arith.constant 0 : i32
      %dma_start3A_126 = tpu.memref_slice %arg9[%dma_start3A_121, %dma_start3A_125] : memref<8x128xi32, #tpu.memory_space<vmem>> -> memref<1x128xi32, #tpu.memory_space<vmem>>
      %dma_start3A_127 = tpu.memref_squeeze %dma_start3A_126 : memref<1x128xi32, #tpu.memory_space<vmem>> -> memref<128xi32, #tpu.memory_space<vmem>>
      %dma_start3A_128 = arith.constant 0 : i32
      %dma_start3A_129 = arith.constant 0 : i32
      %dma_start3A_130 = tpu.memref_slice %arg3[%dma_start3A_128, %dma_start3A_129] : memref<10000x64xf32, #tpu.memory_space<hbm>> -> memref<10000x64xf32, #tpu.memory_space<hbm>>
      tpu.enqueue_indirect_dma source(%dma_start3A_130 : memref<10000x64xf32, #tpu.memory_space<hbm>>) target(%dma_start3A_124 : memref<128x64xf32, #tpu.memory_space<vmem>>) offsets(%dma_start3A_127 : memref<128xi32, #tpu.memory_space<vmem>>) semaphore(%arg14 : memref<!tpu.dma_semaphore, #tpu.memory_space<semaphore_mem>>)
      %dma_start3A_131 = arith.constant 2 : i32
      %dma_start3A_132 = arith.constant 256 : i32
      %dma_start3A_133 = arith.constant 0 : i32
      %dma_start3A_134 = tpu.memref_slice %arg11[%dma_start3A_132, %dma_start3A_133] : memref<1024x64xf32, #tpu.memory_space<vmem>> -> memref<128x64xf32, #tpu.memory_space<vmem>>
      %dma_start3A_135 = arith.constant 0 : i32
      %dma_start3A_136 = tpu.memref_slice %arg9[%dma_start3A_131, %dma_start3A_135] : memref<8x128xi32, #tpu.memory_space<vmem>> -> memref<1x128xi32, #tpu.memory_space<vmem>>
      %dma_start3A_137 = tpu.memref_squeeze %dma_start3A_136 : memref<1x128xi32, #tpu.memory_space<vmem>> -> memref<128xi32, #tpu.memory_space<vmem>>
      %dma_start3A_138 = arith.constant 0 : i32
      %dma_start3A_139 = arith.constant 0 : i32
      %dma_start3A_140 = tpu.memref_slice %arg3[%dma_start3A_138, %dma_start3A_139] : memref<10000x64xf32, #tpu.memory_space<hbm>> -> memref<10000x64xf32, #tpu.memory_space<hbm>>
      tpu.enqueue_indirect_dma source(%dma_start3A_140 : memref<10000x64xf32, #tpu.memory_space<hbm>>) target(%dma_start3A_134 : memref<128x64xf32, #tpu.memory_space<vmem>>) offsets(%dma_start3A_137 : memref<128xi32, #tpu.memory_space<vmem>>) semaphore(%arg14 : memref<!tpu.dma_semaphore, #tpu.memory_space<semaphore_mem>>)
      %dma_start3A_141 = arith.constant 3 : i32
      %dma_start3A_142 = arith.constant 384 : i32
      %dma_start3A_143 = arith.constant 0 : i32
      %dma_start3A_144 = tpu.memref_slice %arg11[%dma_start3A_142, %dma_start3A_143] : memref<1024x64xf32, #tpu.memory_space<vmem>> -> memref<128x64xf32, #tpu.memory_space<vmem>>
      %dma_start3A_145 = arith.constant 0 : i32
      %dma_start3A_146 = tpu.memref_slice %arg9[%dma_start3A_141, %dma_start3A_145] : memref<8x128xi32, #tpu.memory_space<vmem>> -> memref<1x128xi32, #tpu.memory_space<vmem>>
      %dma_start3A_147 = tpu.memref_squeeze %dma_start3A_146 : memref<1x128xi32, #tpu.memory_space<vmem>> -> memref<128xi32, #tpu.memory_space<vmem>>
      %dma_start3A_148 = arith.constant 0 : i32
      %dma_start3A_149 = arith.constant 0 : i32
      %dma_start3A_150 = tpu.memref_slice %arg3[%dma_start3A_148, %dma_start3A_149] : memref<10000x64xf32, #tpu.memory_space<hbm>> -> memref<10000x64xf32, #tpu.memory_space<hbm>>
      tpu.enqueue_indirect_dma source(%dma_start3A_150 : memref<10000x64xf32, #tpu.memory_space<hbm>>) target(%dma_start3A_144 : memref<128x64xf32, #tpu.memory_space<vmem>>) offsets(%dma_start3A_147 : memref<128xi32, #tpu.memory_space<vmem>>) semaphore(%arg14 : memref<!tpu.dma_semaphore, #tpu.memory_space<semaphore_mem>>)
    } else {
    }
    %eq3A_87 = arith.constant 1 : i32
    %eq3A_88 = arith.cmpi eq, %arg0, %eq3A_87 : i32
    %convert_element_type3A_89 = arith.extui %eq3A_88 : i1 to i32
    %cond3A_90 = arith.constant 0 : i32
    %cond3A_91 = arith.cmpi ne, %convert_element_type3A_89, %cond3A_90 : i32
    scf.if %cond3A_91 {
      %dma_start3A = arith.constant 0 : i32
      %dma_start3A_112 = arith.constant 0 : i32
      %dma_start3A_113 = arith.constant 0 : i32
      %dma_start3A_114 = tpu.memref_slice %arg11[%dma_start3A_112, %dma_start3A_113] : memref<1024x64xf32, #tpu.memory_space<vmem>> -> memref<128x64xf32, #tpu.memory_space<vmem>>
      %dma_start3A_115 = arith.constant 0 : i32
      %dma_start3A_116 = tpu.memref_slice %arg9[%dma_start3A, %dma_start3A_115] : memref<8x128xi32, #tpu.memory_space<vmem>> -> memref<1x128xi32, #tpu.memory_space<vmem>>
      %dma_start3A_117 = tpu.memref_squeeze %dma_start3A_116 : memref<1x128xi32, #tpu.memory_space<vmem>> -> memref<128xi32, #tpu.memory_space<vmem>>
      %dma_start3A_118 = arith.constant 0 : i32
      %dma_start3A_119 = arith.constant 0 : i32
      %dma_start3A_120 = tpu.memref_slice %arg5[%dma_start3A_118, %dma_start3A_119] : memref<10000x64xf32, #tpu.memory_space<hbm>> -> memref<10000x64xf32, #tpu.memory_space<hbm>>
      tpu.enqueue_indirect_dma source(%dma_start3A_120 : memref<10000x64xf32, #tpu.memory_space<hbm>>) target(%dma_start3A_114 : memref<128x64xf32, #tpu.memory_space<vmem>>) offsets(%dma_start3A_117 : memref<128xi32, #tpu.memory_space<vmem>>) semaphore(%arg14 : memref<!tpu.dma_semaphore, #tpu.memory_space<semaphore_mem>>)
      %dma_start3A_121 = arith.constant 1 : i32
      %dma_start3A_122 = arith.constant 128 : i32
      %dma_start3A_123 = arith.constant 0 : i32
      %dma_start3A_124 = tpu.memref_slice %arg11[%dma_start3A_122, %dma_start3A_123] : memref<1024x64xf32, #tpu.memory_space<vmem>> -> memref<128x64xf32, #tpu.memory_space<vmem>>
      %dma_start3A_125 = arith.constant 0 : i32
      %dma_start3A_126 = tpu.memref_slice %arg9[%dma_start3A_121, %dma_start3A_125] : memref<8x128xi32, #tpu.memory_space<vmem>> -> memref<1x128xi32, #tpu.memory_space<vmem>>
      %dma_start3A_127 = tpu.memref_squeeze %dma_start3A_126 : memref<1x128xi32, #tpu.memory_space<vmem>> -> memref<128xi32, #tpu.memory_space<vmem>>
      %dma_start3A_128 = arith.constant 0 : i32
      %dma_start3A_129 = arith.constant 0 : i32
      %dma_start3A_130 = tpu.memref_slice %arg5[%dma_start3A_128, %dma_start3A_129] : memref<10000x64xf32, #tpu.memory_space<hbm>> -> memref<10000x64xf32, #tpu.memory_space<hbm>>
      tpu.enqueue_indirect_dma source(%dma_start3A_130 : memref<10000x64xf32, #tpu.memory_space<hbm>>) target(%dma_start3A_124 : memref<128x64xf32, #tpu.memory_space<vmem>>) offsets(%dma_start3A_127 : memref<128xi32, #tpu.memory_space<vmem>>) semaphore(%arg14 : memref<!tpu.dma_semaphore, #tpu.memory_space<semaphore_mem>>)
      %dma_start3A_131 = arith.constant 2 : i32
      %dma_start3A_132 = arith.constant 256 : i32
      %dma_start3A_133 = arith.constant 0 : i32
      %dma_start3A_134 = tpu.memref_slice %arg11[%dma_start3A_132, %dma_start3A_133] : memref<1024x64xf32, #tpu.memory_space<vmem>> -> memref<128x64xf32, #tpu.memory_space<vmem>>
      %dma_start3A_135 = arith.constant 0 : i32
      %dma_start3A_136 = tpu.memref_slice %arg9[%dma_start3A_131, %dma_start3A_135] : memref<8x128xi32, #tpu.memory_space<vmem>> -> memref<1x128xi32, #tpu.memory_space<vmem>>
      %dma_start3A_137 = tpu.memref_squeeze %dma_start3A_136 : memref<1x128xi32, #tpu.memory_space<vmem>> -> memref<128xi32, #tpu.memory_space<vmem>>
      %dma_start3A_138 = arith.constant 0 : i32
      %dma_start3A_139 = arith.constant 0 : i32
      %dma_start3A_140 = tpu.memref_slice %arg5[%dma_start3A_138, %dma_start3A_139] : memref<10000x64xf32, #tpu.memory_space<hbm>> -> memref<10000x64xf32, #tpu.memory_space<hbm>>
      tpu.enqueue_indirect_dma source(%dma_start3A_140 : memref<10000x64xf32, #tpu.memory_space<hbm>>) target(%dma_start3A_134 : memref<128x64xf32, #tpu.memory_space<vmem>>) offsets(%dma_start3A_137 : memref<128xi32, #tpu.memory_space<vmem>>) semaphore(%arg14 : memref<!tpu.dma_semaphore, #tpu.memory_space<semaphore_mem>>)
      %dma_start3A_141 = arith.constant 3 : i32
      %dma_start3A_142 = arith.constant 384 : i32
      %dma_start3A_143 = arith.constant 0 : i32
      %dma_start3A_144 = tpu.memref_slice %arg11[%dma_start3A_142, %dma_start3A_143] : memref<1024x64xf32, #tpu.memory_space<vmem>> -> memref<128x64xf32, #tpu.memory_space<vmem>>
      %dma_start3A_145 = arith.constant 0 : i32
      %dma_start3A_146 = tpu.memref_slice %arg9[%dma_start3A_141, %dma_start3A_145] : memref<8x128xi32, #tpu.memory_space<vmem>> -> memref<1x128xi32, #tpu.memory_space<vmem>>
      %dma_start3A_147 = tpu.memref_squeeze %dma_start3A_146 : memref<1x128xi32, #tpu.memory_space<vmem>> -> memref<128xi32, #tpu.memory_space<vmem>>
      %dma_start3A_148 = arith.constant 0 : i32
      %dma_start3A_149 = arith.constant 0 : i32
      %dma_start3A_150 = tpu.memref_slice %arg5[%dma_start3A_148, %dma_start3A_149] : memref<10000x64xf32, #tpu.memory_space<hbm>> -> memref<10000x64xf32, #tpu.memory_space<hbm>>
      tpu.enqueue_indirect_dma source(%dma_start3A_150 : memref<10000x64xf32, #tpu.memory_space<hbm>>) target(%dma_start3A_144 : memref<128x64xf32, #tpu.memory_space<vmem>>) offsets(%dma_start3A_147 : memref<128xi32, #tpu.memory_space<vmem>>) semaphore(%arg14 : memref<!tpu.dma_semaphore, #tpu.memory_space<semaphore_mem>>)
    } else {
    }
    %scan3A_92 = arith.constant 0 : i32
    %scan3A_93 = arith.constant 0 : i32
    %scan3A_94 = arith.constant 20 : i32
    %scan3A_95 = arith.addi %scan3A_93, %scan3A_94 : i32
    %scan3A_96 = arith.constant 1 : i32
    %scan3A_97 = scf.for %scan3A_112 = %scan3A_93 to %scan3A_95 step %scan3A_96 iter_args(%scan3A_113 = %scan3A_92) -> (i32)  : i32 {
      %mul3A_114 = arith.constant 2 : i32
      %mul3A_115 = arith.muli %scan3A_112, %mul3A_114 : i32
      %dma_wait3A = arith.constant 0 : i32
      %dma_wait3A_116 = arith.constant 0 : i32
      %dma_wait3A_117 = tpu.memref_slice %arg11[%dma_wait3A, %dma_wait3A_116] : memref<1024x64xf32, #tpu.memory_space<vmem>> -> memref<512x64xf32, #tpu.memory_space<vmem>>
      %dma_wait3A_118 = arith.constant 0 : i32
      %dma_wait3A_119 = arith.constant 0 : i32
      %dma_wait3A_120 = tpu.memref_slice %arg3[%dma_wait3A_118, %dma_wait3A_119] : memref<10000x64xf32, #tpu.memory_space<hbm>> -> memref<512x64xf32, #tpu.memory_space<hbm>>
      %dma_wait3A_121 = arith.constant 0 : i32
      %dma_wait3A_122 = arith.constant 0 : i32
      %dma_wait3A_123 = tpu.memref_slice %arg11[%dma_wait3A_121, %dma_wait3A_122] : memref<1024x64xf32, #tpu.memory_space<vmem>> -> memref<512x64xf32, #tpu.memory_space<vmem>>
      %dma_wait3A_124 = arith.constant 0 : i32
      %dma_wait3A_125 = arith.constant 0 : i32
      %dma_wait3A_126 = tpu.memref_slice %arg3[%dma_wait3A_124, %dma_wait3A_125] : memref<10000x64xf32, #tpu.memory_space<hbm>> -> memref<512x64xf32, #tpu.memory_space<hbm>>
      tpu.wait_dma2 semaphore(%arg14 : memref<!tpu.dma_semaphore, #tpu.memory_space<semaphore_mem>>) src(%dma_wait3A_126 : memref<512x64xf32, #tpu.memory_space<hbm>>) dst(%dma_wait3A_123 : memref<512x64xf32, #tpu.memory_space<vmem>>)
      %add3A_127 = arith.constant 1 : i32
      %add3A_128 = arith.addi %mul3A_115, %add3A_127 : i32
      %lt3A = arith.constant 40 : i32
      %lt3A_129 = arith.cmpi slt, %add3A_128, %lt3A : i32
      %convert_element_type3A_130 = arith.extui %lt3A_129 : i1 to i32
      %cond3A_131 = arith.constant 0 : i32
      %cond3A_132 = arith.cmpi ne, %convert_element_type3A_130, %cond3A_131 : i32
      scf.if %cond3A_132 {
        %add3A_160 = arith.constant 1 : i32
        %add3A_161 = arith.addi %mul3A_115, %add3A_160 : i32
        %mul3A_162 = arith.constant 4 : i32
        %mul3A_163 = arith.muli %add3A_161, %mul3A_162 : i32
        %add3A_164 = arith.addi %mul3A_6, %mul3A_163 : i32
        "tpu.region"() ({
          %run_scoped3A_178 = tpu.sem_alloc : memref<!tpu.dma_semaphore, #tpu.memory_space<semaphore_mem>>
          %dma_start3A = arith.constant 4 : i32
          %dma_start3A_179 = arith.constant 0 : i32
          %dma_start3A_180 = tpu.memref_slice %arg9[%dma_start3A, %dma_start3A_179] : memref<8x128xi32, #tpu.memory_space<vmem>> -> memref<4x128xi32, #tpu.memory_space<vmem>>
          %dma_start3A_181 = arith.constant 0 : i32
          %dma_start3A_182 = tpu.memref_slice %arg6[%add3A_164, %dma_start3A_181] : memref<2560x128xi32, #tpu.memory_space<hbm>> -> memref<4x128xi32, #tpu.memory_space<hbm>>
          %dma_start3A_183 = arith.constant 4 : i32
          %dma_start3A_184 = arith.constant 0 : i32
          %dma_start3A_185 = tpu.memref_slice %arg9[%dma_start3A_183, %dma_start3A_184] : memref<8x128xi32, #tpu.memory_space<vmem>> -> memref<4x128xi32, #tpu.memory_space<vmem>>
          %dma_start3A_186 = arith.constant 0 : i32
          %dma_start3A_187 = tpu.memref_slice %arg6[%add3A_164, %dma_start3A_186] : memref<2560x128xi32, #tpu.memory_space<hbm>> -> memref<4x128xi32, #tpu.memory_space<hbm>>
          tpu.enqueue_dma source(%dma_start3A_187 : memref<4x128xi32, #tpu.memory_space<hbm>>) target(%dma_start3A_185 : memref<4x128xi32, #tpu.memory_space<vmem>>) target_semaphore(%run_scoped3A_178 : memref<!tpu.dma_semaphore, #tpu.memory_space<semaphore_mem>>)
          %dma_wait3A_188 = arith.constant 4 : i32
          %dma_wait3A_189 = arith.constant 0 : i32
          %dma_wait3A_190 = tpu.memref_slice %arg9[%dma_wait3A_188, %dma_wait3A_189] : memref<8x128xi32, #tpu.memory_space<vmem>> -> memref<4x128xi32, #tpu.memory_space<vmem>>
          %dma_wait3A_191 = arith.constant 0 : i32
          %dma_wait3A_192 = tpu.memref_slice %arg6[%add3A_164, %dma_wait3A_191] : memref<2560x128xi32, #tpu.memory_space<hbm>> -> memref<4x128xi32, #tpu.memory_space<hbm>>
          %dma_wait3A_193 = arith.constant 4 : i32
          %dma_wait3A_194 = arith.constant 0 : i32
          %dma_wait3A_195 = tpu.memref_slice %arg9[%dma_wait3A_193, %dma_wait3A_194] : memref<8x128xi32, #tpu.memory_space<vmem>> -> memref<4x128xi32, #tpu.memory_space<vmem>>
          %dma_wait3A_196 = arith.constant 0 : i32
          %dma_wait3A_197 = tpu.memref_slice %arg6[%add3A_164, %dma_wait3A_196] : memref<2560x128xi32, #tpu.memory_space<hbm>> -> memref<4x128xi32, #tpu.memory_space<hbm>>
          tpu.wait_dma2 semaphore(%run_scoped3A_178 : memref<!tpu.dma_semaphore, #tpu.memory_space<semaphore_mem>>) src(%dma_wait3A_197 : memref<4x128xi32, #tpu.memory_space<hbm>>) dst(%dma_wait3A_195 : memref<4x128xi32, #tpu.memory_space<vmem>>)
          tpu.yield
        }) : () -> ()
        %mul3A_165 = arith.constant 4 : i32
        %mul3A_166 = arith.muli %add3A_161, %mul3A_165 : i32
        %add3A_167 = arith.addi %mul3A_6, %mul3A_166 : i32
        "tpu.region"() ({
          %run_scoped3A_178 = tpu.sem_alloc : memref<!tpu.dma_semaphore, #tpu.memory_space<semaphore_mem>>
          %dma_start3A = arith.constant 4 : i32
          %dma_start3A_179 = arith.constant 0 : i32
          %dma_start3A_180 = tpu.memref_slice %arg10[%dma_start3A, %dma_start3A_179] : memref<8x128xi32, #tpu.memory_space<vmem>> -> memref<4x128xi32, #tpu.memory_space<vmem>>
          %dma_start3A_181 = arith.constant 0 : i32
          %dma_start3A_182 = tpu.memref_slice %arg7[%add3A_167, %dma_start3A_181] : memref<2560x128xi32, #tpu.memory_space<hbm>> -> memref<4x128xi32, #tpu.memory_space<hbm>>
          %dma_start3A_183 = arith.constant 4 : i32
          %dma_start3A_184 = arith.constant 0 : i32
          %dma_start3A_185 = tpu.memref_slice %arg10[%dma_start3A_183, %dma_start3A_184] : memref<8x128xi32, #tpu.memory_space<vmem>> -> memref<4x128xi32, #tpu.memory_space<vmem>>
          %dma_start3A_186 = arith.constant 0 : i32
          %dma_start3A_187 = tpu.memref_slice %arg7[%add3A_167, %dma_start3A_186] : memref<2560x128xi32, #tpu.memory_space<hbm>> -> memref<4x128xi32, #tpu.memory_space<hbm>>
          tpu.enqueue_dma source(%dma_start3A_187 : memref<4x128xi32, #tpu.memory_space<hbm>>) target(%dma_start3A_185 : memref<4x128xi32, #tpu.memory_space<vmem>>) target_semaphore(%run_scoped3A_178 : memref<!tpu.dma_semaphore, #tpu.memory_space<semaphore_mem>>)
          %dma_wait3A_188 = arith.constant 4 : i32
          %dma_wait3A_189 = arith.constant 0 : i32
          %dma_wait3A_190 = tpu.memref_slice %arg10[%dma_wait3A_188, %dma_wait3A_189] : memref<8x128xi32, #tpu.memory_space<vmem>> -> memref<4x128xi32, #tpu.memory_space<vmem>>
          %dma_wait3A_191 = arith.constant 0 : i32
          %dma_wait3A_192 = tpu.memref_slice %arg7[%add3A_167, %dma_wait3A_191] : memref<2560x128xi32, #tpu.memory_space<hbm>> -> memref<4x128xi32, #tpu.memory_space<hbm>>
          %dma_wait3A_193 = arith.constant 4 : i32
          %dma_wait3A_194 = arith.constant 0 : i32
          %dma_wait3A_195 = tpu.memref_slice %arg10[%dma_wait3A_193, %dma_wait3A_194] : memref<8x128xi32, #tpu.memory_space<vmem>> -> memref<4x128xi32, #tpu.memory_space<vmem>>
          %dma_wait3A_196 = arith.constant 0 : i32
          %dma_wait3A_197 = tpu.memref_slice %arg7[%add3A_167, %dma_wait3A_196] : memref<2560x128xi32, #tpu.memory_space<hbm>> -> memref<4x128xi32, #tpu.memory_space<hbm>>
          tpu.wait_dma2 semaphore(%run_scoped3A_178 : memref<!tpu.dma_semaphore, #tpu.memory_space<semaphore_mem>>) src(%dma_wait3A_197 : memref<4x128xi32, #tpu.memory_space<hbm>>) dst(%dma_wait3A_195 : memref<4x128xi32, #tpu.memory_space<vmem>>)
          tpu.yield
        }) : () -> ()
        %eq3A_168 = arith.constant 0 : i32
        %eq3A_169 = arith.cmpi eq, %arg0, %eq3A_168 : i32
        %convert_element_type3A_170 = arith.extui %eq3A_169 : i1 to i32
        %cond3A_171 = arith.constant 0 : i32
        %cond3A_172 = arith.cmpi ne, %convert_element_type3A_170, %cond3A_171 : i32
        scf.if %cond3A_172 {
          %dma_start3A = arith.constant 4 : i32
          %dma_start3A_178 = arith.constant 512 : i32
          %dma_start3A_179 = arith.constant 0 : i32
          %dma_start3A_180 = tpu.memref_slice %arg11[%dma_start3A_178, %dma_start3A_179] : memref<1024x64xf32, #tpu.memory_space<vmem>> -> memref<128x64xf32, #tpu.memory_space<vmem>>
          %dma_start3A_181 = arith.constant 0 : i32
          %dma_start3A_182 = tpu.memref_slice %arg9[%dma_start3A, %dma_start3A_181] : memref<8x128xi32, #tpu.memory_space<vmem>> -> memref<1x128xi32, #tpu.memory_space<vmem>>
          %dma_start3A_183 = tpu.memref_squeeze %dma_start3A_182 : memref<1x128xi32, #tpu.memory_space<vmem>> -> memref<128xi32, #tpu.memory_space<vmem>>
          %dma_start3A_184 = arith.constant 0 : i32
          %dma_start3A_185 = arith.constant 0 : i32
          %dma_start3A_186 = tpu.memref_slice %arg3[%dma_start3A_184, %dma_start3A_185] : memref<10000x64xf32, #tpu.memory_space<hbm>> -> memref<10000x64xf32, #tpu.memory_space<hbm>>
          tpu.enqueue_indirect_dma source(%dma_start3A_186 : memref<10000x64xf32, #tpu.memory_space<hbm>>) target(%dma_start3A_180 : memref<128x64xf32, #tpu.memory_space<vmem>>) offsets(%dma_start3A_183 : memref<128xi32, #tpu.memory_space<vmem>>) semaphore(%arg14 : memref<!tpu.dma_semaphore, #tpu.memory_space<semaphore_mem>>)
          %dma_start3A_187 = arith.constant 5 : i32
          %dma_start3A_188 = arith.constant 640 : i32
          %dma_start3A_189 = arith.constant 0 : i32
          %dma_start3A_190 = tpu.memref_slice %arg11[%dma_start3A_188, %dma_start3A_189] : memref<1024x64xf32, #tpu.memory_space<vmem>> -> memref<128x64xf32, #tpu.memory_space<vmem>>
          %dma_start3A_191 = arith.constant 0 : i32
          %dma_start3A_192 = tpu.memref_slice %arg9[%dma_start3A_187, %dma_start3A_191] : memref<8x128xi32, #tpu.memory_space<vmem>> -> memref<1x128xi32, #tpu.memory_space<vmem>>
          %dma_start3A_193 = tpu.memref_squeeze %dma_start3A_192 : memref<1x128xi32, #tpu.memory_space<vmem>> -> memref<128xi32, #tpu.memory_space<vmem>>
          %dma_start3A_194 = arith.constant 0 : i32
          %dma_start3A_195 = arith.constant 0 : i32
          %dma_start3A_196 = tpu.memref_slice %arg3[%dma_start3A_194, %dma_start3A_195] : memref<10000x64xf32, #tpu.memory_space<hbm>> -> memref<10000x64xf32, #tpu.memory_space<hbm>>
          tpu.enqueue_indirect_dma source(%dma_start3A_196 : memref<10000x64xf32, #tpu.memory_space<hbm>>) target(%dma_start3A_190 : memref<128x64xf32, #tpu.memory_space<vmem>>) offsets(%dma_start3A_193 : memref<128xi32, #tpu.memory_space<vmem>>) semaphore(%arg14 : memref<!tpu.dma_semaphore, #tpu.memory_space<semaphore_mem>>)
          %dma_start3A_197 = arith.constant 6 : i32
          %dma_start3A_198 = arith.constant 768 : i32
          %dma_start3A_199 = arith.constant 0 : i32
          %dma_start3A_200 = tpu.memref_slice %arg11[%dma_start3A_198, %dma_start3A_199] : memref<1024x64xf32, #tpu.memory_space<vmem>> -> memref<128x64xf32, #tpu.memory_space<vmem>>
          %dma_start3A_201 = arith.constant 0 : i32
          %dma_start3A_202 = tpu.memref_slice %arg9[%dma_start3A_197, %dma_start3A_201] : memref<8x128xi32, #tpu.memory_space<vmem>> -> memref<1x128xi32, #tpu.memory_space<vmem>>
          %dma_start3A_203 = tpu.memref_squeeze %dma_start3A_202 : memref<1x128xi32, #tpu.memory_space<vmem>> -> memref<128xi32, #tpu.memory_space<vmem>>
          %dma_start3A_204 = arith.constant 0 : i32
          %dma_start3A_205 = arith.constant 0 : i32
          %dma_start3A_206 = tpu.memref_slice %arg3[%dma_start3A_204, %dma_start3A_205] : memref<10000x64xf32, #tpu.memory_space<hbm>> -> memref<10000x64xf32, #tpu.memory_space<hbm>>
          tpu.enqueue_indirect_dma source(%dma_start3A_206 : memref<10000x64xf32, #tpu.memory_space<hbm>>) target(%dma_start3A_200 : memref<128x64xf32, #tpu.memory_space<vmem>>) offsets(%dma_start3A_203 : memref<128xi32, #tpu.memory_space<vmem>>) semaphore(%arg14 : memref<!tpu.dma_semaphore, #tpu.memory_space<semaphore_mem>>)
          %dma_start3A_207 = arith.constant 7 : i32
          %dma_start3A_208 = arith.constant 896 : i32
          %dma_start3A_209 = arith.constant 0 : i32
          %dma_start3A_210 = tpu.memref_slice %arg11[%dma_start3A_208, %dma_start3A_209] : memref<1024x64xf32, #tpu.memory_space<vmem>> -> memref<128x64xf32, #tpu.memory_space<vmem>>
          %dma_start3A_211 = arith.constant 0 : i32
          %dma_start3A_212 = tpu.memref_slice %arg9[%dma_start3A_207, %dma_start3A_211] : memref<8x128xi32, #tpu.memory_space<vmem>> -> memref<1x128xi32, #tpu.memory_space<vmem>>
          %dma_start3A_213 = tpu.memref_squeeze %dma_start3A_212 : memref<1x128xi32, #tpu.memory_space<vmem>> -> memref<128xi32, #tpu.memory_space<vmem>>
          %dma_start3A_214 = arith.constant 0 : i32
          %dma_start3A_215 = arith.constant 0 : i32
          %dma_start3A_216 = tpu.memref_slice %arg3[%dma_start3A_214, %dma_start3A_215] : memref<10000x64xf32, #tpu.memory_space<hbm>> -> memref<10000x64xf32, #tpu.memory_space<hbm>>
          tpu.enqueue_indirect_dma source(%dma_start3A_216 : memref<10000x64xf32, #tpu.memory_space<hbm>>) target(%dma_start3A_210 : memref<128x64xf32, #tpu.memory_space<vmem>>) offsets(%dma_start3A_213 : memref<128xi32, #tpu.memory_space<vmem>>) semaphore(%arg14 : memref<!tpu.dma_semaphore, #tpu.memory_space<semaphore_mem>>)
        } else {
        }
        %eq3A_173 = arith.constant 1 : i32
        %eq3A_174 = arith.cmpi eq, %arg0, %eq3A_173 : i32
        %convert_element_type3A_175 = arith.extui %eq3A_174 : i1 to i32
        %cond3A_176 = arith.constant 0 : i32
        %cond3A_177 = arith.cmpi ne, %convert_element_type3A_175, %cond3A_176 : i32
        scf.if %cond3A_177 {
          %dma_start3A = arith.constant 4 : i32
          %dma_start3A_178 = arith.constant 512 : i32
          %dma_start3A_179 = arith.constant 0 : i32
          %dma_start3A_180 = tpu.memref_slice %arg11[%dma_start3A_178, %dma_start3A_179] : memref<1024x64xf32, #tpu.memory_space<vmem>> -> memref<128x64xf32, #tpu.memory_space<vmem>>
          %dma_start3A_181 = arith.constant 0 : i32
          %dma_start3A_182 = tpu.memref_slice %arg9[%dma_start3A, %dma_start3A_181] : memref<8x128xi32, #tpu.memory_space<vmem>> -> memref<1x128xi32, #tpu.memory_space<vmem>>
          %dma_start3A_183 = tpu.memref_squeeze %dma_start3A_182 : memref<1x128xi32, #tpu.memory_space<vmem>> -> memref<128xi32, #tpu.memory_space<vmem>>
          %dma_start3A_184 = arith.constant 0 : i32
          %dma_start3A_185 = arith.constant 0 : i32
          %dma_start3A_186 = tpu.memref_slice %arg5[%dma_start3A_184, %dma_start3A_185] : memref<10000x64xf32, #tpu.memory_space<hbm>> -> memref<10000x64xf32, #tpu.memory_space<hbm>>
          tpu.enqueue_indirect_dma source(%dma_start3A_186 : memref<10000x64xf32, #tpu.memory_space<hbm>>) target(%dma_start3A_180 : memref<128x64xf32, #tpu.memory_space<vmem>>) offsets(%dma_start3A_183 : memref<128xi32, #tpu.memory_space<vmem>>) semaphore(%arg14 : memref<!tpu.dma_semaphore, #tpu.memory_space<semaphore_mem>>)
          %dma_start3A_187 = arith.constant 5 : i32
          %dma_start3A_188 = arith.constant 640 : i32
          %dma_start3A_189 = arith.constant 0 : i32
          %dma_start3A_190 = tpu.memref_slice %arg11[%dma_start3A_188, %dma_start3A_189] : memref<1024x64xf32, #tpu.memory_space<vmem>> -> memref<128x64xf32, #tpu.memory_space<vmem>>
          %dma_start3A_191 = arith.constant 0 : i32
          %dma_start3A_192 = tpu.memref_slice %arg9[%dma_start3A_187, %dma_start3A_191] : memref<8x128xi32, #tpu.memory_space<vmem>> -> memref<1x128xi32, #tpu.memory_space<vmem>>
          %dma_start3A_193 = tpu.memref_squeeze %dma_start3A_192 : memref<1x128xi32, #tpu.memory_space<vmem>> -> memref<128xi32, #tpu.memory_space<vmem>>
          %dma_start3A_194 = arith.constant 0 : i32
          %dma_start3A_195 = arith.constant 0 : i32
          %dma_start3A_196 = tpu.memref_slice %arg5[%dma_start3A_194, %dma_start3A_195] : memref<10000x64xf32, #tpu.memory_space<hbm>> -> memref<10000x64xf32, #tpu.memory_space<hbm>>
          tpu.enqueue_indirect_dma source(%dma_start3A_196 : memref<10000x64xf32, #tpu.memory_space<hbm>>) target(%dma_start3A_190 : memref<128x64xf32, #tpu.memory_space<vmem>>) offsets(%dma_start3A_193 : memref<128xi32, #tpu.memory_space<vmem>>) semaphore(%arg14 : memref<!tpu.dma_semaphore, #tpu.memory_space<semaphore_mem>>)
          %dma_start3A_197 = arith.constant 6 : i32
          %dma_start3A_198 = arith.constant 768 : i32
          %dma_start3A_199 = arith.constant 0 : i32
          %dma_start3A_200 = tpu.memref_slice %arg11[%dma_start3A_198, %dma_start3A_199] : memref<1024x64xf32, #tpu.memory_space<vmem>> -> memref<128x64xf32, #tpu.memory_space<vmem>>
          %dma_start3A_201 = arith.constant 0 : i32
          %dma_start3A_202 = tpu.memref_slice %arg9[%dma_start3A_197, %dma_start3A_201] : memref<8x128xi32, #tpu.memory_space<vmem>> -> memref<1x128xi32, #tpu.memory_space<vmem>>
          %dma_start3A_203 = tpu.memref_squeeze %dma_start3A_202 : memref<1x128xi32, #tpu.memory_space<vmem>> -> memref<128xi32, #tpu.memory_space<vmem>>
          %dma_start3A_204 = arith.constant 0 : i32
          %dma_start3A_205 = arith.constant 0 : i32
          %dma_start3A_206 = tpu.memref_slice %arg5[%dma_start3A_204, %dma_start3A_205] : memref<10000x64xf32, #tpu.memory_space<hbm>> -> memref<10000x64xf32, #tpu.memory_space<hbm>>
          tpu.enqueue_indirect_dma source(%dma_start3A_206 : memref<10000x64xf32, #tpu.memory_space<hbm>>) target(%dma_start3A_200 : memref<128x64xf32, #tpu.memory_space<vmem>>) offsets(%dma_start3A_203 : memref<128xi32, #tpu.memory_space<vmem>>) semaphore(%arg14 : memref<!tpu.dma_semaphore, #tpu.memory_space<semaphore_mem>>)
          %dma_start3A_207 = arith.constant 7 : i32
          %dma_start3A_208 = arith.constant 896 : i32
          %dma_start3A_209 = arith.constant 0 : i32
          %dma_start3A_210 = tpu.memref_slice %arg11[%dma_start3A_208, %dma_start3A_209] : memref<1024x64xf32, #tpu.memory_space<vmem>> -> memref<128x64xf32, #tpu.memory_space<vmem>>
          %dma_start3A_211 = arith.constant 0 : i32
          %dma_start3A_212 = tpu.memref_slice %arg9[%dma_start3A_207, %dma_start3A_211] : memref<8x128xi32, #tpu.memory_space<vmem>> -> memref<1x128xi32, #tpu.memory_space<vmem>>
          %dma_start3A_213 = tpu.memref_squeeze %dma_start3A_212 : memref<1x128xi32, #tpu.memory_space<vmem>> -> memref<128xi32, #tpu.memory_space<vmem>>
          %dma_start3A_214 = arith.constant 0 : i32
          %dma_start3A_215 = arith.constant 0 : i32
          %dma_start3A_216 = tpu.memref_slice %arg5[%dma_start3A_214, %dma_start3A_215] : memref<10000x64xf32, #tpu.memory_space<hbm>> -> memref<10000x64xf32, #tpu.memory_space<hbm>>
          tpu.enqueue_indirect_dma source(%dma_start3A_216 : memref<10000x64xf32, #tpu.memory_space<hbm>>) target(%dma_start3A_210 : memref<128x64xf32, #tpu.memory_space<vmem>>) offsets(%dma_start3A_213 : memref<128xi32, #tpu.memory_space<vmem>>) semaphore(%arg14 : memref<!tpu.dma_semaphore, #tpu.memory_space<semaphore_mem>>)
        } else {
        }
      } else {
      }
      %run_scoped3A = arith.constant 0 : i32
      "tpu.region"() ({
        %run_scoped3A_160 = tpu.sem_alloc : memref<!tpu.dma_semaphore, #tpu.memory_space<semaphore_mem>>
        %dma_start3A = arith.constant 0 : i32
        %dma_start3A_161 = arith.constant 0 : i32
        %dma_start3A_162 = tpu.memref_slice %arg11[%dma_start3A, %dma_start3A_161] : memref<1024x64xf32, #tpu.memory_space<vmem>> -> memref<128x64xf32, #tpu.memory_space<vmem>>
        %dma_start3A_163 = arith.constant 0 : i32
        %dma_start3A_164 = tpu.memref_slice %arg10[%run_scoped3A, %dma_start3A_163] : memref<8x128xi32, #tpu.memory_space<vmem>> -> memref<1x128xi32, #tpu.memory_space<vmem>>
        %dma_start3A_165 = tpu.memref_squeeze %dma_start3A_164 : memref<1x128xi32, #tpu.memory_space<vmem>> -> memref<128xi32, #tpu.memory_space<vmem>>
        %dma_start3A_166 = arith.constant 0 : i32
        %dma_start3A_167 = arith.constant 0 : i32
        %dma_start3A_168 = tpu.memref_slice %arg13[%dma_start3A_166, %dma_start3A_167] : memref<10240x64xf32, #tpu.memory_space<vmem_shared>> -> memref<10240x64xf32, #tpu.memory_space<vmem_shared>>
        tpu.enqueue_indirect_dma source(%dma_start3A_162 : memref<128x64xf32, #tpu.memory_space<vmem>>) target(%dma_start3A_168 : memref<10240x64xf32, #tpu.memory_space<vmem_shared>>) offsets(%dma_start3A_165 : memref<128xi32, #tpu.memory_space<vmem>>) semaphore(%run_scoped3A_160 : memref<!tpu.dma_semaphore, #tpu.memory_space<semaphore_mem>>) {add = true}
        %dma_wait3A_169 = arith.constant 0 : i32
        %dma_wait3A_170 = arith.constant 0 : i32
        %dma_wait3A_171 = tpu.memref_slice %arg11[%dma_wait3A_169, %dma_wait3A_170] : memref<1024x64xf32, #tpu.memory_space<vmem>> -> memref<128x64xf32, #tpu.memory_space<vmem>>
        %dma_wait3A_172 = arith.constant 0 : i32
        %dma_wait3A_173 = tpu.memref_slice %arg10[%run_scoped3A, %dma_wait3A_172] : memref<8x128xi32, #tpu.memory_space<vmem>> -> memref<1x128xi32, #tpu.memory_space<vmem>>
        %dma_wait3A_174 = tpu.memref_squeeze %dma_wait3A_173 : memref<1x128xi32, #tpu.memory_space<vmem>> -> memref<128xi32, #tpu.memory_space<vmem>>
        %dma_wait3A_175 = arith.constant 0 : i32
        %dma_wait3A_176 = arith.constant 0 : i32
        %dma_wait3A_177 = tpu.memref_slice %arg13[%dma_wait3A_175, %dma_wait3A_176] : memref<10240x64xf32, #tpu.memory_space<vmem_shared>> -> memref<10240x64xf32, #tpu.memory_space<vmem_shared>>
        tpu.wait_indirect_dma semaphore(%run_scoped3A_160 : memref<!tpu.dma_semaphore, #tpu.memory_space<semaphore_mem>>) src(%dma_wait3A_171 : memref<128x64xf32, #tpu.memory_space<vmem>>) dst(%dma_wait3A_177 : memref<10240x64xf32, #tpu.memory_space<vmem_shared>>)
        tpu.yield
      }) : () -> ()
      %run_scoped3A_133 = arith.constant 1 : i32
      "tpu.region"() ({
        %run_scoped3A_160 = tpu.sem_alloc : memref<!tpu.dma_semaphore, #tpu.memory_space<semaphore_mem>>
        %dma_start3A = arith.constant 128 : i32
        %dma_start3A_161 = arith.constant 0 : i32
        %dma_start3A_162 = tpu.memref_slice %arg11[%dma_start3A, %dma_start3A_161] : memref<1024x64xf32, #tpu.memory_space<vmem>> -> memref<128x64xf32, #tpu.memory_space<vmem>>
        %dma_start3A_163 = arith.constant 0 : i32
        %dma_start3A_164 = tpu.memref_slice %arg10[%run_scoped3A_133, %dma_start3A_163] : memref<8x128xi32, #tpu.memory_space<vmem>> -> memref<1x128xi32, #tpu.memory_space<vmem>>
        %dma_start3A_165 = tpu.memref_squeeze %dma_start3A_164 : memref<1x128xi32, #tpu.memory_space<vmem>> -> memref<128xi32, #tpu.memory_space<vmem>>
        %dma_start3A_166 = arith.constant 0 : i32
        %dma_start3A_167 = arith.constant 0 : i32
        %dma_start3A_168 = tpu.memref_slice %arg13[%dma_start3A_166, %dma_start3A_167] : memref<10240x64xf32, #tpu.memory_space<vmem_shared>> -> memref<10240x64xf32, #tpu.memory_space<vmem_shared>>
        tpu.enqueue_indirect_dma source(%dma_start3A_162 : memref<128x64xf32, #tpu.memory_space<vmem>>) target(%dma_start3A_168 : memref<10240x64xf32, #tpu.memory_space<vmem_shared>>) offsets(%dma_start3A_165 : memref<128xi32, #tpu.memory_space<vmem>>) semaphore(%run_scoped3A_160 : memref<!tpu.dma_semaphore, #tpu.memory_space<semaphore_mem>>) {add = true}
        %dma_wait3A_169 = arith.constant 128 : i32
        %dma_wait3A_170 = arith.constant 0 : i32
        %dma_wait3A_171 = tpu.memref_slice %arg11[%dma_wait3A_169, %dma_wait3A_170] : memref<1024x64xf32, #tpu.memory_space<vmem>> -> memref<128x64xf32, #tpu.memory_space<vmem>>
        %dma_wait3A_172 = arith.constant 0 : i32
        %dma_wait3A_173 = tpu.memref_slice %arg10[%run_scoped3A_133, %dma_wait3A_172] : memref<8x128xi32, #tpu.memory_space<vmem>> -> memref<1x128xi32, #tpu.memory_space<vmem>>
        %dma_wait3A_174 = tpu.memref_squeeze %dma_wait3A_173 : memref<1x128xi32, #tpu.memory_space<vmem>> -> memref<128xi32, #tpu.memory_space<vmem>>
        %dma_wait3A_175 = arith.constant 0 : i32
        %dma_wait3A_176 = arith.constant 0 : i32
        %dma_wait3A_177 = tpu.memref_slice %arg13[%dma_wait3A_175, %dma_wait3A_176] : memref<10240x64xf32, #tpu.memory_space<vmem_shared>> -> memref<10240x64xf32, #tpu.memory_space<vmem_shared>>
        tpu.wait_indirect_dma semaphore(%run_scoped3A_160 : memref<!tpu.dma_semaphore, #tpu.memory_space<semaphore_mem>>) src(%dma_wait3A_171 : memref<128x64xf32, #tpu.memory_space<vmem>>) dst(%dma_wait3A_177 : memref<10240x64xf32, #tpu.memory_space<vmem_shared>>)
        tpu.yield
      }) : () -> ()
      %run_scoped3A_134 = arith.constant 2 : i32
      "tpu.region"() ({
        %run_scoped3A_160 = tpu.sem_alloc : memref<!tpu.dma_semaphore, #tpu.memory_space<semaphore_mem>>
        %dma_start3A = arith.constant 256 : i32
        %dma_start3A_161 = arith.constant 0 : i32
        %dma_start3A_162 = tpu.memref_slice %arg11[%dma_start3A, %dma_start3A_161] : memref<1024x64xf32, #tpu.memory_space<vmem>> -> memref<128x64xf32, #tpu.memory_space<vmem>>
        %dma_start3A_163 = arith.constant 0 : i32
        %dma_start3A_164 = tpu.memref_slice %arg10[%run_scoped3A_134, %dma_start3A_163] : memref<8x128xi32, #tpu.memory_space<vmem>> -> memref<1x128xi32, #tpu.memory_space<vmem>>
        %dma_start3A_165 = tpu.memref_squeeze %dma_start3A_164 : memref<1x128xi32, #tpu.memory_space<vmem>> -> memref<128xi32, #tpu.memory_space<vmem>>
        %dma_start3A_166 = arith.constant 0 : i32
        %dma_start3A_167 = arith.constant 0 : i32
        %dma_start3A_168 = tpu.memref_slice %arg13[%dma_start3A_166, %dma_start3A_167] : memref<10240x64xf32, #tpu.memory_space<vmem_shared>> -> memref<10240x64xf32, #tpu.memory_space<vmem_shared>>
        tpu.enqueue_indirect_dma source(%dma_start3A_162 : memref<128x64xf32, #tpu.memory_space<vmem>>) target(%dma_start3A_168 : memref<10240x64xf32, #tpu.memory_space<vmem_shared>>) offsets(%dma_start3A_165 : memref<128xi32, #tpu.memory_space<vmem>>) semaphore(%run_scoped3A_160 : memref<!tpu.dma_semaphore, #tpu.memory_space<semaphore_mem>>) {add = true}
        %dma_wait3A_169 = arith.constant 256 : i32
        %dma_wait3A_170 = arith.constant 0 : i32
        %dma_wait3A_171 = tpu.memref_slice %arg11[%dma_wait3A_169, %dma_wait3A_170] : memref<1024x64xf32, #tpu.memory_space<vmem>> -> memref<128x64xf32, #tpu.memory_space<vmem>>
        %dma_wait3A_172 = arith.constant 0 : i32
        %dma_wait3A_173 = tpu.memref_slice %arg10[%run_scoped3A_134, %dma_wait3A_172] : memref<8x128xi32, #tpu.memory_space<vmem>> -> memref<1x128xi32, #tpu.memory_space<vmem>>
        %dma_wait3A_174 = tpu.memref_squeeze %dma_wait3A_173 : memref<1x128xi32, #tpu.memory_space<vmem>> -> memref<128xi32, #tpu.memory_space<vmem>>
        %dma_wait3A_175 = arith.constant 0 : i32
        %dma_wait3A_176 = arith.constant 0 : i32
        %dma_wait3A_177 = tpu.memref_slice %arg13[%dma_wait3A_175, %dma_wait3A_176] : memref<10240x64xf32, #tpu.memory_space<vmem_shared>> -> memref<10240x64xf32, #tpu.memory_space<vmem_shared>>
        tpu.wait_indirect_dma semaphore(%run_scoped3A_160 : memref<!tpu.dma_semaphore, #tpu.memory_space<semaphore_mem>>) src(%dma_wait3A_171 : memref<128x64xf32, #tpu.memory_space<vmem>>) dst(%dma_wait3A_177 : memref<10240x64xf32, #tpu.memory_space<vmem_shared>>)
        tpu.yield
      }) : () -> ()
      %run_scoped3A_135 = arith.constant 3 : i32
      "tpu.region"() ({
        %run_scoped3A_160 = tpu.sem_alloc : memref<!tpu.dma_semaphore, #tpu.memory_space<semaphore_mem>>
        %dma_start3A = arith.constant 384 : i32
        %dma_start3A_161 = arith.constant 0 : i32
        %dma_start3A_162 = tpu.memref_slice %arg11[%dma_start3A, %dma_start3A_161] : memref<1024x64xf32, #tpu.memory_space<vmem>> -> memref<128x64xf32, #tpu.memory_space<vmem>>
        %dma_start3A_163 = arith.constant 0 : i32
        %dma_start3A_164 = tpu.memref_slice %arg10[%run_scoped3A_135, %dma_start3A_163] : memref<8x128xi32, #tpu.memory_space<vmem>> -> memref<1x128xi32, #tpu.memory_space<vmem>>
        %dma_start3A_165 = tpu.memref_squeeze %dma_start3A_164 : memref<1x128xi32, #tpu.memory_space<vmem>> -> memref<128xi32, #tpu.memory_space<vmem>>
        %dma_start3A_166 = arith.constant 0 : i32
        %dma_start3A_167 = arith.constant 0 : i32
        %dma_start3A_168 = tpu.memref_slice %arg13[%dma_start3A_166, %dma_start3A_167] : memref<10240x64xf32, #tpu.memory_space<vmem_shared>> -> memref<10240x64xf32, #tpu.memory_space<vmem_shared>>
        tpu.enqueue_indirect_dma source(%dma_start3A_162 : memref<128x64xf32, #tpu.memory_space<vmem>>) target(%dma_start3A_168 : memref<10240x64xf32, #tpu.memory_space<vmem_shared>>) offsets(%dma_start3A_165 : memref<128xi32, #tpu.memory_space<vmem>>) semaphore(%run_scoped3A_160 : memref<!tpu.dma_semaphore, #tpu.memory_space<semaphore_mem>>) {add = true}
        %dma_wait3A_169 = arith.constant 384 : i32
        %dma_wait3A_170 = arith.constant 0 : i32
        %dma_wait3A_171 = tpu.memref_slice %arg11[%dma_wait3A_169, %dma_wait3A_170] : memref<1024x64xf32, #tpu.memory_space<vmem>> -> memref<128x64xf32, #tpu.memory_space<vmem>>
        %dma_wait3A_172 = arith.constant 0 : i32
        %dma_wait3A_173 = tpu.memref_slice %arg10[%run_scoped3A_135, %dma_wait3A_172] : memref<8x128xi32, #tpu.memory_space<vmem>> -> memref<1x128xi32, #tpu.memory_space<vmem>>
        %dma_wait3A_174 = tpu.memref_squeeze %dma_wait3A_173 : memref<1x128xi32, #tpu.memory_space<vmem>> -> memref<128xi32, #tpu.memory_space<vmem>>
        %dma_wait3A_175 = arith.constant 0 : i32
        %dma_wait3A_176 = arith.constant 0 : i32
        %dma_wait3A_177 = tpu.memref_slice %arg13[%dma_wait3A_175, %dma_wait3A_176] : memref<10240x64xf32, #tpu.memory_space<vmem_shared>> -> memref<10240x64xf32, #tpu.memory_space<vmem_shared>>
        tpu.wait_indirect_dma semaphore(%run_scoped3A_160 : memref<!tpu.dma_semaphore, #tpu.memory_space<semaphore_mem>>) src(%dma_wait3A_171 : memref<128x64xf32, #tpu.memory_space<vmem>>) dst(%dma_wait3A_177 : memref<10240x64xf32, #tpu.memory_space<vmem_shared>>)
        tpu.yield
      }) : () -> ()
      %dma_wait3A_136 = arith.constant 512 : i32
      %dma_wait3A_137 = arith.constant 0 : i32
      %dma_wait3A_138 = tpu.memref_slice %arg11[%dma_wait3A_136, %dma_wait3A_137] : memref<1024x64xf32, #tpu.memory_space<vmem>> -> memref<512x64xf32, #tpu.memory_space<vmem>>
      %dma_wait3A_139 = arith.constant 0 : i32
      %dma_wait3A_140 = arith.constant 0 : i32
      %dma_wait3A_141 = tpu.memref_slice %arg3[%dma_wait3A_139, %dma_wait3A_140] : memref<10000x64xf32, #tpu.memory_space<hbm>> -> memref<512x64xf32, #tpu.memory_space<hbm>>
      %dma_wait3A_142 = arith.constant 512 : i32
      %dma_wait3A_143 = arith.constant 0 : i32
      %dma_wait3A_144 = tpu.memref_slice %arg11[%dma_wait3A_142, %dma_wait3A_143] : memref<1024x64xf32, #tpu.memory_space<vmem>> -> memref<512x64xf32, #tpu.memory_space<vmem>>
      %dma_wait3A_145 = arith.constant 0 : i32
      %dma_wait3A_146 = arith.constant 0 : i32
      %dma_wait3A_147 = tpu.memref_slice %arg3[%dma_wait3A_145, %dma_wait3A_146] : memref<10000x64xf32, #tpu.memory_space<hbm>> -> memref<512x64xf32, #tpu.memory_space<hbm>>
      tpu.wait_dma2 semaphore(%arg14 : memref<!tpu.dma_semaphore, #tpu.memory_space<semaphore_mem>>) src(%dma_wait3A_147 : memref<512x64xf32, #tpu.memory_space<hbm>>) dst(%dma_wait3A_144 : memref<512x64xf32, #tpu.memory_space<vmem>>)
      %add3A_148 = arith.constant 2 : i32
      %add3A_149 = arith.addi %mul3A_115, %add3A_148 : i32
      %lt3A_150 = arith.constant 40 : i32
      %lt3A_151 = arith.cmpi slt, %add3A_149, %lt3A_150 : i32
      %convert_element_type3A_152 = arith.extui %lt3A_151 : i1 to i32
      %cond3A_153 = arith.constant 0 : i32
      %cond3A_154 = arith.cmpi ne, %convert_element_type3A_152, %cond3A_153 : i32
      scf.if %cond3A_154 {
        %add3A_160 = arith.constant 2 : i32
        %add3A_161 = arith.addi %mul3A_115, %add3A_160 : i32
        %mul3A_162 = arith.constant 4 : i32
        %mul3A_163 = arith.muli %add3A_161, %mul3A_162 : i32
        %add3A_164 = arith.addi %mul3A_6, %mul3A_163 : i32
        "tpu.region"() ({
          %run_scoped3A_178 = tpu.sem_alloc : memref<!tpu.dma_semaphore, #tpu.memory_space<semaphore_mem>>
          %dma_start3A = arith.constant 0 : i32
          %dma_start3A_179 = arith.constant 0 : i32
          %dma_start3A_180 = tpu.memref_slice %arg9[%dma_start3A, %dma_start3A_179] : memref<8x128xi32, #tpu.memory_space<vmem>> -> memref<4x128xi32, #tpu.memory_space<vmem>>
          %dma_start3A_181 = arith.constant 0 : i32
          %dma_start3A_182 = tpu.memref_slice %arg6[%add3A_164, %dma_start3A_181] : memref<2560x128xi32, #tpu.memory_space<hbm>> -> memref<4x128xi32, #tpu.memory_space<hbm>>
          %dma_start3A_183 = arith.constant 0 : i32
          %dma_start3A_184 = arith.constant 0 : i32
          %dma_start3A_185 = tpu.memref_slice %arg9[%dma_start3A_183, %dma_start3A_184] : memref<8x128xi32, #tpu.memory_space<vmem>> -> memref<4x128xi32, #tpu.memory_space<vmem>>
          %dma_start3A_186 = arith.constant 0 : i32
          %dma_start3A_187 = tpu.memref_slice %arg6[%add3A_164, %dma_start3A_186] : memref<2560x128xi32, #tpu.memory_space<hbm>> -> memref<4x128xi32, #tpu.memory_space<hbm>>
          tpu.enqueue_dma source(%dma_start3A_187 : memref<4x128xi32, #tpu.memory_space<hbm>>) target(%dma_start3A_185 : memref<4x128xi32, #tpu.memory_space<vmem>>) target_semaphore(%run_scoped3A_178 : memref<!tpu.dma_semaphore, #tpu.memory_space<semaphore_mem>>)
          %dma_wait3A_188 = arith.constant 0 : i32
          %dma_wait3A_189 = arith.constant 0 : i32
          %dma_wait3A_190 = tpu.memref_slice %arg9[%dma_wait3A_188, %dma_wait3A_189] : memref<8x128xi32, #tpu.memory_space<vmem>> -> memref<4x128xi32, #tpu.memory_space<vmem>>
          %dma_wait3A_191 = arith.constant 0 : i32
          %dma_wait3A_192 = tpu.memref_slice %arg6[%add3A_164, %dma_wait3A_191] : memref<2560x128xi32, #tpu.memory_space<hbm>> -> memref<4x128xi32, #tpu.memory_space<hbm>>
          %dma_wait3A_193 = arith.constant 0 : i32
          %dma_wait3A_194 = arith.constant 0 : i32
          %dma_wait3A_195 = tpu.memref_slice %arg9[%dma_wait3A_193, %dma_wait3A_194] : memref<8x128xi32, #tpu.memory_space<vmem>> -> memref<4x128xi32, #tpu.memory_space<vmem>>
          %dma_wait3A_196 = arith.constant 0 : i32
          %dma_wait3A_197 = tpu.memref_slice %arg6[%add3A_164, %dma_wait3A_196] : memref<2560x128xi32, #tpu.memory_space<hbm>> -> memref<4x128xi32, #tpu.memory_space<hbm>>
          tpu.wait_dma2 semaphore(%run_scoped3A_178 : memref<!tpu.dma_semaphore, #tpu.memory_space<semaphore_mem>>) src(%dma_wait3A_197 : memref<4x128xi32, #tpu.memory_space<hbm>>) dst(%dma_wait3A_195 : memref<4x128xi32, #tpu.memory_space<vmem>>)
          tpu.yield
        }) : () -> ()
        %mul3A_165 = arith.constant 4 : i32
        %mul3A_166 = arith.muli %add3A_161, %mul3A_165 : i32
        %add3A_167 = arith.addi %mul3A_6, %mul3A_166 : i32
        "tpu.region"() ({
          %run_scoped3A_178 = tpu.sem_alloc : memref<!tpu.dma_semaphore, #tpu.memory_space<semaphore_mem>>
          %dma_start3A = arith.constant 0 : i32
          %dma_start3A_179 = arith.constant 0 : i32
          %dma_start3A_180 = tpu.memref_slice %arg10[%dma_start3A, %dma_start3A_179] : memref<8x128xi32, #tpu.memory_space<vmem>> -> memref<4x128xi32, #tpu.memory_space<vmem>>
          %dma_start3A_181 = arith.constant 0 : i32
          %dma_start3A_182 = tpu.memref_slice %arg7[%add3A_167, %dma_start3A_181] : memref<2560x128xi32, #tpu.memory_space<hbm>> -> memref<4x128xi32, #tpu.memory_space<hbm>>
          %dma_start3A_183 = arith.constant 0 : i32
          %dma_start3A_184 = arith.constant 0 : i32
          %dma_start3A_185 = tpu.memref_slice %arg10[%dma_start3A_183, %dma_start3A_184] : memref<8x128xi32, #tpu.memory_space<vmem>> -> memref<4x128xi32, #tpu.memory_space<vmem>>
          %dma_start3A_186 = arith.constant 0 : i32
          %dma_start3A_187 = tpu.memref_slice %arg7[%add3A_167, %dma_start3A_186] : memref<2560x128xi32, #tpu.memory_space<hbm>> -> memref<4x128xi32, #tpu.memory_space<hbm>>
          tpu.enqueue_dma source(%dma_start3A_187 : memref<4x128xi32, #tpu.memory_space<hbm>>) target(%dma_start3A_185 : memref<4x128xi32, #tpu.memory_space<vmem>>) target_semaphore(%run_scoped3A_178 : memref<!tpu.dma_semaphore, #tpu.memory_space<semaphore_mem>>)
          %dma_wait3A_188 = arith.constant 0 : i32
          %dma_wait3A_189 = arith.constant 0 : i32
          %dma_wait3A_190 = tpu.memref_slice %arg10[%dma_wait3A_188, %dma_wait3A_189] : memref<8x128xi32, #tpu.memory_space<vmem>> -> memref<4x128xi32, #tpu.memory_space<vmem>>
          %dma_wait3A_191 = arith.constant 0 : i32
          %dma_wait3A_192 = tpu.memref_slice %arg7[%add3A_167, %dma_wait3A_191] : memref<2560x128xi32, #tpu.memory_space<hbm>> -> memref<4x128xi32, #tpu.memory_space<hbm>>
          %dma_wait3A_193 = arith.constant 0 : i32
          %dma_wait3A_194 = arith.constant 0 : i32
          %dma_wait3A_195 = tpu.memref_slice %arg10[%dma_wait3A_193, %dma_wait3A_194] : memref<8x128xi32, #tpu.memory_space<vmem>> -> memref<4x128xi32, #tpu.memory_space<vmem>>
          %dma_wait3A_196 = arith.constant 0 : i32
          %dma_wait3A_197 = tpu.memref_slice %arg7[%add3A_167, %dma_wait3A_196] : memref<2560x128xi32, #tpu.memory_space<hbm>> -> memref<4x128xi32, #tpu.memory_space<hbm>>
          tpu.wait_dma2 semaphore(%run_scoped3A_178 : memref<!tpu.dma_semaphore, #tpu.memory_space<semaphore_mem>>) src(%dma_wait3A_197 : memref<4x128xi32, #tpu.memory_space<hbm>>) dst(%dma_wait3A_195 : memref<4x128xi32, #tpu.memory_space<vmem>>)
          tpu.yield
        }) : () -> ()
        %eq3A_168 = arith.constant 0 : i32
        %eq3A_169 = arith.cmpi eq, %arg0, %eq3A_168 : i32
        %convert_element_type3A_170 = arith.extui %eq3A_169 : i1 to i32
        %cond3A_171 = arith.constant 0 : i32
        %cond3A_172 = arith.cmpi ne, %convert_element_type3A_170, %cond3A_171 : i32
        scf.if %cond3A_172 {
          %dma_start3A = arith.constant 0 : i32
          %dma_start3A_178 = arith.constant 0 : i32
          %dma_start3A_179 = arith.constant 0 : i32
          %dma_start3A_180 = tpu.memref_slice %arg11[%dma_start3A_178, %dma_start3A_179] : memref<1024x64xf32, #tpu.memory_space<vmem>> -> memref<128x64xf32, #tpu.memory_space<vmem>>
          %dma_start3A_181 = arith.constant 0 : i32
          %dma_start3A_182 = tpu.memref_slice %arg9[%dma_start3A, %dma_start3A_181] : memref<8x128xi32, #tpu.memory_space<vmem>> -> memref<1x128xi32, #tpu.memory_space<vmem>>
          %dma_start3A_183 = tpu.memref_squeeze %dma_start3A_182 : memref<1x128xi32, #tpu.memory_space<vmem>> -> memref<128xi32, #tpu.memory_space<vmem>>
          %dma_start3A_184 = arith.constant 0 : i32
          %dma_start3A_185 = arith.constant 0 : i32
          %dma_start3A_186 = tpu.memref_slice %arg3[%dma_start3A_184, %dma_start3A_185] : memref<10000x64xf32, #tpu.memory_space<hbm>> -> memref<10000x64xf32, #tpu.memory_space<hbm>>
          tpu.enqueue_indirect_dma source(%dma_start3A_186 : memref<10000x64xf32, #tpu.memory_space<hbm>>) target(%dma_start3A_180 : memref<128x64xf32, #tpu.memory_space<vmem>>) offsets(%dma_start3A_183 : memref<128xi32, #tpu.memory_space<vmem>>) semaphore(%arg14 : memref<!tpu.dma_semaphore, #tpu.memory_space<semaphore_mem>>)
          %dma_start3A_187 = arith.constant 1 : i32
          %dma_start3A_188 = arith.constant 128 : i32
          %dma_start3A_189 = arith.constant 0 : i32
          %dma_start3A_190 = tpu.memref_slice %arg11[%dma_start3A_188, %dma_start3A_189] : memref<1024x64xf32, #tpu.memory_space<vmem>> -> memref<128x64xf32, #tpu.memory_space<vmem>>
          %dma_start3A_191 = arith.constant 0 : i32
          %dma_start3A_192 = tpu.memref_slice %arg9[%dma_start3A_187, %dma_start3A_191] : memref<8x128xi32, #tpu.memory_space<vmem>> -> memref<1x128xi32, #tpu.memory_space<vmem>>
          %dma_start3A_193 = tpu.memref_squeeze %dma_start3A_192 : memref<1x128xi32, #tpu.memory_space<vmem>> -> memref<128xi32, #tpu.memory_space<vmem>>
          %dma_start3A_194 = arith.constant 0 : i32
          %dma_start3A_195 = arith.constant 0 : i32
          %dma_start3A_196 = tpu.memref_slice %arg3[%dma_start3A_194, %dma_start3A_195] : memref<10000x64xf32, #tpu.memory_space<hbm>> -> memref<10000x64xf32, #tpu.memory_space<hbm>>
          tpu.enqueue_indirect_dma source(%dma_start3A_196 : memref<10000x64xf32, #tpu.memory_space<hbm>>) target(%dma_start3A_190 : memref<128x64xf32, #tpu.memory_space<vmem>>) offsets(%dma_start3A_193 : memref<128xi32, #tpu.memory_space<vmem>>) semaphore(%arg14 : memref<!tpu.dma_semaphore, #tpu.memory_space<semaphore_mem>>)
          %dma_start3A_197 = arith.constant 2 : i32
          %dma_start3A_198 = arith.constant 256 : i32
          %dma_start3A_199 = arith.constant 0 : i32
          %dma_start3A_200 = tpu.memref_slice %arg11[%dma_start3A_198, %dma_start3A_199] : memref<1024x64xf32, #tpu.memory_space<vmem>> -> memref<128x64xf32, #tpu.memory_space<vmem>>
          %dma_start3A_201 = arith.constant 0 : i32
          %dma_start3A_202 = tpu.memref_slice %arg9[%dma_start3A_197, %dma_start3A_201] : memref<8x128xi32, #tpu.memory_space<vmem>> -> memref<1x128xi32, #tpu.memory_space<vmem>>
          %dma_start3A_203 = tpu.memref_squeeze %dma_start3A_202 : memref<1x128xi32, #tpu.memory_space<vmem>> -> memref<128xi32, #tpu.memory_space<vmem>>
          %dma_start3A_204 = arith.constant 0 : i32
          %dma_start3A_205 = arith.constant 0 : i32
          %dma_start3A_206 = tpu.memref_slice %arg3[%dma_start3A_204, %dma_start3A_205] : memref<10000x64xf32, #tpu.memory_space<hbm>> -> memref<10000x64xf32, #tpu.memory_space<hbm>>
          tpu.enqueue_indirect_dma source(%dma_start3A_206 : memref<10000x64xf32, #tpu.memory_space<hbm>>) target(%dma_start3A_200 : memref<128x64xf32, #tpu.memory_space<vmem>>) offsets(%dma_start3A_203 : memref<128xi32, #tpu.memory_space<vmem>>) semaphore(%arg14 : memref<!tpu.dma_semaphore, #tpu.memory_space<semaphore_mem>>)
          %dma_start3A_207 = arith.constant 3 : i32
          %dma_start3A_208 = arith.constant 384 : i32
          %dma_start3A_209 = arith.constant 0 : i32
          %dma_start3A_210 = tpu.memref_slice %arg11[%dma_start3A_208, %dma_start3A_209] : memref<1024x64xf32, #tpu.memory_space<vmem>> -> memref<128x64xf32, #tpu.memory_space<vmem>>
          %dma_start3A_211 = arith.constant 0 : i32
          %dma_start3A_212 = tpu.memref_slice %arg9[%dma_start3A_207, %dma_start3A_211] : memref<8x128xi32, #tpu.memory_space<vmem>> -> memref<1x128xi32, #tpu.memory_space<vmem>>
          %dma_start3A_213 = tpu.memref_squeeze %dma_start3A_212 : memref<1x128xi32, #tpu.memory_space<vmem>> -> memref<128xi32, #tpu.memory_space<vmem>>
          %dma_start3A_214 = arith.constant 0 : i32
          %dma_start3A_215 = arith.constant 0 : i32
          %dma_start3A_216 = tpu.memref_slice %arg3[%dma_start3A_214, %dma_start3A_215] : memref<10000x64xf32, #tpu.memory_space<hbm>> -> memref<10000x64xf32, #tpu.memory_space<hbm>>
          tpu.enqueue_indirect_dma source(%dma_start3A_216 : memref<10000x64xf32, #tpu.memory_space<hbm>>) target(%dma_start3A_210 : memref<128x64xf32, #tpu.memory_space<vmem>>) offsets(%dma_start3A_213 : memref<128xi32, #tpu.memory_space<vmem>>) semaphore(%arg14 : memref<!tpu.dma_semaphore, #tpu.memory_space<semaphore_mem>>)
        } else {
        }
        %eq3A_173 = arith.constant 1 : i32
        %eq3A_174 = arith.cmpi eq, %arg0, %eq3A_173 : i32
        %convert_element_type3A_175 = arith.extui %eq3A_174 : i1 to i32
        %cond3A_176 = arith.constant 0 : i32
        %cond3A_177 = arith.cmpi ne, %convert_element_type3A_175, %cond3A_176 : i32
        scf.if %cond3A_177 {
          %dma_start3A = arith.constant 0 : i32
          %dma_start3A_178 = arith.constant 0 : i32
          %dma_start3A_179 = arith.constant 0 : i32
          %dma_start3A_180 = tpu.memref_slice %arg11[%dma_start3A_178, %dma_start3A_179] : memref<1024x64xf32, #tpu.memory_space<vmem>> -> memref<128x64xf32, #tpu.memory_space<vmem>>
          %dma_start3A_181 = arith.constant 0 : i32
          %dma_start3A_182 = tpu.memref_slice %arg9[%dma_start3A, %dma_start3A_181] : memref<8x128xi32, #tpu.memory_space<vmem>> -> memref<1x128xi32, #tpu.memory_space<vmem>>
          %dma_start3A_183 = tpu.memref_squeeze %dma_start3A_182 : memref<1x128xi32, #tpu.memory_space<vmem>> -> memref<128xi32, #tpu.memory_space<vmem>>
          %dma_start3A_184 = arith.constant 0 : i32
          %dma_start3A_185 = arith.constant 0 : i32
          %dma_start3A_186 = tpu.memref_slice %arg5[%dma_start3A_184, %dma_start3A_185] : memref<10000x64xf32, #tpu.memory_space<hbm>> -> memref<10000x64xf32, #tpu.memory_space<hbm>>
          tpu.enqueue_indirect_dma source(%dma_start3A_186 : memref<10000x64xf32, #tpu.memory_space<hbm>>) target(%dma_start3A_180 : memref<128x64xf32, #tpu.memory_space<vmem>>) offsets(%dma_start3A_183 : memref<128xi32, #tpu.memory_space<vmem>>) semaphore(%arg14 : memref<!tpu.dma_semaphore, #tpu.memory_space<semaphore_mem>>)
          %dma_start3A_187 = arith.constant 1 : i32
          %dma_start3A_188 = arith.constant 128 : i32
          %dma_start3A_189 = arith.constant 0 : i32
          %dma_start3A_190 = tpu.memref_slice %arg11[%dma_start3A_188, %dma_start3A_189] : memref<1024x64xf32, #tpu.memory_space<vmem>> -> memref<128x64xf32, #tpu.memory_space<vmem>>
          %dma_start3A_191 = arith.constant 0 : i32
          %dma_start3A_192 = tpu.memref_slice %arg9[%dma_start3A_187, %dma_start3A_191] : memref<8x128xi32, #tpu.memory_space<vmem>> -> memref<1x128xi32, #tpu.memory_space<vmem>>
          %dma_start3A_193 = tpu.memref_squeeze %dma_start3A_192 : memref<1x128xi32, #tpu.memory_space<vmem>> -> memref<128xi32, #tpu.memory_space<vmem>>
          %dma_start3A_194 = arith.constant 0 : i32
          %dma_start3A_195 = arith.constant 0 : i32
          %dma_start3A_196 = tpu.memref_slice %arg5[%dma_start3A_194, %dma_start3A_195] : memref<10000x64xf32, #tpu.memory_space<hbm>> -> memref<10000x64xf32, #tpu.memory_space<hbm>>
          tpu.enqueue_indirect_dma source(%dma_start3A_196 : memref<10000x64xf32, #tpu.memory_space<hbm>>) target(%dma_start3A_190 : memref<128x64xf32, #tpu.memory_space<vmem>>) offsets(%dma_start3A_193 : memref<128xi32, #tpu.memory_space<vmem>>) semaphore(%arg14 : memref<!tpu.dma_semaphore, #tpu.memory_space<semaphore_mem>>)
          %dma_start3A_197 = arith.constant 2 : i32
          %dma_start3A_198 = arith.constant 256 : i32
          %dma_start3A_199 = arith.constant 0 : i32
          %dma_start3A_200 = tpu.memref_slice %arg11[%dma_start3A_198, %dma_start3A_199] : memref<1024x64xf32, #tpu.memory_space<vmem>> -> memref<128x64xf32, #tpu.memory_space<vmem>>
          %dma_start3A_201 = arith.constant 0 : i32
          %dma_start3A_202 = tpu.memref_slice %arg9[%dma_start3A_197, %dma_start3A_201] : memref<8x128xi32, #tpu.memory_space<vmem>> -> memref<1x128xi32, #tpu.memory_space<vmem>>
          %dma_start3A_203 = tpu.memref_squeeze %dma_start3A_202 : memref<1x128xi32, #tpu.memory_space<vmem>> -> memref<128xi32, #tpu.memory_space<vmem>>
          %dma_start3A_204 = arith.constant 0 : i32
          %dma_start3A_205 = arith.constant 0 : i32
          %dma_start3A_206 = tpu.memref_slice %arg5[%dma_start3A_204, %dma_start3A_205] : memref<10000x64xf32, #tpu.memory_space<hbm>> -> memref<10000x64xf32, #tpu.memory_space<hbm>>
          tpu.enqueue_indirect_dma source(%dma_start3A_206 : memref<10000x64xf32, #tpu.memory_space<hbm>>) target(%dma_start3A_200 : memref<128x64xf32, #tpu.memory_space<vmem>>) offsets(%dma_start3A_203 : memref<128xi32, #tpu.memory_space<vmem>>) semaphore(%arg14 : memref<!tpu.dma_semaphore, #tpu.memory_space<semaphore_mem>>)
          %dma_start3A_207 = arith.constant 3 : i32
          %dma_start3A_208 = arith.constant 384 : i32
          %dma_start3A_209 = arith.constant 0 : i32
          %dma_start3A_210 = tpu.memref_slice %arg11[%dma_start3A_208, %dma_start3A_209] : memref<1024x64xf32, #tpu.memory_space<vmem>> -> memref<128x64xf32, #tpu.memory_space<vmem>>
          %dma_start3A_211 = arith.constant 0 : i32
          %dma_start3A_212 = tpu.memref_slice %arg9[%dma_start3A_207, %dma_start3A_211] : memref<8x128xi32, #tpu.memory_space<vmem>> -> memref<1x128xi32, #tpu.memory_space<vmem>>
          %dma_start3A_213 = tpu.memref_squeeze %dma_start3A_212 : memref<1x128xi32, #tpu.memory_space<vmem>> -> memref<128xi32, #tpu.memory_space<vmem>>
          %dma_start3A_214 = arith.constant 0 : i32
          %dma_start3A_215 = arith.constant 0 : i32
          %dma_start3A_216 = tpu.memref_slice %arg5[%dma_start3A_214, %dma_start3A_215] : memref<10000x64xf32, #tpu.memory_space<hbm>> -> memref<10000x64xf32, #tpu.memory_space<hbm>>
          tpu.enqueue_indirect_dma source(%dma_start3A_216 : memref<10000x64xf32, #tpu.memory_space<hbm>>) target(%dma_start3A_210 : memref<128x64xf32, #tpu.memory_space<vmem>>) offsets(%dma_start3A_213 : memref<128xi32, #tpu.memory_space<vmem>>) semaphore(%arg14 : memref<!tpu.dma_semaphore, #tpu.memory_space<semaphore_mem>>)
        } else {
        }
      } else {
      }
      %run_scoped3A_155 = arith.constant 4 : i32
      "tpu.region"() ({
        %run_scoped3A_160 = tpu.sem_alloc : memref<!tpu.dma_semaphore, #tpu.memory_space<semaphore_mem>>
        %dma_start3A = arith.constant 512 : i32
        %dma_start3A_161 = arith.constant 0 : i32
        %dma_start3A_162 = tpu.memref_slice %arg11[%dma_start3A, %dma_start3A_161] : memref<1024x64xf32, #tpu.memory_space<vmem>> -> memref<128x64xf32, #tpu.memory_space<vmem>>
        %dma_start3A_163 = arith.constant 0 : i32
        %dma_start3A_164 = tpu.memref_slice %arg10[%run_scoped3A_155, %dma_start3A_163] : memref<8x128xi32, #tpu.memory_space<vmem>> -> memref<1x128xi32, #tpu.memory_space<vmem>>
        %dma_start3A_165 = tpu.memref_squeeze %dma_start3A_164 : memref<1x128xi32, #tpu.memory_space<vmem>> -> memref<128xi32, #tpu.memory_space<vmem>>
        %dma_start3A_166 = arith.constant 0 : i32
        %dma_start3A_167 = arith.constant 0 : i32
        %dma_start3A_168 = tpu.memref_slice %arg13[%dma_start3A_166, %dma_start3A_167] : memref<10240x64xf32, #tpu.memory_space<vmem_shared>> -> memref<10240x64xf32, #tpu.memory_space<vmem_shared>>
        tpu.enqueue_indirect_dma source(%dma_start3A_162 : memref<128x64xf32, #tpu.memory_space<vmem>>) target(%dma_start3A_168 : memref<10240x64xf32, #tpu.memory_space<vmem_shared>>) offsets(%dma_start3A_165 : memref<128xi32, #tpu.memory_space<vmem>>) semaphore(%run_scoped3A_160 : memref<!tpu.dma_semaphore, #tpu.memory_space<semaphore_mem>>) {add = true}
        %dma_wait3A_169 = arith.constant 512 : i32
        %dma_wait3A_170 = arith.constant 0 : i32
        %dma_wait3A_171 = tpu.memref_slice %arg11[%dma_wait3A_169, %dma_wait3A_170] : memref<1024x64xf32, #tpu.memory_space<vmem>> -> memref<128x64xf32, #tpu.memory_space<vmem>>
        %dma_wait3A_172 = arith.constant 0 : i32
        %dma_wait3A_173 = tpu.memref_slice %arg10[%run_scoped3A_155, %dma_wait3A_172] : memref<8x128xi32, #tpu.memory_space<vmem>> -> memref<1x128xi32, #tpu.memory_space<vmem>>
        %dma_wait3A_174 = tpu.memref_squeeze %dma_wait3A_173 : memref<1x128xi32, #tpu.memory_space<vmem>> -> memref<128xi32, #tpu.memory_space<vmem>>
        %dma_wait3A_175 = arith.constant 0 : i32
        %dma_wait3A_176 = arith.constant 0 : i32
        %dma_wait3A_177 = tpu.memref_slice %arg13[%dma_wait3A_175, %dma_wait3A_176] : memref<10240x64xf32, #tpu.memory_space<vmem_shared>> -> memref<10240x64xf32, #tpu.memory_space<vmem_shared>>
        tpu.wait_indirect_dma semaphore(%run_scoped3A_160 : memref<!tpu.dma_semaphore, #tpu.memory_space<semaphore_mem>>) src(%dma_wait3A_171 : memref<128x64xf32, #tpu.memory_space<vmem>>) dst(%dma_wait3A_177 : memref<10240x64xf32, #tpu.memory_space<vmem_shared>>)
        tpu.yield
      }) : () -> ()
      %run_scoped3A_156 = arith.constant 5 : i32
      "tpu.region"() ({
        %run_scoped3A_160 = tpu.sem_alloc : memref<!tpu.dma_semaphore, #tpu.memory_space<semaphore_mem>>
        %dma_start3A = arith.constant 640 : i32
        %dma_start3A_161 = arith.constant 0 : i32
        %dma_start3A_162 = tpu.memref_slice %arg11[%dma_start3A, %dma_start3A_161] : memref<1024x64xf32, #tpu.memory_space<vmem>> -> memref<128x64xf32, #tpu.memory_space<vmem>>
        %dma_start3A_163 = arith.constant 0 : i32
        %dma_start3A_164 = tpu.memref_slice %arg10[%run_scoped3A_156, %dma_start3A_163] : memref<8x128xi32, #tpu.memory_space<vmem>> -> memref<1x128xi32, #tpu.memory_space<vmem>>
        %dma_start3A_165 = tpu.memref_squeeze %dma_start3A_164 : memref<1x128xi32, #tpu.memory_space<vmem>> -> memref<128xi32, #tpu.memory_space<vmem>>
        %dma_start3A_166 = arith.constant 0 : i32
        %dma_start3A_167 = arith.constant 0 : i32
        %dma_start3A_168 = tpu.memref_slice %arg13[%dma_start3A_166, %dma_start3A_167] : memref<10240x64xf32, #tpu.memory_space<vmem_shared>> -> memref<10240x64xf32, #tpu.memory_space<vmem_shared>>
        tpu.enqueue_indirect_dma source(%dma_start3A_162 : memref<128x64xf32, #tpu.memory_space<vmem>>) target(%dma_start3A_168 : memref<10240x64xf32, #tpu.memory_space<vmem_shared>>) offsets(%dma_start3A_165 : memref<128xi32, #tpu.memory_space<vmem>>) semaphore(%run_scoped3A_160 : memref<!tpu.dma_semaphore, #tpu.memory_space<semaphore_mem>>) {add = true}
        %dma_wait3A_169 = arith.constant 640 : i32
        %dma_wait3A_170 = arith.constant 0 : i32
        %dma_wait3A_171 = tpu.memref_slice %arg11[%dma_wait3A_169, %dma_wait3A_170] : memref<1024x64xf32, #tpu.memory_space<vmem>> -> memref<128x64xf32, #tpu.memory_space<vmem>>
        %dma_wait3A_172 = arith.constant 0 : i32
        %dma_wait3A_173 = tpu.memref_slice %arg10[%run_scoped3A_156, %dma_wait3A_172] : memref<8x128xi32, #tpu.memory_space<vmem>> -> memref<1x128xi32, #tpu.memory_space<vmem>>
        %dma_wait3A_174 = tpu.memref_squeeze %dma_wait3A_173 : memref<1x128xi32, #tpu.memory_space<vmem>> -> memref<128xi32, #tpu.memory_space<vmem>>
        %dma_wait3A_175 = arith.constant 0 : i32
        %dma_wait3A_176 = arith.constant 0 : i32
        %dma_wait3A_177 = tpu.memref_slice %arg13[%dma_wait3A_175, %dma_wait3A_176] : memref<10240x64xf32, #tpu.memory_space<vmem_shared>> -> memref<10240x64xf32, #tpu.memory_space<vmem_shared>>
        tpu.wait_indirect_dma semaphore(%run_scoped3A_160 : memref<!tpu.dma_semaphore, #tpu.memory_space<semaphore_mem>>) src(%dma_wait3A_171 : memref<128x64xf32, #tpu.memory_space<vmem>>) dst(%dma_wait3A_177 : memref<10240x64xf32, #tpu.memory_space<vmem_shared>>)
        tpu.yield
      }) : () -> ()
      %run_scoped3A_157 = arith.constant 6 : i32
      "tpu.region"() ({
        %run_scoped3A_160 = tpu.sem_alloc : memref<!tpu.dma_semaphore, #tpu.memory_space<semaphore_mem>>
        %dma_start3A = arith.constant 768 : i32
        %dma_start3A_161 = arith.constant 0 : i32
        %dma_start3A_162 = tpu.memref_slice %arg11[%dma_start3A, %dma_start3A_161] : memref<1024x64xf32, #tpu.memory_space<vmem>> -> memref<128x64xf32, #tpu.memory_space<vmem>>
        %dma_start3A_163 = arith.constant 0 : i32
        %dma_start3A_164 = tpu.memref_slice %arg10[%run_scoped3A_157, %dma_start3A_163] : memref<8x128xi32, #tpu.memory_space<vmem>> -> memref<1x128xi32, #tpu.memory_space<vmem>>
        %dma_start3A_165 = tpu.memref_squeeze %dma_start3A_164 : memref<1x128xi32, #tpu.memory_space<vmem>> -> memref<128xi32, #tpu.memory_space<vmem>>
        %dma_start3A_166 = arith.constant 0 : i32
        %dma_start3A_167 = arith.constant 0 : i32
        %dma_start3A_168 = tpu.memref_slice %arg13[%dma_start3A_166, %dma_start3A_167] : memref<10240x64xf32, #tpu.memory_space<vmem_shared>> -> memref<10240x64xf32, #tpu.memory_space<vmem_shared>>
        tpu.enqueue_indirect_dma source(%dma_start3A_162 : memref<128x64xf32, #tpu.memory_space<vmem>>) target(%dma_start3A_168 : memref<10240x64xf32, #tpu.memory_space<vmem_shared>>) offsets(%dma_start3A_165 : memref<128xi32, #tpu.memory_space<vmem>>) semaphore(%run_scoped3A_160 : memref<!tpu.dma_semaphore, #tpu.memory_space<semaphore_mem>>) {add = true}
        %dma_wait3A_169 = arith.constant 768 : i32
        %dma_wait3A_170 = arith.constant 0 : i32
        %dma_wait3A_171 = tpu.memref_slice %arg11[%dma_wait3A_169, %dma_wait3A_170] : memref<1024x64xf32, #tpu.memory_space<vmem>> -> memref<128x64xf32, #tpu.memory_space<vmem>>
        %dma_wait3A_172 = arith.constant 0 : i32
        %dma_wait3A_173 = tpu.memref_slice %arg10[%run_scoped3A_157, %dma_wait3A_172] : memref<8x128xi32, #tpu.memory_space<vmem>> -> memref<1x128xi32, #tpu.memory_space<vmem>>
        %dma_wait3A_174 = tpu.memref_squeeze %dma_wait3A_173 : memref<1x128xi32, #tpu.memory_space<vmem>> -> memref<128xi32, #tpu.memory_space<vmem>>
        %dma_wait3A_175 = arith.constant 0 : i32
        %dma_wait3A_176 = arith.constant 0 : i32
        %dma_wait3A_177 = tpu.memref_slice %arg13[%dma_wait3A_175, %dma_wait3A_176] : memref<10240x64xf32, #tpu.memory_space<vmem_shared>> -> memref<10240x64xf32, #tpu.memory_space<vmem_shared>>
        tpu.wait_indirect_dma semaphore(%run_scoped3A_160 : memref<!tpu.dma_semaphore, #tpu.memory_space<semaphore_mem>>) src(%dma_wait3A_171 : memref<128x64xf32, #tpu.memory_space<vmem>>) dst(%dma_wait3A_177 : memref<10240x64xf32, #tpu.memory_space<vmem_shared>>)
        tpu.yield
      }) : () -> ()
      %run_scoped3A_158 = arith.constant 7 : i32
      "tpu.region"() ({
        %run_scoped3A_160 = tpu.sem_alloc : memref<!tpu.dma_semaphore, #tpu.memory_space<semaphore_mem>>
        %dma_start3A = arith.constant 896 : i32
        %dma_start3A_161 = arith.constant 0 : i32
        %dma_start3A_162 = tpu.memref_slice %arg11[%dma_start3A, %dma_start3A_161] : memref<1024x64xf32, #tpu.memory_space<vmem>> -> memref<128x64xf32, #tpu.memory_space<vmem>>
        %dma_start3A_163 = arith.constant 0 : i32
        %dma_start3A_164 = tpu.memref_slice %arg10[%run_scoped3A_158, %dma_start3A_163] : memref<8x128xi32, #tpu.memory_space<vmem>> -> memref<1x128xi32, #tpu.memory_space<vmem>>
        %dma_start3A_165 = tpu.memref_squeeze %dma_start3A_164 : memref<1x128xi32, #tpu.memory_space<vmem>> -> memref<128xi32, #tpu.memory_space<vmem>>
        %dma_start3A_166 = arith.constant 0 : i32
        %dma_start3A_167 = arith.constant 0 : i32
        %dma_start3A_168 = tpu.memref_slice %arg13[%dma_start3A_166, %dma_start3A_167] : memref<10240x64xf32, #tpu.memory_space<vmem_shared>> -> memref<10240x64xf32, #tpu.memory_space<vmem_shared>>
        tpu.enqueue_indirect_dma source(%dma_start3A_162 : memref<128x64xf32, #tpu.memory_space<vmem>>) target(%dma_start3A_168 : memref<10240x64xf32, #tpu.memory_space<vmem_shared>>) offsets(%dma_start3A_165 : memref<128xi32, #tpu.memory_space<vmem>>) semaphore(%run_scoped3A_160 : memref<!tpu.dma_semaphore, #tpu.memory_space<semaphore_mem>>) {add = true}
        %dma_wait3A_169 = arith.constant 896 : i32
        %dma_wait3A_170 = arith.constant 0 : i32
        %dma_wait3A_171 = tpu.memref_slice %arg11[%dma_wait3A_169, %dma_wait3A_170] : memref<1024x64xf32, #tpu.memory_space<vmem>> -> memref<128x64xf32, #tpu.memory_space<vmem>>
        %dma_wait3A_172 = arith.constant 0 : i32
        %dma_wait3A_173 = tpu.memref_slice %arg10[%run_scoped3A_158, %dma_wait3A_172] : memref<8x128xi32, #tpu.memory_space<vmem>> -> memref<1x128xi32, #tpu.memory_space<vmem>>
        %dma_wait3A_174 = tpu.memref_squeeze %dma_wait3A_173 : memref<1x128xi32, #tpu.memory_space<vmem>> -> memref<128xi32, #tpu.memory_space<vmem>>
        %dma_wait3A_175 = arith.constant 0 : i32
        %dma_wait3A_176 = arith.constant 0 : i32
        %dma_wait3A_177 = tpu.memref_slice %arg13[%dma_wait3A_175, %dma_wait3A_176] : memref<10240x64xf32, #tpu.memory_space<vmem_shared>> -> memref<10240x64xf32, #tpu.memory_space<vmem_shared>>
        tpu.wait_indirect_dma semaphore(%run_scoped3A_160 : memref<!tpu.dma_semaphore, #tpu.memory_space<semaphore_mem>>) src(%dma_wait3A_171 : memref<128x64xf32, #tpu.memory_space<vmem>>) dst(%dma_wait3A_177 : memref<10240x64xf32, #tpu.memory_space<vmem_shared>>)
        tpu.yield
      }) : () -> ()
      %scan3A_159 = arith.constant 0 : i32
      scf.yield %scan3A_159 : i32
    }
    %scan3A_98 = arith.constant 20 : i32
    %barrier3A_99 = arith.constant 0 : index
    tpu.barrier barrier_id(%barrier3A_99)
    %mul3A_100 = arith.constant 640 : i32
    %mul3A_101 = arith.muli %arg1, %mul3A_100 : i32
    %mul3A_102 = arith.constant 2 : i32
    %mul3A_103 = arith.muli %arg0, %mul3A_102 : i32
    %add3A_104 = arith.constant 1 : i32
    %add3A_105 = arith.addi %mul3A_103, %add3A_104 : i32
    %mul3A_106 = arith.constant 10240 : i32
    %mul3A_107 = arith.muli %add3A_105, %mul3A_106 : i32
    %mul3A_108 = arith.constant 640 : i32
    %mul3A_109 = arith.muli %arg1, %mul3A_108 : i32
    %add3A_110 = arith.addi %mul3A_107, %mul3A_109 : i32
    "tpu.region"() ({
      %run_scoped3A = tpu.sem_alloc : memref<!tpu.dma_semaphore, #tpu.memory_space<semaphore_mem>>
      %dma_start3A = arith.constant 0 : i32
      %dma_start3A_112 = tpu.memref_slice %arg8[%add3A_110, %dma_start3A] : memref<40960x64xf32, #tpu.memory_space<hbm>> -> memref<640x64xf32, #tpu.memory_space<hbm>>
      %dma_start3A_113 = arith.constant 0 : i32
      %dma_start3A_114 = tpu.memref_slice %arg13[%mul3A_101, %dma_start3A_113] : memref<10240x64xf32, #tpu.memory_space<vmem_shared>> -> memref<640x64xf32, #tpu.memory_space<vmem_shared>>
      tpu.enqueue_dma source(%dma_start3A_114 : memref<640x64xf32, #tpu.memory_space<vmem_shared>>) target(%dma_start3A_112 : memref<640x64xf32, #tpu.memory_space<hbm>>) target_semaphore(%run_scoped3A : memref<!tpu.dma_semaphore, #tpu.memory_space<semaphore_mem>>)
      %dma_wait3A = arith.constant 0 : i32
      %dma_wait3A_115 = tpu.memref_slice %arg8[%add3A_110, %dma_wait3A] : memref<40960x64xf32, #tpu.memory_space<hbm>> -> memref<640x64xf32, #tpu.memory_space<hbm>>
      %dma_wait3A_116 = arith.constant 0 : i32
      %dma_wait3A_117 = tpu.memref_slice %arg13[%mul3A_101, %dma_wait3A_116] : memref<10240x64xf32, #tpu.memory_space<vmem_shared>> -> memref<640x64xf32, #tpu.memory_space<vmem_shared>>
      tpu.wait_dma2 semaphore(%run_scoped3A : memref<!tpu.dma_semaphore, #tpu.memory_space<semaphore_mem>>) src(%dma_wait3A_117 : memref<640x64xf32, #tpu.memory_space<vmem_shared>>) dst(%dma_wait3A_115 : memref<640x64xf32, #tpu.memory_space<hbm>>)
      tpu.yield
    }) : () -> ()
    %barrier3A_111 = arith.constant 0 : index
    tpu.barrier barrier_id(%barrier3A_111)
    return
  }
}

module attributes {stable_mosaic.version = 14 : i64} {
  func.func @_scale_body(%arg0: i32, %arg1: memref<400x128xf32, #tpu.memory_space<vmem>>, %arg2: memref<400x128xf32, #tpu.memory_space<vmem>>, %arg3: memref<2x400x16xf32, #tpu.memory_space<vmem>>, %arg4: memref<400x64xf32, #tpu.memory_space<vmem>>, %arg5: memref<400x64xf32, #tpu.memory_space<vmem>>, %arg6: memref<400x64xf32, #tpu.memory_space<vmem>>, %arg7: memref<400x64xf32, #tpu.memory_space<vmem>>, %arg8: memref<400x16xf32, #tpu.memory_space<vmem>>) attributes {dimension_semantics = [#tpu.dimension_semantics<arbitrary>], iteration_bounds = array<i64: 25>, scalar_prefetch = 0 : i64, scratch_operands = 0 : i64, tpu.core_type = #tpu.core_type<tc>, window_params = [{transform_indices = @transform_0, window_bounds = array<i64: 400, 128>}, {transform_indices = @transform_1, window_bounds = array<i64: 400, 128>}, {transform_indices = @transform_2, window_bounds = array<i64: 2, 400, 16>}, {transform_indices = @transform_3, window_bounds = array<i64: 400, 64>}, {transform_indices = @transform_4, window_bounds = array<i64: 400, 64>}, {transform_indices = @transform_5, window_bounds = array<i64: 400, 64>}, {transform_indices = @transform_6, window_bounds = array<i64: 400, 64>}, {transform_indices = @transform_7, window_bounds = array<i64: 400, 16>}]} {
    %get3A = arith.constant 0 : index
    %get3A_0 = arith.constant 0 : index
    %get3A_1 = arith.constant 0 : index
    %get3A_2 = vector.load %arg3[%get3A, %get3A_0, %get3A_1] : memref<2x400x16xf32, #tpu.memory_space<vmem>>, vector<1x400x1xf32>
    %get3A_3 = vector.shape_cast %get3A_2 : vector<1x400x1xf32> to vector<400x1xf32>
    %get3A_4 = arith.constant 1 : index
    %get3A_5 = arith.constant 0 : index
    %get3A_6 = arith.constant 0 : index
    %get3A_7 = vector.load %arg3[%get3A_4, %get3A_5, %get3A_6] : memref<2x400x16xf32, #tpu.memory_space<vmem>>, vector<1x400x1xf32>
    %get3A_8 = vector.shape_cast %get3A_7 : vector<1x400x1xf32> to vector<400x1xf32>
    %add3A = arith.addf %get3A_3, %get3A_8 : vector<400x1xf32>
    %add3A_9 = arith.constant 2.000000e+00 : f32
    %add3A_10 = vector.broadcast %add3A_9 : f32 to vector<400x1xf32>
    %add3A_11 = arith.addf %add3A, %add3A_10 : vector<400x1xf32>
    %rsqrt3A = math.rsqrt %add3A_11 : vector<400x1xf32>
    %get3A_12 = arith.constant 0 : index
    %get3A_13 = arith.constant 0 : index
    %get3A_14 = vector.load %arg1[%get3A_12, %get3A_13] : memref<400x128xf32, #tpu.memory_space<vmem>>, vector<400x128xf32>
    %mul3A = vector.broadcast %rsqrt3A : vector<400x1xf32> to vector<400x128xf32>
    %mul3A_15 = arith.mulf %get3A_14, %mul3A : vector<400x128xf32>
    %get3A_16 = arith.constant 0 : index
    %get3A_17 = arith.constant 0 : index
    %get3A_18 = vector.load %arg2[%get3A_16, %get3A_17] : memref<400x128xf32, #tpu.memory_space<vmem>>, vector<400x128xf32>
    %mul3A_19 = vector.broadcast %rsqrt3A : vector<400x1xf32> to vector<400x128xf32>
    %mul3A_20 = arith.mulf %get3A_18, %mul3A_19 : vector<400x128xf32>
    %slice3A = vector.extract_strided_slice %mul3A_15 {offsets = [0, 0], sizes = [400, 64], strides = [1, 1]} : vector<400x128xf32> to vector<400x64xf32>
    %swap3A = arith.constant 0 : index
    %swap3A_21 = arith.constant 0 : index
    %swap3A_22 = vector.load %arg4[%swap3A, %swap3A_21] : memref<400x64xf32, #tpu.memory_space<vmem>>, vector<400x64xf32>
    tpu.vector_store %arg4[%swap3A, %swap3A_21], %slice3A {strides = array<i32>} : memref<400x64xf32, #tpu.memory_space<vmem>>, vector<400x64xf32>,
    %slice3A_23 = vector.extract_strided_slice %mul3A_15 {offsets = [0, 64], sizes = [400, 64], strides = [1, 1]} : vector<400x128xf32> to vector<400x64xf32>
    %swap3A_24 = arith.constant 0 : index
    %swap3A_25 = arith.constant 0 : index
    %swap3A_26 = vector.load %arg5[%swap3A_24, %swap3A_25] : memref<400x64xf32, #tpu.memory_space<vmem>>, vector<400x64xf32>
    tpu.vector_store %arg5[%swap3A_24, %swap3A_25], %slice3A_23 {strides = array<i32>} : memref<400x64xf32, #tpu.memory_space<vmem>>, vector<400x64xf32>,
    %slice3A_27 = vector.extract_strided_slice %mul3A_20 {offsets = [0, 0], sizes = [400, 64], strides = [1, 1]} : vector<400x128xf32> to vector<400x64xf32>
    %swap3A_28 = arith.constant 0 : index
    %swap3A_29 = arith.constant 0 : index
    %swap3A_30 = vector.load %arg6[%swap3A_28, %swap3A_29] : memref<400x64xf32, #tpu.memory_space<vmem>>, vector<400x64xf32>
    tpu.vector_store %arg6[%swap3A_28, %swap3A_29], %slice3A_27 {strides = array<i32>} : memref<400x64xf32, #tpu.memory_space<vmem>>, vector<400x64xf32>,
    %slice3A_31 = vector.extract_strided_slice %mul3A_20 {offsets = [0, 64], sizes = [400, 64], strides = [1, 1]} : vector<400x128xf32> to vector<400x64xf32>
    %swap3A_32 = arith.constant 0 : index
    %swap3A_33 = arith.constant 0 : index
    %swap3A_34 = vector.load %arg7[%swap3A_32, %swap3A_33] : memref<400x64xf32, #tpu.memory_space<vmem>>, vector<400x64xf32>
    tpu.vector_store %arg7[%swap3A_32, %swap3A_33], %slice3A_31 {strides = array<i32>} : memref<400x64xf32, #tpu.memory_space<vmem>>, vector<400x64xf32>,
    %broadcast_in_dim3A = vector.shape_cast %rsqrt3A : vector<400x1xf32> to vector<400x1xf32>
    %broadcast_in_dim3A_35 = vector.broadcast %broadcast_in_dim3A : vector<400x1xf32> to vector<400x16xf32>
    %swap3A_36 = arith.constant 0 : index
    %swap3A_37 = arith.constant 0 : index
    %swap3A_38 = vector.load %arg8[%swap3A_36, %swap3A_37] : memref<400x16xf32, #tpu.memory_space<vmem>>, vector<400x16xf32>
    tpu.vector_store %arg8[%swap3A_36, %swap3A_37], %broadcast_in_dim3A_35 {strides = array<i32>} : memref<400x16xf32, #tpu.memory_space<vmem>>, vector<400x16xf32>,
    return
  }
  func.func @transform_0(%arg0: i32) -> (i32, i32) {
    %c0_i32 = arith.constant 0 : i32
    %c0_i32_0 = arith.constant 0 : i32
    return %arg0, %c0_i32 : i32, i32
  }
  func.func @transform_1(%arg0: i32) -> (i32, i32) {
    %c0_i32 = arith.constant 0 : i32
    %c0_i32_0 = arith.constant 0 : i32
    return %arg0, %c0_i32 : i32, i32
  }
  func.func @transform_2(%arg0: i32) -> (i32, i32, i32) {
    %c0_i32 = arith.constant 0 : i32
    %c0_i32_0 = arith.constant 0 : i32
    %c0_i32_1 = arith.constant 0 : i32
    return %c0_i32, %arg0, %c0_i32_0 : i32, i32, i32
  }
  func.func @transform_3(%arg0: i32) -> (i32, i32) {
    %c0_i32 = arith.constant 0 : i32
    %c0_i32_0 = arith.constant 0 : i32
    return %arg0, %c0_i32 : i32, i32
  }
  func.func @transform_4(%arg0: i32) -> (i32, i32) {
    %c0_i32 = arith.constant 0 : i32
    %c0_i32_0 = arith.constant 0 : i32
    return %arg0, %c0_i32 : i32, i32
  }
  func.func @transform_5(%arg0: i32) -> (i32, i32) {
    %c0_i32 = arith.constant 0 : i32
    %c0_i32_0 = arith.constant 0 : i32
    return %arg0, %c0_i32 : i32, i32
  }
  func.func @transform_6(%arg0: i32) -> (i32, i32) {
    %c0_i32 = arith.constant 0 : i32
    %c0_i32_0 = arith.constant 0 : i32
    return %arg0, %c0_i32 : i32, i32
  }
  func.func @transform_7(%arg0: i32) -> (i32, i32) {
    %c0_i32 = arith.constant 0 : i32
    %c0_i32_0 = arith.constant 0 : i32
    return %arg0, %c0_i32 : i32, i32
  }
}

module attributes {stable_mosaic.version = 14 : i64} {
  func.func @_gru_body(%arg0: i32, %arg1: memref<1x400x128xf32, #tpu.memory_space<vmem>>, %arg2: memref<1x400x128xf32, #tpu.memory_space<vmem>>, %arg3: memref<400x128xf32, #tpu.memory_space<vmem>>, %arg4: memref<400x128xf32, #tpu.memory_space<vmem>>, %arg5: memref<400x16xf32, #tpu.memory_space<vmem>>, %arg6: memref<128x512xf32, #tpu.memory_space<vmem>>, %arg7: memref<128x512xf32, #tpu.memory_space<vmem>>, %arg8: memref<8x512xf32, #tpu.memory_space<vmem>>, %arg9: memref<400x128xf32, #tpu.memory_space<vmem>>) attributes {dimension_semantics = [#tpu.dimension_semantics<arbitrary>], iteration_bounds = array<i64: 25>, scalar_prefetch = 0 : i64, scratch_operands = 0 : i64, tpu.core_type = #tpu.core_type<tc>, window_params = [{transform_indices = @transform_0, window_bounds = array<i64: 1, 400, 128>}, {transform_indices = @transform_1, window_bounds = array<i64: 1, 400, 128>}, {transform_indices = @transform_2, window_bounds = array<i64: 400, 128>}, {transform_indices = @transform_3, window_bounds = array<i64: 400, 128>}, {transform_indices = @transform_4, window_bounds = array<i64: 400, 16>}, {pipeline_mode = #tpu.pipeline_mode<synchronous>, transform_indices = @transform_5, window_bounds = array<i64: 128, 512>}, {pipeline_mode = #tpu.pipeline_mode<synchronous>, transform_indices = @transform_6, window_bounds = array<i64: 128, 512>}, {pipeline_mode = #tpu.pipeline_mode<synchronous>, transform_indices = @transform_7, window_bounds = array<i64: 8, 512>}, {transform_indices = @transform_8, window_bounds = array<i64: 400, 128>}]} {
    %get3A = arith.constant 0 : index
    %get3A_0 = arith.constant 0 : index
    %get3A_1 = vector.load %arg5[%get3A, %get3A_0] : memref<400x16xf32, #tpu.memory_space<vmem>>, vector<400x1xf32>
    %mul3A = arith.constant 2.000000e+00 : f32
    %mul3A_2 = vector.broadcast %mul3A : f32 to vector<400x1xf32>
    %mul3A_3 = arith.mulf %mul3A_2, %get3A_1 : vector<400x1xf32>
    %mul3A_4 = arith.mulf %mul3A_3, %get3A_1 : vector<400x1xf32>
    %get3A_5 = arith.constant 0 : index
    %get3A_6 = arith.constant 0 : index
    %get3A_7 = arith.constant 0 : index
    %get3A_8 = vector.load %arg1[%get3A_5, %get3A_6, %get3A_7] : memref<1x400x128xf32, #tpu.memory_space<vmem>>, vector<1x400x128xf32>
    %get3A_9 = vector.shape_cast %get3A_8 : vector<1x400x128xf32> to vector<400x128xf32>
    %mul3A_10 = vector.broadcast %get3A_1 : vector<400x1xf32> to vector<400x128xf32>
    %mul3A_11 = arith.mulf %mul3A_10, %get3A_9 : vector<400x128xf32>
    %get3A_12 = arith.constant 0 : index
    %get3A_13 = arith.constant 0 : index
    %get3A_14 = vector.load %arg3[%get3A_12, %get3A_13] : memref<400x128xf32, #tpu.memory_space<vmem>>, vector<400x128xf32>
    %mul3A_15 = vector.broadcast %mul3A_4 : vector<400x1xf32> to vector<400x128xf32>
    %mul3A_16 = arith.mulf %mul3A_15, %get3A_14 : vector<400x128xf32>
    %add3A = arith.addf %mul3A_11, %mul3A_16 : vector<400x128xf32>
    %get3A_17 = arith.constant 0 : index
    %get3A_18 = arith.constant 0 : index
    %get3A_19 = arith.constant 0 : index
    %get3A_20 = vector.load %arg2[%get3A_17, %get3A_18, %get3A_19] : memref<1x400x128xf32, #tpu.memory_space<vmem>>, vector<1x400x128xf32>
    %get3A_21 = vector.shape_cast %get3A_20 : vector<1x400x128xf32> to vector<400x128xf32>
    %mul3A_22 = vector.broadcast %get3A_1 : vector<400x1xf32> to vector<400x128xf32>
    %mul3A_23 = arith.mulf %mul3A_22, %get3A_21 : vector<400x128xf32>
    %get3A_24 = arith.constant 0 : index
    %get3A_25 = arith.constant 0 : index
    %get3A_26 = vector.load %arg4[%get3A_24, %get3A_25] : memref<400x128xf32, #tpu.memory_space<vmem>>, vector<400x128xf32>
    %mul3A_27 = vector.broadcast %mul3A_4 : vector<400x1xf32> to vector<400x128xf32>
    %mul3A_28 = arith.mulf %mul3A_27, %get3A_26 : vector<400x128xf32>
    %add3A_29 = arith.addf %mul3A_23, %mul3A_28 : vector<400x128xf32>
    %get3A_30 = arith.constant 0 : index
    %get3A_31 = arith.constant 0 : index
    %get3A_32 = vector.load %arg6[%get3A_30, %get3A_31] : memref<128x512xf32, #tpu.memory_space<vmem>>, vector<128x512xf32>
    %dot_general3A = arith.constant dense<0.000000e+00> : vector<400x512xf32>
    %dot_general3A_33 = tpu.matmul %add3A, %get3A_32, %dot_general3A {dimension_numbers = #tpu.dot_dimension_numbers<[1], [0], [0], [1], [0, 0, 1, 1], [], []>, precision = #tpu.contract_precision<fp32>, transpose_lhs_hint = false} : vector<400x128xf32>, vector<128x512xf32>, vector<400x512xf32> -> vector<400x512xf32>
    %get3A_34 = arith.constant 0 : index
    %get3A_35 = arith.constant 0 : index
    %get3A_36 = vector.load %arg7[%get3A_34, %get3A_35] : memref<128x512xf32, #tpu.memory_space<vmem>>, vector<128x512xf32>
    %dot_general3A_37 = arith.constant dense<0.000000e+00> : vector<400x512xf32>
    %dot_general3A_38 = tpu.matmul %add3A_29, %get3A_36, %dot_general3A_37 {dimension_numbers = #tpu.dot_dimension_numbers<[1], [0], [0], [1], [0, 0, 1, 1], [], []>, precision = #tpu.contract_precision<fp32>, transpose_lhs_hint = false} : vector<400x128xf32>, vector<128x512xf32>, vector<400x512xf32> -> vector<400x512xf32>
    %add3A_39 = arith.addf %dot_general3A_33, %dot_general3A_38 : vector<400x512xf32>
    %get3A_40 = arith.constant 0 : index
    %get3A_41 = arith.constant 0 : index
    %get3A_42 = vector.load %arg8[%get3A_40, %get3A_41] : memref<8x512xf32, #tpu.memory_space<vmem>>, vector<1x512xf32>
    %add3A_43 = vector.broadcast %get3A_42 : vector<1x512xf32> to vector<400x512xf32>
    %add3A_44 = arith.addf %add3A_39, %add3A_43 : vector<400x512xf32>
    %slice3A = vector.extract_strided_slice %add3A_44 {offsets = [0, 0], sizes = [400, 128], strides = [1, 1]} : vector<400x512xf32> to vector<400x128xf32>
    %logistic3A = arith.negf %slice3A : vector<400x128xf32>
    %logistic3A_45 = math.exp %logistic3A : vector<400x128xf32>
    %logistic3A_46 = arith.constant 1.000000e+00 : f32
    %logistic3A_47 = vector.broadcast %logistic3A_46 : f32 to vector<400x128xf32>
    %logistic3A_48 = arith.addf %logistic3A_47, %logistic3A_45 : vector<400x128xf32>
    %logistic3A_49 = arith.divf %logistic3A_47, %logistic3A_48 : vector<400x128xf32>
    %slice3A_50 = vector.extract_strided_slice %add3A_44 {offsets = [0, 128], sizes = [400, 128], strides = [1, 1]} : vector<400x512xf32> to vector<400x128xf32>
    %logistic3A_51 = arith.negf %slice3A_50 : vector<400x128xf32>
    %logistic3A_52 = math.exp %logistic3A_51 : vector<400x128xf32>
    %logistic3A_53 = arith.constant 1.000000e+00 : f32
    %logistic3A_54 = vector.broadcast %logistic3A_53 : f32 to vector<400x128xf32>
    %logistic3A_55 = arith.addf %logistic3A_54, %logistic3A_52 : vector<400x128xf32>
    %logistic3A_56 = arith.divf %logistic3A_54, %logistic3A_55 : vector<400x128xf32>
    %slice3A_57 = vector.extract_strided_slice %add3A_44 {offsets = [0, 256], sizes = [400, 128], strides = [1, 1]} : vector<400x512xf32> to vector<400x128xf32>
    %slice3A_58 = vector.extract_strided_slice %add3A_44 {offsets = [0, 384], sizes = [400, 128], strides = [1, 1]} : vector<400x512xf32> to vector<400x128xf32>
    %mul3A_59 = arith.mulf %logistic3A_49, %slice3A_58 : vector<400x128xf32>
    %add3A_60 = arith.addf %slice3A_57, %mul3A_59 : vector<400x128xf32>
    %tanh3A = math.tanh %add3A_60 : vector<400x128xf32>
    %sub3A = arith.constant 1.000000e+00 : f32
    %sub3A_61 = vector.broadcast %sub3A : f32 to vector<400x128xf32>
    %sub3A_62 = arith.subf %sub3A_61, %logistic3A_56 : vector<400x128xf32>
    %mul3A_63 = arith.mulf %sub3A_62, %tanh3A : vector<400x128xf32>
    %get3A_64 = arith.constant 0 : index
    %get3A_65 = arith.constant 0 : index
    %get3A_66 = vector.load %arg4[%get3A_64, %get3A_65] : memref<400x128xf32, #tpu.memory_space<vmem>>, vector<400x128xf32>
    %mul3A_67 = arith.mulf %logistic3A_56, %get3A_66 : vector<400x128xf32>
    %add3A_68 = arith.addf %mul3A_63, %mul3A_67 : vector<400x128xf32>
    %swap3A = arith.constant 0 : index
    %swap3A_69 = arith.constant 0 : index
    %swap3A_70 = vector.load %arg9[%swap3A, %swap3A_69] : memref<400x128xf32, #tpu.memory_space<vmem>>, vector<400x128xf32>
    tpu.vector_store %arg9[%swap3A, %swap3A_69], %add3A_68 {strides = array<i32>} : memref<400x128xf32, #tpu.memory_space<vmem>>, vector<400x128xf32>,
    return
  }
  func.func @transform_0(%arg0: i32) -> (i32, i32, i32) {
    %c0_i32 = arith.constant 0 : i32
    %c0_i32_0 = arith.constant 0 : i32
    %c0_i32_1 = arith.constant 0 : i32
    return %c0_i32, %arg0, %c0_i32_0 : i32, i32, i32
  }
  func.func @transform_1(%arg0: i32) -> (i32, i32, i32) {
    %c1_i32 = arith.constant 1 : i32
    %c0_i32 = arith.constant 0 : i32
    %c0_i32_0 = arith.constant 0 : i32
    return %c1_i32, %arg0, %c0_i32 : i32, i32, i32
  }
  func.func @transform_2(%arg0: i32) -> (i32, i32) {
    %c0_i32 = arith.constant 0 : i32
    %c0_i32_0 = arith.constant 0 : i32
    return %arg0, %c0_i32 : i32, i32
  }
  func.func @transform_3(%arg0: i32) -> (i32, i32) {
    %c0_i32 = arith.constant 0 : i32
    %c0_i32_0 = arith.constant 0 : i32
    return %arg0, %c0_i32 : i32, i32
  }
  func.func @transform_4(%arg0: i32) -> (i32, i32) {
    %c0_i32 = arith.constant 0 : i32
    %c0_i32_0 = arith.constant 0 : i32
    return %arg0, %c0_i32 : i32, i32
  }
  func.func @transform_5(%arg0: i32) -> (i32, i32) {
    %c0_i32 = arith.constant 0 : i32
    %c0_i32_0 = arith.constant 0 : i32
    %c0_i32_1 = arith.constant 0 : i32
    return %c0_i32, %c0_i32_0 : i32, i32
  }
  func.func @transform_6(%arg0: i32) -> (i32, i32) {
    %c0_i32 = arith.constant 0 : i32
    %c0_i32_0 = arith.constant 0 : i32
    %c0_i32_1 = arith.constant 0 : i32
    return %c0_i32, %c0_i32_0 : i32, i32
  }
  func.func @transform_7(%arg0: i32) -> (i32, i32) {
    %c0_i32 = arith.constant 0 : i32
    %c0_i32_0 = arith.constant 0 : i32
    %c0_i32_1 = arith.constant 0 : i32
    return %c0_i32, %c0_i32_0 : i32, i32
  }
  func.func @transform_8(%arg0: i32) -> (i32, i32) {
    %c0_i32 = arith.constant 0 : i32
    %c0_i32_0 = arith.constant 0 : i32
    return %arg0, %c0_i32 : i32, i32
  }
}

</mosaic_0001>

<sc_bundles>
// kernel: kernel.6.cloned.1.call-start
scs
__scs_entry_jumppad:
0x0: {  	(pc) =	sbr.rel $0x88, $3  }
0x1: {  	(tag) =	ssettag $0x0;
	lr =	simm.s32 $0x1  }
0x2: {  	[smem:$0x3F92] =	sst lr;
	_ =	strace $0xD0000000  }
0x3: {  	_ = 	snop  }
0x4: {  	_ = 	snop  }
0x5: {  	_ = 	snop  }
0x6: {  	_ = 	snop  }
0x7: {  	_ = 	snop  }
__scs_overlays_trampoline_lowered:
0x8: {  	[smem:$0x3FA1] =	sst s0  }
0x9: {  	[smem:$0x3FA2] =	sst s1  }
0xa: {  	[smem:$0x3FA3] =	sst s2  }
0xb: {  	[smem:$0x3FA4] =	sst s3  }
0xc: {  	[smem:$0x3FA5] =	sst s4  }
0xd: {  	[smem:$0x3FA6] =	sst s5  }
0xe: {  	[smem:$0x3FA7] =	sst s6  }
0xf: {  	[smem:$0x3FA8] =	sst s7  }
0x10: {  	[smem:$0x3FA9] =	sst s8  }
0x11: {  	[smem:$0x3FAA] =	sst s9;
	s0 =	simm.s32 @!p0 $0x0  }
0x12: {  	s1 =	sld [smem:$0x3F90];
	s0 =	simm.s32 @p0 $0x1  }
0x13: {  	[smem:$0x3FAB] =	sst s0;
	s0 =	simm.s32 @!p1 $0x0  }
0x14: {  	s2 =	sld [smem:$0x3F8F];
	s0 =	simm.s32 @p1 $0x1  }
0x15: {  	[smem:$0x3FAC] =	sst s0;
	s0 =	simm.s32 @!p2 $0x0  }
0x16: {  	s3 =	sld [smem:$0x3FDB];
	s0 =	simm.s32 @p2 $0x1  }
0x17: {  	s4 =	simm.s32 $0x1BF5;
	[smem:$0x3FAE] =	sst s0  }
0x18: {  	s0 =	sld [smem:$0x3F91];
	_ =	swait.ge [sflag:s4], $0x0  }
0x19: {  	s7 =	sld [smem:$0x3F92]  }
0x1a: {  	s8 =	sadd.s32 $0xFFFFE003, lr  }
0x1b: {  	s9 =	sadd.s32 $0xFFFFFEF7, lr;
	s5 =	simm.s32 $0xFFFFFFFF;
	p2 =	slt.u32 s8, $0xFFFFF086  }
0x1c: {  	p1 =	slt.u32 s9, $0xF7A;
	s5 =	simm.s32 @!p2 $0x0  }
0x1d: {  	s5 =	simm.s32 @p1 $0x1;
	p0 =	seq.s32 s7, s2  }
0x1e: {  	s7 =	smul.u32 @!p0 $0xF7A, s2;
	p2 =	seq.s32 @!p0 s5, $0x0  }
0x1f: {  	s9 =	smul.u32 $0xF7A, s1;
	s8 =	simm.s32 @!p0 $0x1BF5;
	p2 =	por !p2, p0  }
0x20: {  	[sflag:s8] =	ssyncset.s32 @!p0 $0xFFFFF086;
	s6 =	sadd.s32 @!p0 s3, s7;
	s7 =	simm.s32 @!p0 $0x108  }
0x21: {  	s3 =	sadd.s32 s3, s9;
	s6 =	sadd.s32 @!p0 $0x88, s6;
	s7 =	simm.s32 @p2 $0x1082  }
0x22: {  	[simem:s7], [sflag:s8] =	dma.local @!p0 [hbm:s6], $0xF7A  }
0x23: {  	s9 =	sor.u32 $0xD0000000, s2;
	s6 =	simm.s32 $0x108;
	_ =	swait.ge @!p0 [sflag:s8], $0x0  }
0x24: {  	s3 =	sadd.s32 $0x88, s3;
	s6 =	simm.s32 @!p1 $0x1082;
	[sflag:s4] =	ssyncset.s32 $0xFFFFF086  }
0x25: {  	[simem:s6], [sflag:s4] =	dma.local [hbm:s3], $0xF7A  }
0x26: {  	[smem:$0x3F92] =	sst s1;
	(tag) =	ssettag s2;
	_ =	strace s9  }
0x27: {  	s1 =	sld [smem:$0x3FA2]  }
0x28: {  	s2 =	sld [smem:$0x3FA3]  }
0x29: {  	s4 =	sld [smem:$0x3FA5]  }
0x2a: {  	p0 =	seq.s32 s5, $0x0;
	s5 =	sld [smem:$0x3FA6]  }
0x2b: {  	s6 =	sld [smem:$0x3FA7]  }
0x2c: {  	s7 =	sld [smem:$0x3FA8]  }
0x2d: {  	s3 =	simm.s32 $0x108;
	s8 =	sld [smem:$0x3FA9]  }
0x2e: {  	s3 =	simm.s32 @!p0 $0x1082;
	s9 =	sld [smem:$0x3FAA]  }
0x2f: {  	lr =	sadd.s32 s0, s3;
	s0 =	sld [smem:$0x3FA1]  }
0x30: {  	s3 =	sld [smem:$0x3FA4]  }
0x31: {  	[smem:$0x3FAD] =	sst s10  }
0x32: {  	s10 =	sld [smem:$0x3FAB];
	_ =	sdelay $0x3  }
0x33: {  	p0 =	seq.s32 s10, $0x1;
	s10 =	sld [smem:$0x3FAD];
	_ =	sdelay $0x3  }
0x34: {  	[smem:$0x3FAD] =	sst s10  }
0x35: {  	s10 =	sld [smem:$0x3FAC];
	_ =	sdelay $0x3  }
0x36: {  	p1 =	seq.s32 s10, $0x1;
	s10 =	sld [smem:$0x3FAD];
	_ =	sdelay $0x3  }
0x37: {  	[smem:$0x3FAD] =	sst s10  }
0x38: {  	s10 =	sld [smem:$0x3FAE]  }
0x39: {  	_ = 	snop;
	(pc) =	sbr.ind lr, $3  }
0x3a: {  	_ = 	snop  }
0x3b: {  	_ = 	snop  }
0x3c: {  	p2 =	seq.s32 s10, $0x1;
	s10 =	sld [smem:$0x3FAD]  }
0x3d: {  	_ =	shalt  }
0x3e: {  	_ =	shalt  }
0x3f: {  	_ =	shalt  }
0x40: {  	_ =	shalt  }
0x41: {  	_ =	shalt  }
0x42: {  	_ =	shalt  }
0x43: {  	_ =	shalt  }
0x44: {  	_ =	shalt  }
0x45: {  	_ =	shalt  }
0x46: {  	_ =	shalt  }
0x47: {  	_ =	shalt  }
0x48: {  	_ =	shalt  }
0x49: {  	_ =	shalt  }
0x4a: {  	_ =	shalt  }
0x4b: {  	_ =	shalt  }
0x4c: {  	_ =	shalt  }
0x4d: {  	_ =	shalt  }
0x4e: {  	_ =	shalt  }
0x4f: {  	_ =	shalt  }
0x50: {  	_ =	shalt  }
0x51: {  	_ =	shalt  }
0x52: {  	_ =	shalt  }
0x53: {  	_ =	shalt  }
0x54: {  	_ =	shalt  }
0x55: {  	_ =	shalt  }
0x56: {  	_ =	shalt  }
0x57: {  	_ =	shalt  }
0x58: {  	_ =	shalt  }
0x59: {  	_ =	shalt  }
0x5a: {  	_ =	shalt  }
0x5b: {  	_ =	shalt  }
0x5c: {  	_ =	shalt  }
0x5d: {  	_ =	shalt  }
0x5e: {  	_ =	shalt  }
0x5f: {  	_ =	shalt  }
0x60: {  	_ =	shalt  }
0x61: {  	_ =	shalt  }
0x62: {  	_ =	shalt  }
0x63: {  	_ =	shalt  }
0x64: {  	_ =	shalt  }
0x65: {  	_ =	shalt  }
0x66: {  	_ =	shalt  }
0x67: {  	_ =	shalt  }
0x68: {  	_ =	shalt  }
0x69: {  	_ =	shalt  }
0x6a: {  	_ =	shalt  }
0x6b: {  	_ =	shalt  }
0x6c: {  	_ =	shalt  }
0x6d: {  	_ =	shalt  }
0x6e: {  	_ =	shalt  }
0x6f: {  	_ =	shalt  }
0x70: {  	_ =	shalt  }
0x71: {  	_ =	shalt  }
0x72: {  	_ =	shalt  }
0x73: {  	_ =	shalt  }
0x74: {  	_ =	shalt  }
0x75: {  	_ =	shalt  }
0x76: {  	_ =	shalt  }
0x77: {  	_ =	shalt  }
0x78: {  	_ =	shalt  }
0x79: {  	_ =	shalt  }
0x7a: {  	_ =	shalt  }
0x7b: {  	_ =	shalt  }
0x7c: {  	_ =	shalt  }
0x7d: {  	_ =	shalt  }
0x7e: {  	_ =	shalt  }
0x7f: {  	_ =	shalt  }
0x80: {  	_ =	shalt  }
0x81: {  	_ =	shalt  }
0x82: {  	_ =	shalt  }
0x83: {  	_ =	shalt  }
0x84: {  	_ =	shalt  }
0x85: {  	_ =	shalt  }
0x86: {  	_ =	shalt  }
0x87: {  	_ =	shalt  }
.Lfunc_end0:
.L_simem_size_0:
called_computation_lowered:
.L_overlay_start_0:
0x88: {  	s2 =	sld [smem:$0x3FD9]  }
0x89: {  	s3 =	sld [smem:$0x3FFE];
	_ =	sdelay $0x1  }
0x8a: {  	s1 =	srdreg.scid  }
0x8b: {  	s0 =	sand.u32 $0x1, s1  }
0x8c: {  	s17 =	sshll.u32 s0, $0xA;
	s2 =	sadd.s32 s3, s2  }
0x8d: {  	s2 =	sadd.s32 s2, s17  }
0x8e: {  	[smem:$0x3FB9] =	sst s2  }
0x8f: {  	_ = 	snop  }
0x90: {  	s2 =	sld [smem:$0x3FD0];
	(tm) =	ssettm $0x1  }
0x91: {  	s18 =	sld [smem:$0x3FFB];
	_ =	sdelay $0x3  }
0x92: {  	_ =	strace s18  }
0x93: {  	s3 =	sld [smem:$0x3FFC];
	_ =	sdelay $0x3  }
0x94: {  	_ =	strace s3  }
0x95: {  	s3 =	sld [smem:$0x3FFD];
	_ =	sdelay $0x3  }
0x96: {  	_ =	strace s3  }
0x97: {  	_ =	strace $0x8FFFFFFF  }
0x98: {  	s19 =	sld [smem:$0x3FDB];
	_ =	sdelay $0x1  }
0x99: {  	s4 =	simm.s32 $_scs_section_size  }
0x9a: {  	s5 =	simm.s32 $_size__tile_overlayer_lowered;
	s6 =	simm.s32 $_tile_overlayer_lowered  }
0x9b: {  	s22 =	simm.s32 $0x1BFF;
	s21 =	sshll.u32 s6, $0x1;
	s3 =	sadd.s32 s4, s19  }
0x9c: {  	s7 =	simm.s32 $0x0;
	s20 =	sshll.u32 s5, $0x1;
	s5 =	sadd.s32 s21, s3  }
0x9d: {  	[timem:s7], [sflag:s22] =	dma.local [hbm:s5], s20  }
0x9e: {  	_ =	swait.ge [sflag:s22], s20  }
0x9f: {  	s4 =	ssub.s32 $0x0, s20;
	[sflag:s22] =	ssyncset.done $0x0  }
0xa0: {  	[sflag:s22] =	ssyncadd.s32 s4;
	_ =	sdelay $0x1  }
0xa1: {  	s23 =	simm.s32 $0x1B8B  }
0xa2: {  	_ =	swait.ge [sflag:s23], $0x1  }
0xa3: {  	[sflag:s23] =	ssyncset.done $0x0  }
0xa4: {  	s25 =	simm.s32 $0x1B8E;
	s24 =	sld [smem:$0x3FFE];
	[sflag:s23] =	ssyncadd.s32 $0xFFFFFFFF  }
0xa5: {  	s26 =	simm.s32 $execute0_lowered;
	[smem:$0x3FD2] =	sst s25  }
0xa6: {  	s5 =	sshll.u32 s26, $0x1;
	_ =	strace $0x80000046;
	[dreg:$0x1] =	wrdreg $0xFFFFFFFF  }
0xa7: {  	s28 =	simm.s32 $_size_execute0_lowered;
	s3 =	sadd.s32 s3, s5;
	[dreg:$0x0] =	wrdreg $0x0  }
0xa8: {  	s5 =	sshll.u32 s28, $0x1;
	[dreg:$0x2] =	wrdreg s3  }
0xa9: {  	[dreg:$0x3] =	wrdreg s5  }
0xaa: {  	[dreg:$0x4] =	wrdreg $0xC0  }
0xab: {  	_ =	task [dreg:s7], $0x5FFFF  }
0xac: {  	[dreg:$0x1] =	wrdreg $0xFFFFFFFF  }
0xad: {  	[dreg:$0x0] =	wrdreg $0x60  }
0xae: {  	[dreg:$0x2] =	wrdreg s2  }
0xaf: {  	[dreg:$0x3] =	wrdreg s24  }
0xb0: {  	[dreg:$0x4] =	wrdreg $0x84000  }
0xb1: {  	[dreg:$0x5] =	wrdreg $0x9  }
0xb2: {  	_ =	task.clear_ibuf [dreg:s7], $0x6FFFF;
	_ =	strace $0x90000046  }
0xb3: {  	s29 =	simm.s32 $0x9;
	_ =	strace $0x80000048  }
0xb4: {  	_ =	swait.ge [sflag:s29], $0x1  }
0xb5: {  	[sflag:s29] =	ssyncadd.s32 $0xFFFFFFFF  }
0xb6: {  	_ =	strace $0x90000048  }
0xb7: {  	_ =	sfence  }
0xb8: {  	s30 =	sld [smem:$0x0];
	_ =	sdelay $0x2  }
0xb9: {  	s31 =	sshll.u32 s1, $0xD;
	s1 =	sshrl.u32 s1, $0x2  }
0xba: {  	s3 =	sand.u32 $0x4000, s31;
	s1 =	sadd.s32 s1, s30  }
0xbb: {  	s0 =	sor.u32 s3, s0;
	s1 =	sshll.u32 s1, $0x11  }
0xbc: {  	s0 =	sor.u32 s1, s0  }
0xbd: {  	s0 =	sadd.s32 $0x8F2B, s0  }
0xbe: {  	[sflag:s0] =	ssyncadd.remote.s32 $0x1  }
0xbf: {  	_ =	sfence.sel $0xFFFF  }
0xc0: {  	[dreg:$0x0] =	wrdreg $0xFFFFFFFF;
	(pc) =	sbr.abs _section_cstart, $3  }
0xc1: {  	[dreg:$0x1] =	wrdreg $0xFFFFFFFF  }
0xc2: {  	_ =	task.clear_ibuf [dreg:s7], $0x2FFFF;
	_ =	strace $0x9FFFFFFF  }
0xc3: {  	(tm) =	ssettm $0x7FFFFFFF  }
tec
execute0_lowered:
.L_overlay_start_1:
0x0: {  	(tag) =	ssettag $0x1  }
0x1: {  	s11 =	rddreg [dreg:$0x0]  }
0x2: {  	s4 =	rddreg [dreg:$0x1];
	s1 =	srdreg.scid  }
0x3: {  	s0 =	stileid.u32;
	s2 =	rddreg [dreg:$0x2]  }
0x4: {  	s3 =	simm.s32 $0x0;
	s15 =	simm.s32 $0x400;
	s16 =	simm.s32 $0x100  }
0x5: {  	s17 =	simm.s32 $0x180;
	s18 =	simm.s32 $0x200;
	s19 =	simm.s32 $0x280  }
0x6: {  	s20 =	simm.s32 $0x300;
	s21 =	simm.s32 $0x380;
	s5 =	smul.u32 $0x2800, s0  }
0x7: {  	s7 =	sand.u32 $0x1, s1;
	s1 =	rddreg [dreg:$0x3];
	s8 =	smul.u32 $0x50000, s0  }
0x8: {  	s24 =	simm.s32 $0x0;
	[smem:$0x7FF] =	sst s3;
	s14 =	smul.u32 $0x500, s0  }
0x9: {  	s22 =	sshll.u32 s0, $0x6;
	s6 =	smul.u32 $0x28000, s7;
	_ =	strace $0x80000047  }
0xa: {  	s9 =	ssub.s32 $0x2, s7;
	s13 =	smul.u32 $0x5000, s7;
	s22 =	sor.u32 $0x1C01, s22  }
0xb: {  	s31 =	sshrl.u32 s9, $0x1;
	s8 =	sshrl.u32 s8, $0x2;
	s5 =	sadd.s32 s5, s6  }
0xc: {  	s12 =	ssub.s32 s9, s31;
	s11 =	sadd.s32 s13, s11;
	s13 =	simm.s32 $0x1  }
0xd: {  	s10 =	sadd.s32 s5, s4;
	s4 =	sadd.s32 s8, s2;
	s11 =	sadd.s32 s14, s11  }
0xe: {  	s14 =	simm.s32 $0x80;
	s5 =	sadd.s32 $0x4000, s4;
	s6 =	sadd.s32 $0x8000, s4  }
0xf: {  	s7 =	sadd.s32 $0xC000, s4;
	s8 =	sadd.s32 $0x10000, s4;
	s9 =	sadd.s32 $0xD600, s10  }
0x10: {  	v0 =	vimm.f32 $1.000000000e+00;
	v1 =	vimm.f32 $0.0e+00;
	s10 =	smax.u32 s12, $0x1;
	s12 =	simm.s32 $0x4400;
	s23 =	sshrl.u32 s4, $0x3  }
.LBB2_1:
0x11: {  	s25 =	simm.s32 $0x200;
	s26 =	simm.s32 $0x0  }
.LBB2_2:
0x12: {  	p0 =	sne.s32 s25, $0xFE00;
	[tilespmem:s26+$0x400] =	vst v0;
	s28 =	smov.u32 s25;
	s25 =	sadd.s32 $0x200, s25  }
.Ltmp0:
0x13: {  	[tilespmem:s26+$0x4400] =	vst v1;
	(pc) =	sbr.rel @p0 .LBB2_2-.Ltmp0, $2  }
0x14: {  	_ =	sdelay $0x2  }
0x15: {  	s26 =	sshra.s32 s28, $0x2  }
0x16: {  	[tilespmem:s26+$0x400] =	vst v0  }
0x17: {  	[tilespmem:s26+$0x4400] =	vst v1  }
0x18: {  	[spmem:s4] =	stream.linear.scatter [tilespmem:s12], [sflag:$0x1], $0x4000, $0x38;
	[tilespmem:$0xAC00] =	vst v63  }
0x19: {  	_ =	swait.ge [sflag:s13], $0x4000  }
0x1a: {  	[sflag:s13] =	ssyncset.done $0x0  }
0x1b: {  	[sflag:s13] =	ssyncadd.s32 $0xFFFFC000  }
0x1c: {  	[spmem:s5] =	stream.linear.scatter [tilespmem:s12], [sflag:$0x1], $0x4000, $0x38;
	[tilespmem:$0xAC00] =	vst v63  }
0x1d: {  	_ =	swait.ge [sflag:s13], $0x4000  }
0x1e: {  	[sflag:s13] =	ssyncset.done $0x0  }
0x1f: {  	[sflag:s13] =	ssyncadd.s32 $0xFFFFC000  }
0x20: {  	[spmem:s6] =	stream.linear.scatter [tilespmem:s12], [sflag:$0x1], $0x4000, $0x38;
	[tilespmem:$0xAC00] =	vst v63  }
0x21: {  	_ =	swait.ge [sflag:s13], $0x4000  }
0x22: {  	[sflag:s13] =	ssyncset.done $0x0  }
0x23: {  	[sflag:s13] =	ssyncadd.s32 $0xFFFFC000  }
0x24: {  	[spmem:s7] =	stream.linear.scatter [tilespmem:s12], [sflag:$0x1], $0x4000, $0x38;
	[tilespmem:$0xAC00] =	vst v63  }
0x25: {  	_ =	swait.ge [sflag:s13], $0x4000  }
0x26: {  	[sflag:s13] =	ssyncset.done $0x0  }
0x27: {  	[sflag:s13] =	ssyncadd.s32 $0xFFFFC000  }
0x28: {  	[spmem:s8] =	stream.linear.scatter [tilespmem:s12], [sflag:$0x1], $0x4000, $0x38;
	[tilespmem:$0xAC00] =	vst v63  }
0x29: {  	_ =	swait.ge [sflag:s13], $0x4000  }
0x2a: {  	[sflag:s13] =	ssyncset.done $0x0  }
0x2b: {  	[sflag:s13] =	ssyncadd.s32 $0xFFFFC000  }
0x2c: {  	s25 =	sadd.s32 $0x0, s11;
	[bflag:$0x0] =	sbarrier.arrive $0xFFFF  }
0x2d: {  	[tilespmem:s3], [sflag:$0x1] =	stream.linear.gather [hbm4b:s25+s3], $0x400, $0x38;
	[tilespmem:$0xAC00] =	vst v63  }
0x2e: {  	_ =	swait.ge [sflag:s13], $0x400  }
0x2f: {  	[sflag:s13] =	ssyncset.done $0x0  }
0x30: {  	[sflag:s13] =	ssyncadd.s32 $0xFFFFFC00  }
0x31: {  	[spmem:s2] =	stream.indirect.scatter.add.f32 [tilespmem:s15], [sflag:$0x1], $0x10, s3, s14, $0xb8;
	[tilespmem:$0xAC00] =	vst v63  }
0x32: {  	_ =	swait.ge [sflag:s13], $0x800  }
0x33: {  	[sflag:s13] =	ssyncset.done $0x0  }
0x34: {  	[sflag:s13] =	ssyncadd.s32 $0xFFFFF800  }
0x35: {  	[spmem:s2] =	stream.indirect.scatter.add.f32 [tilespmem:s15], [sflag:$0x1], $0x10, s14, s14, $0xb8;
	[tilespmem:$0xAC00] =	vst v63  }
0x36: {  	_ =	swait.ge [sflag:s13], $0x800  }
0x37: {  	[sflag:s13] =	ssyncset.done $0x0  }
0x38: {  	[sflag:s13] =	ssyncadd.s32 $0xFFFFF800  }
0x39: {  	[spmem:s2] =	stream.indirect.scatter.add.f32 [tilespmem:s15], [sflag:$0x1], $0x10, s16, s14, $0xb8;
	[tilespmem:$0xAC00] =	vst v63  }
0x3a: {  	_ =	swait.ge [sflag:s13], $0x800  }
0x3b: {  	[sflag:s13] =	ssyncset.done $0x0  }
0x3c: {  	[sflag:s13] =	ssyncadd.s32 $0xFFFFF800  }
0x3d: {  	[spmem:s2] =	stream.indirect.scatter.add.f32 [tilespmem:s15], [sflag:$0x1], $0x10, s17, s14, $0xb8;
	[tilespmem:$0xAC00] =	vst v63  }
0x3e: {  	_ =	swait.ge [sflag:s13], $0x800  }
0x3f: {  	[sflag:s13] =	ssyncset.done $0x0  }
0x40: {  	[sflag:s13] =	ssyncadd.s32 $0xFFFFF800  }
0x41: {  	[spmem:s2] =	stream.indirect.scatter.add.f32 [tilespmem:s15], [sflag:$0x1], $0x10, s18, s14, $0xb8;
	[tilespmem:$0xAC00] =	vst v63  }
0x42: {  	_ =	swait.ge [sflag:s13], $0x800  }
0x43: {  	[sflag:s13] =	ssyncset.done $0x0  }
0x44: {  	[sflag:s13] =	ssyncadd.s32 $0xFFFFF800  }
0x45: {  	[spmem:s2] =	stream.indirect.scatter.add.f32 [tilespmem:s15], [sflag:$0x1], $0x10, s19, s14, $0xb8;
	[tilespmem:$0xAC00] =	vst v63  }
0x46: {  	_ =	swait.ge [sflag:s13], $0x800  }
0x47: {  	[sflag:s13] =	ssyncset.done $0x0  }
0x48: {  	[sflag:s13] =	ssyncadd.s32 $0xFFFFF800  }
0x49: {  	[spmem:s2] =	stream.indirect.scatter.add.f32 [tilespmem:s15], [sflag:$0x1], $0x10, s20, s14, $0xb8;
	[tilespmem:$0xAC00] =	vst v63  }
0x4a: {  	_ =	swait.ge [sflag:s13], $0x800  }
0x4b: {  	[sflag:s13] =	ssyncset.done $0x0  }
0x4c: {  	[sflag:s13] =	ssyncadd.s32 $0xFFFFF800  }
0x4d: {  	[spmem:s2] =	stream.indirect.scatter.add.f32 [tilespmem:s15], [sflag:$0x1], $0x10, s21, s14, $0xb8;
	[tilespmem:$0xAC00] =	vst v63  }
0x4e: {  	_ =	swait.ge [sflag:s13], $0x800  }
0x4f: {  	s28 =	simm.s32 $0x100;
	s25 =	simm.s32 $0x80;
	[sflag:s13] =	ssyncset.done $0x0  }
.LBB2_4:
0x50: {  	s29 =	sadd.s32 s25, s11  }
0x51: {  	[sflag:s13] =	ssyncadd.s32 $0xFFFFF800;
	s25 =	smov.u32 s28;
	s26 =	sadd.s32 $0x80, s28  }
0x52: {  	[tilespmem:s3], [sflag:$0x1] =	stream.linear.gather [hbm4b:s29+s3], $0x400, $0x38;
	[tilespmem:$0xAC00] =	vst v63  }
0x53: {  	p0 =	sne.s32 s28, $0x480;
	_ =	swait.ge [sflag:s13], $0x400  }
0x54: {  	[sflag:s13] =	ssyncset.done $0x0  }
0x55: {  	[sflag:s13] =	ssyncadd.s32 $0xFFFFFC00  }
0x56: {  	[spmem:s2] =	stream.indirect.scatter.add.f32 [tilespmem:s15], [sflag:$0x1], $0x10, s3, s14, $0xb8;
	[tilespmem:$0xAC00] =	vst v63  }
0x57: {  	_ =	swait.ge [sflag:s13], $0x800  }
0x58: {  	[sflag:s13] =	ssyncset.done $0x0  }
0x59: {  	[sflag:s13] =	ssyncadd.s32 $0xFFFFF800  }
0x5a: {  	[spmem:s2] =	stream.indirect.scatter.add.f32 [tilespmem:s15], [sflag:$0x1], $0x10, s14, s14, $0xb8;
	[tilespmem:$0xAC00] =	vst v63  }
0x5b: {  	_ =	swait.ge [sflag:s13], $0x800  }
0x5c: {  	[sflag:s13] =	ssyncset.done $0x0  }
0x5d: {  	[sflag:s13] =	ssyncadd.s32 $0xFFFFF800  }
0x5e: {  	[spmem:s2] =	stream.indirect.scatter.add.f32 [tilespmem:s15], [sflag:$0x1], $0x10, s16, s14, $0xb8;
	[tilespmem:$0xAC00] =	vst v63  }
0x5f: {  	_ =	swait.ge [sflag:s13], $0x800  }
0x60: {  	[sflag:s13] =	ssyncset.done $0x0  }
0x61: {  	[sflag:s13] =	ssyncadd.s32 $0xFFFFF800  }
0x62: {  	[spmem:s2] =	stream.indirect.scatter.add.f32 [tilespmem:s15], [sflag:$0x1], $0x10, s17, s14, $0xb8;
	[tilespmem:$0xAC00] =	vst v63  }
0x63: {  	_ =	swait.ge [sflag:s13], $0x800  }
0x64: {  	[sflag:s13] =	ssyncset.done $0x0  }
0x65: {  	[sflag:s13] =	ssyncadd.s32 $0xFFFFF800  }
0x66: {  	[spmem:s2] =	stream.indirect.scatter.add.f32 [tilespmem:s15], [sflag:$0x1], $0x10, s18, s14, $0xb8;
	[tilespmem:$0xAC00] =	vst v63  }
0x67: {  	_ =	swait.ge [sflag:s13], $0x800  }
0x68: {  	[sflag:s13] =	ssyncset.done $0x0  }
0x69: {  	[sflag:s13] =	ssyncadd.s32 $0xFFFFF800  }
0x6a: {  	[spmem:s2] =	stream.indirect.scatter.add.f32 [tilespmem:s15], [sflag:$0x1], $0x10, s19, s14, $0xb8;
	[tilespmem:$0xAC00] =	vst v63  }
0x6b: {  	_ =	swait.ge [sflag:s13], $0x800  }
0x6c: {  	[sflag:s13] =	ssyncset.done $0x0  }
0x6d: {  	[sflag:s13] =	ssyncadd.s32 $0xFFFFF800  }
0x6e: {  	[spmem:s2] =	stream.indirect.scatter.add.f32 [tilespmem:s15], [sflag:$0x1], $0x10, s20, s14, $0xb8;
	[tilespmem:$0xAC00] =	vst v63  }
0x6f: {  	_ =	swait.ge [sflag:s13], $0x800  }
.Ltmp1:
0x70: {  	[sflag:s13] =	ssyncset.done $0x0;
	(pc) =	sbr.rel @p0 .LBB2_4-.Ltmp1, $4  }
0x71: {  	[sflag:s13] =	ssyncadd.s32 $0xFFFFF800  }
0x72: {  	[spmem:s2] =	stream.indirect.scatter.add.f32 [tilespmem:s15], [sflag:$0x1], $0x10, s21, s14, $0xb8;
	[tilespmem:$0xAC00] =	vst v63  }
0x73: {  	_ =	swait.ge [sflag:s13], $0x800  }
0x74: {  	s28 =	smov.u32 s26;
	[sflag:s13] =	ssyncset.done $0x0  }
0x75: {  	s25 =	sadd.s32 s25, s11;
	[sflag:s13] =	ssyncadd.s32 $0xFFFFF800  }
0x76: {  	[tilespmem:s3], [sflag:$0x1] =	stream.linear.gather [hbm4b:s25+s3], $0x400, $0x38;
	[tilespmem:$0xAC00] =	vst v63  }
0x77: {  	_ =	swait.ge [sflag:s13], $0x400  }
0x78: {  	[sflag:s13] =	ssyncset.done $0x0  }
0x79: {  	[sflag:s13] =	ssyncadd.s32 $0xFFFFFC00  }
0x7a: {  	[spmem:s2] =	stream.indirect.scatter.add.f32 [tilespmem:s15], [sflag:$0x1], $0x10, s3, s14, $0xb8;
	[tilespmem:$0xAC00] =	vst v63  }
0x7b: {  	_ =	swait.ge [sflag:s13], $0x800  }
0x7c: {  	[sflag:s13] =	ssyncset.done $0x0  }
0x7d: {  	[sflag:s13] =	ssyncadd.s32 $0xFFFFF800  }
0x7e: {  	[spmem:s2] =	stream.indirect.scatter.add.f32 [tilespmem:s15], [sflag:$0x1], $0x10, s14, s14, $0xb8;
	[tilespmem:$0xAC00] =	vst v63  }
0x7f: {  	_ =	swait.ge [sflag:s13], $0x800  }
0x80: {  	[sflag:s13] =	ssyncset.done $0x0  }
0x81: {  	[sflag:s13] =	ssyncadd.s32 $0xFFFFF800  }
0x82: {  	[spmem:s2] =	stream.indirect.scatter.add.f32 [tilespmem:s15], [sflag:$0x1], $0x10, s16, s14, $0xb8;
	[tilespmem:$0xAC00] =	vst v63  }
0x83: {  	_ =	swait.ge [sflag:s13], $0x800  }
0x84: {  	[sflag:s13] =	ssyncset.done $0x0  }
0x85: {  	[sflag:s13] =	ssyncadd.s32 $0xFFFFF800  }
0x86: {  	[spmem:s2] =	stream.indirect.scatter.add.f32 [tilespmem:s15], [sflag:$0x1], $0x10, s17, s14, $0xb8;
	[tilespmem:$0xAC00] =	vst v63  }
0x87: {  	_ =	swait.ge [sflag:s13], $0x800  }
0x88: {  	[sflag:s13] =	ssyncset.done $0x0  }
0x89: {  	[sflag:s13] =	ssyncadd.s32 $0xFFFFF800  }
0x8a: {  	[spmem:s2] =	stream.indirect.scatter.add.f32 [tilespmem:s15], [sflag:$0x1], $0x10, s18, s14, $0xb8;
	[tilespmem:$0xAC00] =	vst v63  }
0x8b: {  	_ =	swait.ge [sflag:s13], $0x800  }
0x8c: {  	[sflag:s13] =	ssyncset.done $0x0  }
0x8d: {  	[sflag:s13] =	ssyncadd.s32 $0xFFFFF800  }
0x8e: {  	[spmem:s2] =	stream.indirect.scatter.add.f32 [tilespmem:s15], [sflag:$0x1], $0x10, s19, s14, $0xb8;
	[tilespmem:$0xAC00] =	vst v63  }
0x8f: {  	_ =	swait.ge [sflag:s13], $0x800  }
0x90: {  	[sflag:s13] =	ssyncset.done $0x0  }
0x91: {  	[sflag:s13] =	ssyncadd.s32 $0xFFFFF800  }
0x92: {  	[spmem:s2] =	stream.indirect.scatter.add.f32 [tilespmem:s15], [sflag:$0x1], $0x10, s20, s14, $0xb8;
	[tilespmem:$0xAC00] =	vst v63  }
0x93: {  	_ =	swait.ge [sflag:s13], $0x800  }
0x94: {  	[sflag:s13] =	ssyncset.done $0x0  }
0x95: {  	[sflag:s13] =	ssyncadd.s32 $0xFFFFF800  }
0x96: {  	[spmem:s2] =	stream.indirect.scatter.add.f32 [tilespmem:s15], [sflag:$0x1], $0x10, s21, s14, $0xb8;
	[tilespmem:$0xAC00] =	vst v63  }
0x97: {  	_ =	swait.ge [sflag:s13], $0x800  }
0x98: {  	s24 =	sadd.s32 $0x1, s24;
	[sflag:s13] =	ssyncset.done $0x0  }
0x99: {  	p0 =	sne.s32 s24, s10;
	[sflag:s13] =	ssyncadd.s32 $0xFFFFF800  }
.Ltmp2:
0x9a: {  	[bflag:$0x0] =	sbarrier.arrive $0xFFFF;
	(pc) =	sbr.rel @p0 .LBB2_1-.Ltmp2, $4  }
0x9b: {  	[hbm:s9], [sflag:s22] =	dma.local [spmem:s23], $0x2800  }
0x9c: {  	_ =	swait.ge [sflag:s13], $0x2800  }
0x9d: {  	[sflag:s13] =	ssyncset.done $0x0  }
0x9e: {  	[sflag:s13] =	ssyncadd.s32 $0xFFFFD800  }
0x9f: {  	_ =	sfence.sel $0x180000  }
0xa0: {  	[bflag:$0x0] =	sbarrier.arrive $0xFFFF  }
0xa1: {  	p0 =	sne.s32 s0, $0x0;
	_ =	strace $0x90000047  }
0xa2: {  	s0 =	sadd.s32 @!p0 $0x100000, s1;
	[bflag:$0x2] =	sbarrier.arrive $0xFFFF  }
0xa3: {  	[sflag:s0] =	ssyncadd.tile.s32 @!p0 $0x1;
	_ =	shalt  }
.Lfunc_end2:
_tile_overlayer_lowered:
.L_overlay_start_2:
0xa4: {  	(tag) =	ssettag $0x2  }
0xa5: {  	s0 =	rddreg [dreg:$0x0];
	s2 =	stileid.u32  }
0xa6: {  	s1 =	rddreg [dreg:$0x1];
	p0 =	sne.s32 s2, $0x0  }
0xa7: {  	s3 =	rddreg [dreg:$0x2];
	[bflag:$0x3] =	sbarrier.arrive $0xFFFF;
	s2 =	simm.s32 @!p0 $0x1C01  }
0xa8: {  	[timem:s3], [sflag:s2] =	dma.local @!p0 [hbm:s0], s1  }
0xa9: {  	s0 =	simm.s32 @!p0 $0x1  }
0xaa: {  	_ =	swait.ge @!p0 [sflag:s0], s1  }
0xab: {  	s1 =	ssub.s32 @!p0 $0x0, s1;
	[sflag:s0] =	ssyncset.done @!p0 $0x0  }
0xac: {  	[sflag:s0] =	ssyncadd.s32 @!p0 s1  }
0xad: {  	[bflag:$0x3] =	sbarrier.arrive $0xFFFF  }
0xae: {  	_ =	shalt  }

// kernel: kernel.9.cloned.1.call-start
scs
__scs_entry_jumppad:
0x0: {  	(pc) =	sbr.rel $0x88, $3  }
0x1: {  	(tag) =	ssettag $0x0;
	lr =	simm.s32 $0x1  }
0x2: {  	[smem:$0x3F92] =	sst lr;
	_ =	strace $0xD0000000  }
0x3: {  	_ = 	snop  }
0x4: {  	_ = 	snop  }
0x5: {  	_ = 	snop  }
0x6: {  	_ = 	snop  }
0x7: {  	_ = 	snop  }
__scs_overlays_trampoline_lowered:
0x8: {  	[smem:$0x3FA1] =	sst s0  }
0x9: {  	[smem:$0x3FA2] =	sst s1  }
0xa: {  	[smem:$0x3FA3] =	sst s2  }
0xb: {  	[smem:$0x3FA4] =	sst s3  }
0xc: {  	[smem:$0x3FA5] =	sst s4  }
0xd: {  	[smem:$0x3FA6] =	sst s5  }
0xe: {  	[smem:$0x3FA7] =	sst s6  }
0xf: {  	[smem:$0x3FA8] =	sst s7  }
0x10: {  	[smem:$0x3FA9] =	sst s8  }
0x11: {  	[smem:$0x3FAA] =	sst s9;
	s0 =	simm.s32 @!p0 $0x0  }
0x12: {  	s1 =	sld [smem:$0x3F90];
	s0 =	simm.s32 @p0 $0x1  }
0x13: {  	[smem:$0x3FAB] =	sst s0;
	s0 =	simm.s32 @!p1 $0x0  }
0x14: {  	s2 =	sld [smem:$0x3F8F];
	s0 =	simm.s32 @p1 $0x1  }
0x15: {  	[smem:$0x3FAC] =	sst s0;
	s0 =	simm.s32 @!p2 $0x0  }
0x16: {  	s3 =	sld [smem:$0x3FDB];
	s0 =	simm.s32 @p2 $0x1  }
0x17: {  	s4 =	simm.s32 $0x1BF5;
	[smem:$0x3FAE] =	sst s0  }
0x18: {  	s0 =	sld [smem:$0x3F91];
	_ =	swait.ge [sflag:s4], $0x0  }
0x19: {  	s7 =	sld [smem:$0x3F92]  }
0x1a: {  	s8 =	sadd.s32 $0xFFFFE003, lr  }
0x1b: {  	s9 =	sadd.s32 $0xFFFFFEF7, lr;
	s5 =	simm.s32 $0xFFFFFFFF;
	p2 =	slt.u32 s8, $0xFFFFF086  }
0x1c: {  	p1 =	slt.u32 s9, $0xF7A;
	s5 =	simm.s32 @!p2 $0x0  }
0x1d: {  	s5 =	simm.s32 @p1 $0x1;
	p0 =	seq.s32 s7, s2  }
0x1e: {  	s7 =	smul.u32 @!p0 $0xF7A, s2;
	p2 =	seq.s32 @!p0 s5, $0x0  }
0x1f: {  	s9 =	smul.u32 $0xF7A, s1;
	s8 =	simm.s32 @!p0 $0x1BF5;
	p2 =	por !p2, p0  }
0x20: {  	[sflag:s8] =	ssyncset.s32 @!p0 $0xFFFFF086;
	s6 =	sadd.s32 @!p0 s3, s7;
	s7 =	simm.s32 @!p0 $0x108  }
0x21: {  	s3 =	sadd.s32 s3, s9;
	s6 =	sadd.s32 @!p0 $0x88, s6;
	s7 =	simm.s32 @p2 $0x1082  }
0x22: {  	[simem:s7], [sflag:s8] =	dma.local @!p0 [hbm:s6], $0xF7A  }
0x23: {  	s9 =	sor.u32 $0xD0000000, s2;
	s6 =	simm.s32 $0x108;
	_ =	swait.ge @!p0 [sflag:s8], $0x0  }
0x24: {  	s3 =	sadd.s32 $0x88, s3;
	s6 =	simm.s32 @!p1 $0x1082;
	[sflag:s4] =	ssyncset.s32 $0xFFFFF086  }
0x25: {  	[simem:s6], [sflag:s4] =	dma.local [hbm:s3], $0xF7A  }
0x26: {  	[smem:$0x3F92] =	sst s1;
	(tag) =	ssettag s2;
	_ =	strace s9  }
0x27: {  	s1 =	sld [smem:$0x3FA2]  }
0x28: {  	s2 =	sld [smem:$0x3FA3]  }
0x29: {  	s4 =	sld [smem:$0x3FA5]  }
0x2a: {  	p0 =	seq.s32 s5, $0x0;
	s5 =	sld [smem:$0x3FA6]  }
0x2b: {  	s6 =	sld [smem:$0x3FA7]  }
0x2c: {  	s7 =	sld [smem:$0x3FA8]  }
0x2d: {  	s3 =	simm.s32 $0x108;
	s8 =	sld [smem:$0x3FA9]  }
0x2e: {  	s3 =	simm.s32 @!p0 $0x1082;
	s9 =	sld [smem:$0x3FAA]  }
0x2f: {  	lr =	sadd.s32 s0, s3;
	s0 =	sld [smem:$0x3FA1]  }
0x30: {  	s3 =	sld [smem:$0x3FA4]  }
0x31: {  	[smem:$0x3FAD] =	sst s10  }
0x32: {  	s10 =	sld [smem:$0x3FAB];
	_ =	sdelay $0x3  }
0x33: {  	p0 =	seq.s32 s10, $0x1;
	s10 =	sld [smem:$0x3FAD];
	_ =	sdelay $0x3  }
0x34: {  	[smem:$0x3FAD] =	sst s10  }
0x35: {  	s10 =	sld [smem:$0x3FAC];
	_ =	sdelay $0x3  }
0x36: {  	p1 =	seq.s32 s10, $0x1;
	s10 =	sld [smem:$0x3FAD];
	_ =	sdelay $0x3  }
0x37: {  	[smem:$0x3FAD] =	sst s10  }
0x38: {  	s10 =	sld [smem:$0x3FAE]  }
0x39: {  	_ = 	snop;
	(pc) =	sbr.ind lr, $3  }
0x3a: {  	_ = 	snop  }
0x3b: {  	_ = 	snop  }
0x3c: {  	p2 =	seq.s32 s10, $0x1;
	s10 =	sld [smem:$0x3FAD]  }
0x3d: {  	_ =	shalt  }
0x3e: {  	_ =	shalt  }
0x3f: {  	_ =	shalt  }
0x40: {  	_ =	shalt  }
0x41: {  	_ =	shalt  }
0x42: {  	_ =	shalt  }
0x43: {  	_ =	shalt  }
0x44: {  	_ =	shalt  }
0x45: {  	_ =	shalt  }
0x46: {  	_ =	shalt  }
0x47: {  	_ =	shalt  }
0x48: {  	_ =	shalt  }
0x49: {  	_ =	shalt  }
0x4a: {  	_ =	shalt  }
0x4b: {  	_ =	shalt  }
0x4c: {  	_ =	shalt  }
0x4d: {  	_ =	shalt  }
0x4e: {  	_ =	shalt  }
0x4f: {  	_ =	shalt  }
0x50: {  	_ =	shalt  }
0x51: {  	_ =	shalt  }
0x52: {  	_ =	shalt  }
0x53: {  	_ =	shalt  }
0x54: {  	_ =	shalt  }
0x55: {  	_ =	shalt  }
0x56: {  	_ =	shalt  }
0x57: {  	_ =	shalt  }
0x58: {  	_ =	shalt  }
0x59: {  	_ =	shalt  }
0x5a: {  	_ =	shalt  }
0x5b: {  	_ =	shalt  }
0x5c: {  	_ =	shalt  }
0x5d: {  	_ =	shalt  }
0x5e: {  	_ =	shalt  }
0x5f: {  	_ =	shalt  }
0x60: {  	_ =	shalt  }
0x61: {  	_ =	shalt  }
0x62: {  	_ =	shalt  }
0x63: {  	_ =	shalt  }
0x64: {  	_ =	shalt  }
0x65: {  	_ =	shalt  }
0x66: {  	_ =	shalt  }
0x67: {  	_ =	shalt  }
0x68: {  	_ =	shalt  }
0x69: {  	_ =	shalt  }
0x6a: {  	_ =	shalt  }
0x6b: {  	_ =	shalt  }
0x6c: {  	_ =	shalt  }
0x6d: {  	_ =	shalt  }
0x6e: {  	_ =	shalt  }
0x6f: {  	_ =	shalt  }
0x70: {  	_ =	shalt  }
0x71: {  	_ =	shalt  }
0x72: {  	_ =	shalt  }
0x73: {  	_ =	shalt  }
0x74: {  	_ =	shalt  }
0x75: {  	_ =	shalt  }
0x76: {  	_ =	shalt  }
0x77: {  	_ =	shalt  }
0x78: {  	_ =	shalt  }
0x79: {  	_ =	shalt  }
0x7a: {  	_ =	shalt  }
0x7b: {  	_ =	shalt  }
0x7c: {  	_ =	shalt  }
0x7d: {  	_ =	shalt  }
0x7e: {  	_ =	shalt  }
0x7f: {  	_ =	shalt  }
0x80: {  	_ =	shalt  }
0x81: {  	_ =	shalt  }
0x82: {  	_ =	shalt  }
0x83: {  	_ =	shalt  }
0x84: {  	_ =	shalt  }
0x85: {  	_ =	shalt  }
0x86: {  	_ =	shalt  }
0x87: {  	_ =	shalt  }
.Lfunc_end0:
.L_simem_size_0:
called_computation.1_lowered:
.L_overlay_start_0:
0x88: {  	s2 =	sld [smem:$0x3FD9]  }
0x89: {  	s3 =	sld [smem:$0x3FFE];
	_ =	sdelay $0x1  }
0x8a: {  	s1 =	srdreg.scid  }
0x8b: {  	s0 =	sand.u32 $0x1, s1  }
0x8c: {  	s16 =	sshll.u32 s0, $0xA;
	s2 =	sadd.s32 s3, s2  }
0x8d: {  	s2 =	sadd.s32 s2, s16  }
0x8e: {  	[smem:$0x3FB9] =	sst s2  }
0x8f: {  	_ = 	snop  }
0x90: {  	(tm) =	ssettm $0x1  }
0x91: {  	s17 =	sld [smem:$0x3FFB];
	_ =	sdelay $0x3  }
0x92: {  	_ =	strace s17  }
0x93: {  	s2 =	sld [smem:$0x3FFC];
	_ =	sdelay $0x3  }
0x94: {  	_ =	strace s2  }
0x95: {  	s2 =	sld [smem:$0x3FFD];
	_ =	sdelay $0x3  }
0x96: {  	_ =	strace s2  }
0x97: {  	_ =	strace $0x8FFFFFFF  }
0x98: {  	s18 =	sld [smem:$0x3FDB];
	_ =	sdelay $0x1  }
0x99: {  	s19 =	simm.s32 $_scs_section_size  }
0x9a: {  	s4 =	simm.s32 $_size__tile_overlayer_lowered;
	s5 =	simm.s32 $_tile_overlayer_lowered  }
0x9b: {  	s22 =	simm.s32 $0x1BFF;
	s21 =	sshll.u32 s5, $0x1;
	s2 =	sadd.s32 s19, s18  }
0x9c: {  	s6 =	simm.s32 $0x0;
	s20 =	sshll.u32 s4, $0x1;
	s4 =	sadd.s32 s21, s2  }
0x9d: {  	[timem:s6], [sflag:s22] =	dma.local [hbm:s4], s20  }
0x9e: {  	_ =	swait.ge [sflag:s22], s20  }
0x9f: {  	s3 =	ssub.s32 $0x0, s20;
	[sflag:s22] =	ssyncset.done $0x0  }
0xa0: {  	[sflag:s22] =	ssyncadd.s32 s3;
	_ =	sdelay $0x1  }
0xa1: {  	s23 =	simm.s32 $0x1B8B  }
0xa2: {  	_ =	swait.ge [sflag:s23], $0x1  }
0xa3: {  	[sflag:s23] =	ssyncset.done $0x0  }
0xa4: {  	s25 =	simm.s32 $0x1B8E;
	s24 =	sld [smem:$0x3FFE];
	[sflag:s23] =	ssyncadd.s32 $0xFFFFFFFF  }
0xa5: {  	s26 =	simm.s32 $execute0_lowered;
	[smem:$0x3FD2] =	sst s25  }
0xa6: {  	s4 =	sshll.u32 s26, $0x1;
	_ =	strace $0x80000049;
	[dreg:$0x1] =	wrdreg $0xFFFFFFFF  }
0xa7: {  	s28 =	simm.s32 $_size_execute0_lowered;
	s2 =	sadd.s32 s2, s4;
	[dreg:$0x0] =	wrdreg $0x0  }
0xa8: {  	s4 =	sshll.u32 s28, $0x1;
	[dreg:$0x2] =	wrdreg s2  }
0xa9: {  	[dreg:$0x3] =	wrdreg s4  }
0xaa: {  	[dreg:$0x4] =	wrdreg $0xC0  }
0xab: {  	_ =	task [dreg:s6], $0x5FFFF  }
0xac: {  	[dreg:$0x1] =	wrdreg $0xFFFFFFFF  }
0xad: {  	[dreg:$0x0] =	wrdreg $0x60  }
0xae: {  	[dreg:$0x2] =	wrdreg s24  }
0xaf: {  	[dreg:$0x3] =	wrdreg $0x128000  }
0xb0: {  	[dreg:$0x4] =	wrdreg $0x9  }
0xb1: {  	_ =	task.clear_ibuf [dreg:s6], $0x5FFFF;
	_ =	strace $0x90000049  }
0xb2: {  	s29 =	simm.s32 $0x9;
	_ =	strace $0x8000004B  }
0xb3: {  	_ =	swait.ge [sflag:s29], $0x1  }
0xb4: {  	[sflag:s29] =	ssyncadd.s32 $0xFFFFFFFF  }
0xb5: {  	_ =	strace $0x9000004B  }
0xb6: {  	_ =	sfence  }
0xb7: {  	s30 =	sld [smem:$0x0];
	_ =	sdelay $0x2  }
0xb8: {  	s31 =	sshll.u32 s1, $0xD;
	s1 =	sshrl.u32 s1, $0x2  }
0xb9: {  	s3 =	sand.u32 $0x4000, s31;
	s1 =	sadd.s32 s1, s30  }
0xba: {  	s0 =	sor.u32 s3, s0;
	s1 =	sshll.u32 s1, $0x11  }
0xbb: {  	s0 =	sor.u32 s1, s0  }
0xbc: {  	s0 =	sadd.s32 $0x8F2B, s0  }
0xbd: {  	[sflag:s0] =	ssyncadd.remote.s32 $0x1  }
0xbe: {  	_ =	sfence.sel $0xFFFF  }
0xbf: {  	[dreg:$0x0] =	wrdreg $0xFFFFFFFF;
	(pc) =	sbr.abs _section_cstart, $3  }
0xc0: {  	[dreg:$0x1] =	wrdreg $0xFFFFFFFF  }
0xc1: {  	_ =	task.clear_ibuf [dreg:s6], $0x2FFFF;
	_ =	strace $0x9FFFFFFF  }
0xc2: {  	(tm) =	ssettm $0x7FFFFFFF  }
0xc3: {  	_ =	shalt  }
tec
execute0_lowered:
.L_overlay_start_1:
0x0: {  	(tag) =	ssettag $0x1  }
0x1: {  	s0 =	rddreg [dreg:$0x0]  }
0x2: {  	s2 =	rddreg [dreg:$0x1]  }
0x3: {  	s3 =	simm.s32 $0x0;
	s11 =	stileid.u32;
	s4 =	srdreg.scid  }
0x4: {  	s17 =	simm.s32 $0x2;
	s19 =	simm.s32 $0x80;
	s28 =	simm.s32 $0x200  }
0x5: {  	s29 =	simm.s32 $0x600;
	s30 =	simm.s32 $0x8800;
	s13 =	simm.s32 $0xC800  }
0x6: {  	s31 =	simm.s32 $0x4800;
	s14 =	simm.s32 $0x280;
	s15 =	simm.s32 $0x300  }
0x7: {  	[smem:$0x7FF] =	sst s3;
	s1 =	smul.u32 $0xA00, s11;
	s6 =	sand.u32 $0x1, s4  }
0x8: {  	s7 =	smul.u32 $0x280, s11;
	s8 =	sadd.s32 $0x48400, s0;
	s9 =	sadd.s32 $0x34A00, s0  }
0x9: {  	s4 =	sadd.s32 $0x21000, s0;
	s5 =	sadd.s32 $0xD600, s0;
	s11 =	smul.u32 $0x28000, s11  }
0xa: {  	_ =	strace $0x8000004A;
	s10 =	smul.u32 $0x5000, s6;
	s20 =	ssub.s32 $0x2, s6  }
0xb: {  	p0 =	seq.s32 s6, $0x0;
	s1 =	sadd.s32 s1, s0;
	s12 =	sshrl.u32 s20, $0x1  }
0xc: {  	s11 =	sshrl.u32 s11, $0x2;
	s4 =	smov.u32 @p0 s8;
	s5 =	smov.u32 @p0 s9  }
0xd: {  	s8 =	simm.s32 $0x500;
	s9 =	simm.s32 $0x580;
	s7 =	sadd.s32 s7, s10  }
0xe: {  	s21 =	ssub.s32 s20, s12;
	s22 =	sadd.s32 s11, s2;
	s12 =	sadd.s32 $0x3600, s1  }
0xf: {  	s20 =	simm.s32 $0x800;
	s11 =	sadd.s32 $0x2000, s22;
	[dreg:$0x3] =	wrdreg s22  }
0x10: {  	s7 =	sshll.u32 s7, $0x3;
	s23 =	sadd.s32 $0x4000, s22;
	[dreg:$0x4] =	wrdreg s11  }
0x11: {  	s24 =	sadd.s32 $0x6000, s22;
	s10 =	sadd.s32 $0x8000, s22;
	[dreg:$0x5] =	wrdreg s23  }
0x12: {  	s26 =	smax.u32 s21, $0x1;
	s21 =	simm.s32 $0x400;
	[dreg:$0x6] =	wrdreg s24  }
0x13: {  	s22 =	simm.s32 $0xE800;
	s0 =	sadd.s32 s7, s0;
	[dreg:$0x7] =	wrdreg s10  }
0x14: {  	s11 =	sadd.s32 $0x5D600, s1;
	[dreg:$0xa] =	wrdreg s26;
	s23 =	simm.s32 $0x2800  }
0x15: {  	s7 =	simm.s32 $0x100;
	s26 =	simm.s32 $0x1;
	s25 =	sadd.s32 $0x67600, s0  }
0x16: {  	s1 =	simm.s32 $0x0;
	s0 =	sadd.s32 $0x7B600, s0;
	[dreg:$0x8] =	wrdreg s25  }
0x17: {  	v0 =	vimm.f32 $0.0e+00;
	s24 =	simm.s32 $0x380;
	[dreg:$0x9] =	wrdreg s0;
	s0 =	simm.s32 $0xA800  }
.LBB2_1:
0x18: {  	[dreg:$0xb] =	wrdreg s1;
	s16 =	simm.s32 $0x100;
	s6 =	simm.s32 $0x0  }
.LBB2_2:
0x19: {  	p0 =	sne.s32 s16, $0x7F00;
	[tilespmem:s6+$0x10830] =	vst v0;
	s18 =	smov.u32 s16;
	s16 =	sadd.s32 $0x100, s16  }
.Ltmp0:
0x1a: {  	[tilespmem:s6+$0x10820] =	vst v0;
	(pc) =	sbr.rel @p0 .LBB2_2-.Ltmp0, $3  }
0x1b: {  	[tilespmem:s6+$0x10800] =	vst v0  }
0x1c: {  	[tilespmem:s6+$0x10810] =	vst v0;
	_ =	sdelay $0x1  }
0x1d: {  	s6 =	sshra.s32 s18, $0x2  }
0x1e: {  	[tilespmem:s6+$0x10830] =	vst v0  }
0x1f: {  	[tilespmem:s6+$0x10820] =	vst v0  }
0x20: {  	[tilespmem:s6+$0x10800] =	vst v0  }
0x21: {  	[tilespmem:s6+$0x10810] =	vst v0;
	s25 =	rddreg [dreg:$0x3];
	s16 =	simm.s32 $0x10800  }
0x22: {  	[spmem:s25] =	stream.linear.scatter [tilespmem:s16], [sflag:$0x2], $0x2000, $0x38;
	[tilespmem:$0x1C800] =	vst v63  }
0x23: {  	_ =	swait.ge [sflag:s17], $0x2000  }
0x24: {  	[sflag:s17] =	ssyncset.done $0x0  }
0x25: {  	s1 =	rddreg [dreg:$0x4];
	[sflag:s17] =	ssyncadd.s32 $0xFFFFE000  }
0x26: {  	[spmem:s1] =	stream.linear.scatter [tilespmem:s16], [sflag:$0x2], $0x2000, $0x38;
	[tilespmem:$0x1C800] =	vst v63  }
0x27: {  	_ =	swait.ge [sflag:s17], $0x2000  }
0x28: {  	[sflag:s17] =	ssyncset.done $0x0  }
0x29: {  	s10 =	rddreg [dreg:$0x5];
	[sflag:s17] =	ssyncadd.s32 $0xFFFFE000  }
0x2a: {  	[spmem:s10] =	stream.linear.scatter [tilespmem:s16], [sflag:$0x2], $0x2000, $0x38;
	[tilespmem:$0x1C800] =	vst v63  }
0x2b: {  	_ =	swait.ge [sflag:s17], $0x2000  }
0x2c: {  	[sflag:s17] =	ssyncset.done $0x0  }
0x2d: {  	s18 =	rddreg [dreg:$0x6];
	[sflag:s17] =	ssyncadd.s32 $0xFFFFE000  }
0x2e: {  	[spmem:s18] =	stream.linear.scatter [tilespmem:s16], [sflag:$0x2], $0x2000, $0x38;
	[tilespmem:$0x1C800] =	vst v63  }
0x2f: {  	_ =	swait.ge [sflag:s17], $0x2000  }
0x30: {  	[sflag:s17] =	ssyncset.done $0x0  }
0x31: {  	s25 =	rddreg [dreg:$0x7];
	[sflag:s17] =	ssyncadd.s32 $0xFFFFE000  }
0x32: {  	[spmem:s25] =	stream.linear.scatter [tilespmem:s16], [sflag:$0x2], $0x2000, $0x38;
	[tilespmem:$0x1C800] =	vst v63  }
0x33: {  	_ =	swait.ge [sflag:s17], $0x2000  }
0x34: {  	[sflag:s17] =	ssyncset.done $0x0  }
0x35: {  	[sflag:s17] =	ssyncadd.s32 $0xFFFFE000  }
0x36: {  	s1 =	simm.s32 $0x0;
	[bflag:$0x0] =	sbarrier.arrive $0xFFFF  }
0x37: {  	[tilespmem:s1], [sflag:$0x2] =	stream.linear.gather [hbm4b:s11+s1], $0x200, $0x38;
	[tilespmem:$0x1C800] =	vst v63  }
0x38: {  	_ =	swait.ge [sflag:s17], $0x200  }
0x39: {  	[sflag:s17] =	ssyncset.done $0x0  }
0x3a: {  	[sflag:s17] =	ssyncadd.s32 $0xFFFFFE00  }
0x3b: {  	[tilespmem:s21], [sflag:$0x2] =	stream.linear.gather [hbm4b:s12+s1], $0x200, $0x38;
	[tilespmem:$0x1C800] =	vst v63  }
0x3c: {  	_ =	swait.ge [sflag:s17], $0x200  }
0x3d: {  	[sflag:s17] =	ssyncset.done $0x0  }
0x3e: {  	[sflag:s17] =	ssyncadd.s32 $0xFFFFFE00  }
0x3f: {  	[tilespmem:s20], [sflag:$0x1] =	stream.indirect.gather [hbm4b:s4+s19], $0x40, s1, s19, $0xb8;
	[tilespmem:$0x1C800] =	vst v63  }
0x40: {  	_ = 	snop  }
0x41: {  	[tilespmem:s23], [sflag:$0x1] =	stream.indirect.gather [hbm4b:s4+s19], $0x40, s19, s19, $0xb8;
	[tilespmem:$0x1C800] =	vst v63  }
0x42: {  	_ = 	snop  }
0x43: {  	[tilespmem:s31], [sflag:$0x1] =	stream.indirect.gather [hbm4b:s4+s19], $0x40, s7, s19, $0xb8;
	[tilespmem:$0x1C800] =	vst v63  }
0x44: {  	s1 =	simm.s32 $0x6800;
	s7 =	simm.s32 $0x180  }
0x45: {  	[tilespmem:s1], [sflag:$0x1] =	stream.indirect.gather [hbm4b:s4+s19], $0x40, s7, s19, $0xb8;
	[tilespmem:$0x1C800] =	vst v63  }
0x46: {  	_ =	swait.ge [sflag:s26], $0x8000  }
0x47: {  	s10 =	sadd.s32 $0x0, s11;
	[sflag:s26] =	ssyncset.done $0x0  }
0x48: {  	s6 =	sadd.s32 $0x40, s10;
	[sflag:s26] =	ssyncadd.s32 $0xFFFF8000  }
0x49: {  	[tilespmem:s28], [sflag:$0x2] =	stream.linear.gather [hbm4b:s6+s3], $0x200, $0x38;
	[tilespmem:$0x1C800] =	vst v63  }
0x4a: {  	_ =	swait.ge [sflag:s17], $0x200  }
0x4b: {  	s16 =	sadd.s32 $0x0, s12;
	[sflag:s17] =	ssyncset.done $0x0  }
0x4c: {  	s6 =	sadd.s32 $0x40, s16;
	[sflag:s17] =	ssyncadd.s32 $0xFFFFFE00  }
0x4d: {  	[tilespmem:s29], [sflag:$0x2] =	stream.linear.gather [hbm4b:s6+s3], $0x200, $0x38;
	[tilespmem:$0x1C800] =	vst v63  }
0x4e: {  	_ =	swait.ge [sflag:s17], $0x200  }
0x4f: {  	[sflag:s17] =	ssyncset.done $0x0  }
0x50: {  	[sflag:s17] =	ssyncadd.s32 $0xFFFFFE00  }
0x51: {  	[tilespmem:s30], [sflag:$0x1] =	stream.indirect.gather [hbm4b:s4+s19], $0x40, s28, s19, $0xb8;
	[tilespmem:$0x1C800] =	vst v63  }
0x52: {  	_ = 	snop  }
0x53: {  	[tilespmem:s0], [sflag:$0x1] =	stream.indirect.gather [hbm4b:s4+s19], $0x40, s14, s19, $0xb8;
	[tilespmem:$0x1C800] =	vst v63  }
0x54: {  	_ = 	snop  }
0x55: {  	[tilespmem:s13], [sflag:$0x1] =	stream.indirect.gather [hbm4b:s4+s19], $0x40, s15, s19, $0xb8;
	[tilespmem:$0x1C800] =	vst v63  }
0x56: {  	_ = 	snop  }
0x57: {  	[tilespmem:s22], [sflag:$0x1] =	stream.indirect.gather [hbm4b:s4+s19], $0x40, s24, s19, $0xb8;
	[tilespmem:$0x1C800] =	vst v63  }
0x58: {  	_ = 	snop  }
0x59: {  	[spmem:s2] =	stream.indirect.scatter.add.f32 [tilespmem:s20], [sflag:$0x2], $0x40, s21, s19, $0xb8;
	[tilespmem:$0x1C800] =	vst v63  }
0x5a: {  	_ =	swait.ge [sflag:s17], $0x2000  }
0x5b: {  	[sflag:s17] =	ssyncset.done $0x0  }
0x5c: {  	s7 =	simm.s32 $0x480;
	[sflag:s17] =	ssyncadd.s32 $0xFFFFE000  }
0x5d: {  	[spmem:s2] =	stream.indirect.scatter.add.f32 [tilespmem:s23], [sflag:$0x2], $0x40, s7, s19, $0xb8;
	[tilespmem:$0x1C800] =	vst v63  }
0x5e: {  	_ =	swait.ge [sflag:s17], $0x2000  }
0x5f: {  	[sflag:s17] =	ssyncset.done $0x0  }
0x60: {  	[sflag:s17] =	ssyncadd.s32 $0xFFFFE000  }
0x61: {  	[spmem:s2] =	stream.indirect.scatter.add.f32 [tilespmem:s31], [sflag:$0x2], $0x40, s8, s19, $0xb8;
	[tilespmem:$0x1C800] =	vst v63  }
0x62: {  	_ =	swait.ge [sflag:s17], $0x2000  }
0x63: {  	[sflag:s17] =	ssyncset.done $0x0  }
0x64: {  	[sflag:s17] =	ssyncadd.s32 $0xFFFFE000  }
0x65: {  	[spmem:s2] =	stream.indirect.scatter.add.f32 [tilespmem:s1], [sflag:$0x2], $0x40, s9, s19, $0xb8;
	[tilespmem:$0x1C800] =	vst v63  }
0x66: {  	_ =	swait.ge [sflag:s17], $0x2000  }
0x67: {  	[sflag:s17] =	ssyncset.done $0x0  }
0x68: {  	[sflag:s17] =	ssyncadd.s32 $0xFFFFE000  }
0x69: {  	p0 =	por $0x0, $0x0;
	_ =	swait.ge [sflag:s26], $0x8000  }
0x6a: {  	s10 =	simm.s32 @!p0 $0x0;
	s6 =	sadd.s32 @!p0 $0x0, s11;
	[sflag:s26] =	ssyncset.done $0x0  }
0x6b: {  	s16 =	simm.s32 @!p0 $0x2;
	s6 =	sadd.s32 @!p0 $0x80, s6;
	[sflag:s26] =	ssyncadd.s32 $0xFFFF8000  }
0x6c: {  	[tilespmem:s10], [sflag:$0x2] =	stream.linear.gather @!p0 [hbm4b:s6+s10], $0x200, $0x38;
	[tilespmem:$0x1C800] =	vst v63  }
0x6d: {  	_ =	swait.ge @!p0 [sflag:s16], $0x200  }
0x6e: {  	s6 =	sadd.s32 @!p0 $0x0, s12;
	[sflag:s16] =	ssyncset.done @!p0 $0x0  }
0x6f: {  	s18 =	simm.s32 @!p0 $0x400;
	s6 =	sadd.s32 @!p0 $0x80, s6;
	[sflag:s16] =	ssyncadd.s32 @!p0 $0xFFFFFE00  }
0x70: {  	[tilespmem:s18], [sflag:$0x2] =	stream.linear.gather @!p0 [hbm4b:s6+s10], $0x200, $0x38;
	[tilespmem:$0x1C800] =	vst v63  }
0x71: {  	_ =	swait.ge @!p0 [sflag:s16], $0x200  }
0x72: {  	[sflag:s16] =	ssyncset.done @!p0 $0x0  }
0x73: {  	s6 =	simm.s32 @!p0 $0x80;
	[sflag:s16] =	ssyncadd.s32 @!p0 $0xFFFFFE00;
	s16 =	simm.s32 @!p0 $0x800  }
0x74: {  	[tilespmem:s16], [sflag:$0x1] =	stream.indirect.gather @!p0 [hbm4b:s4+s6], $0x40, s10, s6, $0xb8;
	[tilespmem:$0x1C800] =	vst v63  }
0x75: {  	s16 =	simm.s32 @!p0 $0x2800  }
0x76: {  	[tilespmem:s16], [sflag:$0x1] =	stream.indirect.gather @!p0 [hbm4b:s4+s6], $0x40, s6, s6, $0xb8;
	[tilespmem:$0x1C800] =	vst v63  }
0x77: {  	s18 =	simm.s32 @!p0 $0x4800;
	s16 =	simm.s32 @!p0 $0x100  }
0x78: {  	[tilespmem:s18], [sflag:$0x1] =	stream.indirect.gather @!p0 [hbm4b:s4+s6], $0x40, s16, s6, $0xb8;
	[tilespmem:$0x1C800] =	vst v63  }
0x79: {  	s16 =	simm.s32 @!p0 $0x180;
	s18 =	simm.s32 @!p0 $0x6800  }
0x7a: {  	[tilespmem:s18], [sflag:$0x1] =	stream.indirect.gather @!p0 [hbm4b:s4+s6], $0x40, s16, s6, $0xb8;
	[tilespmem:$0x1C800] =	vst v63  }
0x7b: {  	_ = 	snop  }
0x7c: {  	[spmem:s2] =	stream.indirect.scatter.add.f32 [tilespmem:s30], [sflag:$0x2], $0x40, s29, s19, $0xb8;
	[tilespmem:$0x1C800] =	vst v63  }
0x7d: {  	_ =	swait.ge [sflag:s17], $0x2000  }
0x7e: {  	[sflag:s17] =	ssyncset.done $0x0  }
0x7f: {  	s10 =	simm.s32 $0x680;
	[sflag:s17] =	ssyncadd.s32 $0xFFFFE000  }
0x80: {  	[spmem:s2] =	stream.indirect.scatter.add.f32 [tilespmem:s0], [sflag:$0x2], $0x40, s10, s19, $0xb8;
	[tilespmem:$0x1C800] =	vst v63  }
0x81: {  	_ =	swait.ge [sflag:s17], $0x2000  }
0x82: {  	[sflag:s17] =	ssyncset.done $0x0  }
0x83: {  	s18 =	simm.s32 $0x700;
	[sflag:s17] =	ssyncadd.s32 $0xFFFFE000  }
0x84: {  	[spmem:s2] =	stream.indirect.scatter.add.f32 [tilespmem:s13], [sflag:$0x2], $0x40, s18, s19, $0xb8;
	[tilespmem:$0x1C800] =	vst v63  }
0x85: {  	_ =	swait.ge [sflag:s17], $0x2000  }
0x86: {  	[sflag:s17] =	ssyncset.done $0x0  }
0x87: {  	s25 =	simm.s32 $0x780;
	[sflag:s17] =	ssyncadd.s32 $0xFFFFE000  }
0x88: {  	[spmem:s2] =	stream.indirect.scatter.add.f32 [tilespmem:s22], [sflag:$0x2], $0x40, s25, s19, $0xb8;
	[tilespmem:$0x1C800] =	vst v63  }
0x89: {  	_ =	swait.ge [sflag:s17], $0x2000  }
0x8a: {  	s16 =	simm.s32 $0x80;
	[sflag:s17] =	ssyncset.done $0x0  }
.LBB2_4:
0x8b: {  	[sflag:s17] =	ssyncadd.s32 $0xFFFFE000;
	s6 =	smov.u32 s16;
	s16 =	sadd.s32 $0x80, s16  }
0x8c: {  	_ =	swait.ge [sflag:s26], $0x8000;
	p0 =	sne.s32 s16, $0xA00  }
0x8d: {  	s18 =	sadd.s32 s6, s11;
	[sflag:s26] =	ssyncset.done $0x0  }
0x8e: {  	s18 =	sadd.s32 $0x40, s18;
	[sflag:s26] =	ssyncadd.s32 $0xFFFF8000  }
0x8f: {  	[tilespmem:s28], [sflag:$0x2] =	stream.linear.gather [hbm4b:s18+s3], $0x200, $0x38;
	[tilespmem:$0x1C800] =	vst v63  }
0x90: {  	_ =	swait.ge [sflag:s17], $0x200  }
0x91: {  	s18 =	sadd.s32 s6, s12;
	[sflag:s17] =	ssyncset.done $0x0  }
0x92: {  	s18 =	sadd.s32 $0x40, s18;
	[sflag:s17] =	ssyncadd.s32 $0xFFFFFE00  }
0x93: {  	[tilespmem:s29], [sflag:$0x2] =	stream.linear.gather [hbm4b:s18+s3], $0x200, $0x38;
	[tilespmem:$0x1C800] =	vst v63  }
0x94: {  	_ =	swait.ge [sflag:s17], $0x200  }
0x95: {  	[sflag:s17] =	ssyncset.done $0x0  }
0x96: {  	[sflag:s17] =	ssyncadd.s32 $0xFFFFFE00  }
0x97: {  	[tilespmem:s30], [sflag:$0x1] =	stream.indirect.gather [hbm4b:s4+s19], $0x40, s28, s19, $0xb8;
	[tilespmem:$0x1C800] =	vst v63  }
0x98: {  	_ = 	snop  }
0x99: {  	[tilespmem:s0], [sflag:$0x1] =	stream.indirect.gather [hbm4b:s4+s19], $0x40, s14, s19, $0xb8;
	[tilespmem:$0x1C800] =	vst v63  }
0x9a: {  	_ = 	snop  }
0x9b: {  	[tilespmem:s13], [sflag:$0x1] =	stream.indirect.gather [hbm4b:s4+s19], $0x40, s15, s19, $0xb8;
	[tilespmem:$0x1C800] =	vst v63  }
0x9c: {  	_ = 	snop  }
0x9d: {  	[tilespmem:s22], [sflag:$0x1] =	stream.indirect.gather [hbm4b:s4+s19], $0x40, s24, s19, $0xb8;
	[tilespmem:$0x1C800] =	vst v63  }
0x9e: {  	_ = 	snop  }
0x9f: {  	[spmem:s2] =	stream.indirect.scatter.add.f32 [tilespmem:s20], [sflag:$0x2], $0x40, s21, s19, $0xb8;
	[tilespmem:$0x1C800] =	vst v63  }
0xa0: {  	_ =	swait.ge [sflag:s17], $0x2000  }
0xa1: {  	[sflag:s17] =	ssyncset.done $0x0  }
0xa2: {  	[sflag:s17] =	ssyncadd.s32 $0xFFFFE000  }
0xa3: {  	[spmem:s2] =	stream.indirect.scatter.add.f32 [tilespmem:s23], [sflag:$0x2], $0x40, s7, s19, $0xb8;
	[tilespmem:$0x1C800] =	vst v63  }
0xa4: {  	_ =	swait.ge [sflag:s17], $0x2000  }
0xa5: {  	[sflag:s17] =	ssyncset.done $0x0  }
0xa6: {  	[sflag:s17] =	ssyncadd.s32 $0xFFFFE000  }
0xa7: {  	[spmem:s2] =	stream.indirect.scatter.add.f32 [tilespmem:s31], [sflag:$0x2], $0x40, s8, s19, $0xb8;
	[tilespmem:$0x1C800] =	vst v63  }
0xa8: {  	_ =	swait.ge [sflag:s17], $0x2000  }
0xa9: {  	[sflag:s17] =	ssyncset.done $0x0  }
0xaa: {  	[sflag:s17] =	ssyncadd.s32 $0xFFFFE000  }
0xab: {  	[spmem:s2] =	stream.indirect.scatter.add.f32 [tilespmem:s1], [sflag:$0x2], $0x40, s9, s19, $0xb8;
	[tilespmem:$0x1C800] =	vst v63  }
0xac: {  	_ =	swait.ge [sflag:s17], $0x2000  }
0xad: {  	[sflag:s17] =	ssyncset.done $0x0  }
0xae: {  	[sflag:s17] =	ssyncadd.s32 $0xFFFFE000  }
0xaf: {  	p1 =	seq.s32 s6, $0x980;
	_ =	swait.ge [sflag:s26], $0x8000  }
0xb0: {  	s18 =	sadd.s32 @!p1 s6, s11;
	s20 =	simm.s32 @!p1 $0x2;
	[sflag:s26] =	ssyncset.done $0x0  }
0xb1: {  	s18 =	sadd.s32 @!p1 $0x80, s18;
	s21 =	simm.s32 @!p1 $0x0;
	[sflag:s26] =	ssyncadd.s32 $0xFFFF8000  }
0xb2: {  	[tilespmem:s21], [sflag:$0x2] =	stream.linear.gather @!p1 [hbm4b:s18+s21], $0x200, $0x38;
	[tilespmem:$0x1C800] =	vst v63  }
0xb3: {  	s6 =	sadd.s32 @!p1 s6, s12;
	_ =	swait.ge @!p1 [sflag:s20], $0x200  }
0xb4: {  	s6 =	sadd.s32 @!p1 $0x80, s6;
	[sflag:s20] =	ssyncset.done @!p1 $0x0  }
0xb5: {  	s18 =	simm.s32 @!p1 $0x400;
	[sflag:s20] =	ssyncadd.s32 @!p1 $0xFFFFFE00  }
0xb6: {  	[tilespmem:s18], [sflag:$0x2] =	stream.linear.gather @!p1 [hbm4b:s6+s21], $0x200, $0x38;
	[tilespmem:$0x1C800] =	vst v63  }
0xb7: {  	_ =	swait.ge @!p1 [sflag:s20], $0x200  }
0xb8: {  	[sflag:s20] =	ssyncset.done @!p1 $0x0  }
0xb9: {  	s6 =	simm.s32 @!p1 $0x80;
	s18 =	simm.s32 @!p1 $0x800;
	[sflag:s20] =	ssyncadd.s32 @!p1 $0xFFFFFE00  }
0xba: {  	[tilespmem:s18], [sflag:$0x1] =	stream.indirect.gather @!p1 [hbm4b:s4+s6], $0x40, s21, s6, $0xb8;
	[tilespmem:$0x1C800] =	vst v63  }
0xbb: {  	s21 =	simm.s32 $0x400  }
0xbc: {  	s18 =	simm.s32 @!p1 $0x2800  }
0xbd: {  	[tilespmem:s18], [sflag:$0x1] =	stream.indirect.gather @!p1 [hbm4b:s4+s6], $0x40, s6, s6, $0xb8;
	[tilespmem:$0x1C800] =	vst v63  }
0xbe: {  	s20 =	simm.s32 @!p1 $0x4800;
	s18 =	simm.s32 @!p1 $0x100  }
0xbf: {  	[tilespmem:s20], [sflag:$0x1] =	stream.indirect.gather @!p1 [hbm4b:s4+s6], $0x40, s18, s6, $0xb8;
	[tilespmem:$0x1C800] =	vst v63  }
0xc0: {  	s18 =	simm.s32 @!p1 $0x180;
	s20 =	simm.s32 @!p1 $0x6800  }
0xc1: {  	[tilespmem:s20], [sflag:$0x1] =	stream.indirect.gather @!p1 [hbm4b:s4+s6], $0x40, s18, s6, $0xb8;
	[tilespmem:$0x1C800] =	vst v63  }
0xc2: {  	s20 =	simm.s32 $0x800;
	_ =	sdelay $0x1  }
0xc3: {  	[spmem:s2] =	stream.indirect.scatter.add.f32 [tilespmem:s30], [sflag:$0x2], $0x40, s29, s19, $0xb8;
	[tilespmem:$0x1C800] =	vst v63  }
0xc4: {  	_ =	swait.ge [sflag:s17], $0x2000  }
0xc5: {  	[sflag:s17] =	ssyncset.done $0x0  }
0xc6: {  	[sflag:s17] =	ssyncadd.s32 $0xFFFFE000  }
0xc7: {  	[spmem:s2] =	stream.indirect.scatter.add.f32 [tilespmem:s0], [sflag:$0x2], $0x40, s10, s19, $0xb8;
	[tilespmem:$0x1C800] =	vst v63  }
0xc8: {  	_ =	swait.ge [sflag:s17], $0x2000  }
0xc9: {  	[sflag:s17] =	ssyncset.done $0x0  }
0xca: {  	s6 =	simm.s32 $0x700;
	[sflag:s17] =	ssyncadd.s32 $0xFFFFE000  }
0xcb: {  	[spmem:s2] =	stream.indirect.scatter.add.f32 [tilespmem:s13], [sflag:$0x2], $0x40, s6, s19, $0xb8;
	[tilespmem:$0x1C800] =	vst v63  }
0xcc: {  	_ =	swait.ge [sflag:s17], $0x2000  }
.Ltmp1:
0xcd: {  	[sflag:s17] =	ssyncset.done $0x0;
	(pc) =	sbr.rel @p0 .LBB2_4-.Ltmp1, $4  }
0xce: {  	s6 =	simm.s32 $0x780;
	[sflag:s17] =	ssyncadd.s32 $0xFFFFE000  }
0xcf: {  	[spmem:s2] =	stream.indirect.scatter.add.f32 [tilespmem:s22], [sflag:$0x2], $0x40, s6, s19, $0xb8;
	[tilespmem:$0x1C800] =	vst v63  }
0xd0: {  	_ =	swait.ge [sflag:s17], $0x2000  }
0xd1: {  	[sflag:s17] =	ssyncset.done $0x0  }
0xd2: {  	[sflag:s17] =	ssyncadd.s32 $0xFFFFE000;
	s6 =	stileid.u32  }
0xd3: {  	s6 =	sshll.u32 s6, $0x6;
	[bflag:$0x0] =	sbarrier.arrive $0xFFFF  }
0xd4: {  	s18 =	sor.u32 $0x1C02, s6;
	s6 =	rddreg [dreg:$0x3]  }
0xd5: {  	s16 =	rddreg [dreg:$0x8]  }
0xd6: {  	s25 =	sshrl.u32 s6, $0x3;
	[dreg:$0xc] =	wrdreg s18  }
0xd7: {  	[dreg:$0xd] =	wrdreg s25  }
0xd8: {  	[hbm:s16], [sflag:s18] =	dma.local [spmem:s25], $0x1400  }
0xd9: {  	_ =	swait.ge [sflag:s17], $0x1400  }
0xda: {  	[sflag:s17] =	ssyncset.done $0x0  }
0xdb: {  	[sflag:s17] =	ssyncadd.s32 $0xFFFFEC00  }
0xdc: {  	s16 =	simm.s32 $0x10800;
	[bflag:$0x0] =	sbarrier.arrive $0xFFFF  }
0xdd: {  	[spmem:s6] =	stream.linear.scatter [tilespmem:s16], [sflag:$0x2], $0x2000, $0x38;
	[tilespmem:$0x1C800] =	vst v63  }
0xde: {  	_ =	swait.ge [sflag:s17], $0x2000  }
0xdf: {  	[sflag:s17] =	ssyncset.done $0x0  }
0xe0: {  	s25 =	rddreg [dreg:$0x4];
	[sflag:s17] =	ssyncadd.s32 $0xFFFFE000  }
0xe1: {  	[spmem:s25] =	stream.linear.scatter [tilespmem:s16], [sflag:$0x2], $0x2000, $0x38;
	[tilespmem:$0x1C800] =	vst v63  }
0xe2: {  	_ =	swait.ge [sflag:s17], $0x2000  }
0xe3: {  	[sflag:s17] =	ssyncset.done $0x0  }
0xe4: {  	s18 =	rddreg [dreg:$0x5];
	[sflag:s17] =	ssyncadd.s32 $0xFFFFE000  }
0xe5: {  	[spmem:s18] =	stream.linear.scatter [tilespmem:s16], [sflag:$0x2], $0x2000, $0x38;
	[tilespmem:$0x1C800] =	vst v63  }
0xe6: {  	_ =	swait.ge [sflag:s17], $0x2000  }
0xe7: {  	[sflag:s17] =	ssyncset.done $0x0  }
0xe8: {  	s25 =	rddreg [dreg:$0x6];
	[sflag:s17] =	ssyncadd.s32 $0xFFFFE000  }
0xe9: {  	[spmem:s25] =	stream.linear.scatter [tilespmem:s16], [sflag:$0x2], $0x2000, $0x38;
	[tilespmem:$0x1C800] =	vst v63  }
0xea: {  	_ =	swait.ge [sflag:s17], $0x2000  }
0xeb: {  	[sflag:s17] =	ssyncset.done $0x0  }
0xec: {  	s18 =	rddreg [dreg:$0x7];
	[sflag:s17] =	ssyncadd.s32 $0xFFFFE000  }
0xed: {  	[spmem:s18] =	stream.linear.scatter [tilespmem:s16], [sflag:$0x2], $0x2000, $0x38;
	[tilespmem:$0x1C800] =	vst v63  }
0xee: {  	_ =	swait.ge [sflag:s17], $0x2000  }
0xef: {  	[sflag:s17] =	ssyncset.done $0x0  }
0xf0: {  	[sflag:s17] =	ssyncadd.s32 $0xFFFFE000  }
0xf1: {  	s25 =	simm.s32 $0x0;
	[bflag:$0x0] =	sbarrier.arrive $0xFFFF  }
0xf2: {  	[tilespmem:s25], [sflag:$0x2] =	stream.linear.gather [hbm4b:s11+s25], $0x200, $0x38;
	[tilespmem:$0x1C800] =	vst v63  }
0xf3: {  	_ =	swait.ge [sflag:s17], $0x200  }
0xf4: {  	[sflag:s17] =	ssyncset.done $0x0  }
0xf5: {  	[sflag:s17] =	ssyncadd.s32 $0xFFFFFE00  }
0xf6: {  	[tilespmem:s21], [sflag:$0x2] =	stream.linear.gather [hbm4b:s12+s25], $0x200, $0x38;
	[tilespmem:$0x1C800] =	vst v63  }
0xf7: {  	_ =	swait.ge [sflag:s17], $0x200  }
0xf8: {  	[sflag:s17] =	ssyncset.done $0x0  }
0xf9: {  	[sflag:s17] =	ssyncadd.s32 $0xFFFFFE00  }
0xfa: {  	[tilespmem:s20], [sflag:$0x1] =	stream.indirect.gather [hbm4b:s5+s19], $0x40, s25, s19, $0xb8;
	[tilespmem:$0x1C800] =	vst v63  }
0xfb: {  	_ = 	snop  }
0xfc: {  	[tilespmem:s23], [sflag:$0x1] =	stream.indirect.gather [hbm4b:s5+s19], $0x40, s19, s19, $0xb8;
	[tilespmem:$0x1C800] =	vst v63  }
0xfd: {  	s16 =	simm.s32 $0x100  }
0xfe: {  	[tilespmem:s31], [sflag:$0x1] =	stream.indirect.gather [hbm4b:s5+s19], $0x40, s16, s19, $0xb8;
	[tilespmem:$0x1C800] =	vst v63  }
0xff: {  	s18 =	simm.s32 $0x180  }
0x100: {  	[tilespmem:s1], [sflag:$0x1] =	stream.indirect.gather [hbm4b:s5+s19], $0x40, s18, s19, $0xb8;
	[tilespmem:$0x1C800] =	vst v63  }
0x101: {  	_ =	swait.ge [sflag:s26], $0x8000  }
0x102: {  	s25 =	sadd.s32 $0x0, s11;
	[sflag:s26] =	ssyncset.done $0x0  }
0x103: {  	s6 =	sadd.s32 $0x40, s25;
	[sflag:s26] =	ssyncadd.s32 $0xFFFF8000  }
0x104: {  	[tilespmem:s28], [sflag:$0x2] =	stream.linear.gather [hbm4b:s6+s3], $0x200, $0x38;
	[tilespmem:$0x1C800] =	vst v63  }
0x105: {  	_ =	swait.ge [sflag:s17], $0x200  }
0x106: {  	s16 =	sadd.s32 $0x0, s12;
	[sflag:s17] =	ssyncset.done $0x0  }
0x107: {  	s6 =	sadd.s32 $0x40, s16;
	[sflag:s17] =	ssyncadd.s32 $0xFFFFFE00  }
0x108: {  	[tilespmem:s29], [sflag:$0x2] =	stream.linear.gather [hbm4b:s6+s3], $0x200, $0x38;
	[tilespmem:$0x1C800] =	vst v63  }
0x109: {  	_ =	swait.ge [sflag:s17], $0x200  }
0x10a: {  	[sflag:s17] =	ssyncset.done $0x0  }
0x10b: {  	[sflag:s17] =	ssyncadd.s32 $0xFFFFFE00  }
0x10c: {  	[tilespmem:s30], [sflag:$0x1] =	stream.indirect.gather [hbm4b:s5+s19], $0x40, s28, s19, $0xb8;
	[tilespmem:$0x1C800] =	vst v63  }
0x10d: {  	_ = 	snop  }
0x10e: {  	[tilespmem:s0], [sflag:$0x1] =	stream.indirect.gather [hbm4b:s5+s19], $0x40, s14, s19, $0xb8;
	[tilespmem:$0x1C800] =	vst v63  }
0x10f: {  	_ = 	snop  }
0x110: {  	[tilespmem:s13], [sflag:$0x1] =	stream.indirect.gather [hbm4b:s5+s19], $0x40, s15, s19, $0xb8;
	[tilespmem:$0x1C800] =	vst v63  }
0x111: {  	_ = 	snop  }
0x112: {  	[tilespmem:s22], [sflag:$0x1] =	stream.indirect.gather [hbm4b:s5+s19], $0x40, s24, s19, $0xb8;
	[tilespmem:$0x1C800] =	vst v63  }
0x113: {  	_ = 	snop  }
0x114: {  	[spmem:s2] =	stream.indirect.scatter.add.f32 [tilespmem:s20], [sflag:$0x2], $0x40, s21, s19, $0xb8;
	[tilespmem:$0x1C800] =	vst v63  }
0x115: {  	_ =	swait.ge [sflag:s17], $0x2000  }
0x116: {  	[sflag:s17] =	ssyncset.done $0x0  }
0x117: {  	[sflag:s17] =	ssyncadd.s32 $0xFFFFE000  }
0x118: {  	[spmem:s2] =	stream.indirect.scatter.add.f32 [tilespmem:s23], [sflag:$0x2], $0x40, s7, s19, $0xb8;
	[tilespmem:$0x1C800] =	vst v63  }
0x119: {  	_ =	swait.ge [sflag:s17], $0x2000  }
0x11a: {  	[sflag:s17] =	ssyncset.done $0x0  }
0x11b: {  	[sflag:s17] =	ssyncadd.s32 $0xFFFFE000  }
0x11c: {  	[spmem:s2] =	stream.indirect.scatter.add.f32 [tilespmem:s31], [sflag:$0x2], $0x40, s8, s19, $0xb8;
	[tilespmem:$0x1C800] =	vst v63  }
0x11d: {  	_ =	swait.ge [sflag:s17], $0x2000  }
0x11e: {  	[sflag:s17] =	ssyncset.done $0x0  }
0x11f: {  	[sflag:s17] =	ssyncadd.s32 $0xFFFFE000  }
0x120: {  	[spmem:s2] =	stream.indirect.scatter.add.f32 [tilespmem:s1], [sflag:$0x2], $0x40, s9, s19, $0xb8;
	[tilespmem:$0x1C800] =	vst v63  }
0x121: {  	_ =	swait.ge [sflag:s17], $0x2000  }
0x122: {  	[sflag:s17] =	ssyncset.done $0x0  }
0x123: {  	[sflag:s17] =	ssyncadd.s32 $0xFFFFE000  }
0x124: {  	p0 =	por $0x0, $0x0;
	_ =	swait.ge [sflag:s26], $0x8000  }
0x125: {  	s18 =	simm.s32 @!p0 $0x0;
	s6 =	sadd.s32 @!p0 $0x0, s11;
	[sflag:s26] =	ssyncset.done $0x0  }
0x126: {  	s16 =	simm.s32 @!p0 $0x2;
	s6 =	sadd.s32 @!p0 $0x80, s6;
	[sflag:s26] =	ssyncadd.s32 $0xFFFF8000  }
0x127: {  	[tilespmem:s18], [sflag:$0x2] =	stream.linear.gather @!p0 [hbm4b:s6+s18], $0x200, $0x38;
	[tilespmem:$0x1C800] =	vst v63  }
0x128: {  	_ =	swait.ge @!p0 [sflag:s16], $0x200  }
0x129: {  	s6 =	sadd.s32 @!p0 $0x0, s12;
	[sflag:s16] =	ssyncset.done @!p0 $0x0  }
0x12a: {  	s20 =	simm.s32 @!p0 $0x400;
	s6 =	sadd.s32 @!p0 $0x80, s6;
	[sflag:s16] =	ssyncadd.s32 @!p0 $0xFFFFFE00  }
0x12b: {  	[tilespmem:s20], [sflag:$0x2] =	stream.linear.gather @!p0 [hbm4b:s6+s18], $0x200, $0x38;
	[tilespmem:$0x1C800] =	vst v63  }
0x12c: {  	_ =	swait.ge @!p0 [sflag:s16], $0x200  }
0x12d: {  	[sflag:s16] =	ssyncset.done @!p0 $0x0  }
0x12e: {  	s6 =	simm.s32 @!p0 $0x80;
	[sflag:s16] =	ssyncadd.s32 @!p0 $0xFFFFFE00;
	s16 =	simm.s32 @!p0 $0x800  }
0x12f: {  	[tilespmem:s16], [sflag:$0x1] =	stream.indirect.gather @!p0 [hbm4b:s5+s6], $0x40, s18, s6, $0xb8;
	[tilespmem:$0x1C800] =	vst v63  }
0x130: {  	s16 =	simm.s32 @!p0 $0x2800  }
0x131: {  	[tilespmem:s16], [sflag:$0x1] =	stream.indirect.gather @!p0 [hbm4b:s5+s6], $0x40, s6, s6, $0xb8;
	[tilespmem:$0x1C800] =	vst v63  }
0x132: {  	s18 =	simm.s32 @!p0 $0x4800;
	s16 =	simm.s32 @!p0 $0x100  }
0x133: {  	[tilespmem:s18], [sflag:$0x1] =	stream.indirect.gather @!p0 [hbm4b:s5+s6], $0x40, s16, s6, $0xb8;
	[tilespmem:$0x1C800] =	vst v63  }
0x134: {  	s16 =	simm.s32 @!p0 $0x180;
	s18 =	simm.s32 @!p0 $0x6800  }
0x135: {  	[tilespmem:s18], [sflag:$0x1] =	stream.indirect.gather @!p0 [hbm4b:s5+s6], $0x40, s16, s6, $0xb8;
	[tilespmem:$0x1C800] =	vst v63  }
0x136: {  	_ = 	snop  }
0x137: {  	[spmem:s2] =	stream.indirect.scatter.add.f32 [tilespmem:s30], [sflag:$0x2], $0x40, s29, s19, $0xb8;
	[tilespmem:$0x1C800] =	vst v63  }
0x138: {  	_ =	swait.ge [sflag:s17], $0x2000  }
0x139: {  	[sflag:s17] =	ssyncset.done $0x0  }
0x13a: {  	[sflag:s17] =	ssyncadd.s32 $0xFFFFE000  }
0x13b: {  	[spmem:s2] =	stream.indirect.scatter.add.f32 [tilespmem:s0], [sflag:$0x2], $0x40, s10, s19, $0xb8;
	[tilespmem:$0x1C800] =	vst v63  }
0x13c: {  	_ =	swait.ge [sflag:s17], $0x2000  }
0x13d: {  	[sflag:s17] =	ssyncset.done $0x0  }
0x13e: {  	s18 =	simm.s32 $0x700;
	[sflag:s17] =	ssyncadd.s32 $0xFFFFE000  }
0x13f: {  	[spmem:s2] =	stream.indirect.scatter.add.f32 [tilespmem:s13], [sflag:$0x2], $0x40, s18, s19, $0xb8;
	[tilespmem:$0x1C800] =	vst v63  }
0x140: {  	_ =	swait.ge [sflag:s17], $0x2000  }
0x141: {  	[sflag:s17] =	ssyncset.done $0x0  }
0x142: {  	s20 =	simm.s32 $0x780;
	[sflag:s17] =	ssyncadd.s32 $0xFFFFE000  }
0x143: {  	[spmem:s2] =	stream.indirect.scatter.add.f32 [tilespmem:s22], [sflag:$0x2], $0x40, s20, s19, $0xb8;
	[tilespmem:$0x1C800] =	vst v63  }
0x144: {  	s25 =	simm.s32 $0x2800;
	s23 =	simm.s32 $0x800;
	_ =	swait.ge [sflag:s17], $0x2000  }
0x145: {  	s16 =	simm.s32 $0x80;
	s10 =	simm.s32 $0x700;
	[sflag:s17] =	ssyncset.done $0x0  }
.LBB2_6:
0x146: {  	[sflag:s17] =	ssyncadd.s32 $0xFFFFE000;
	s6 =	smov.u32 s16;
	s16 =	sadd.s32 $0x80, s16  }
0x147: {  	_ =	swait.ge [sflag:s26], $0x8000;
	p0 =	sne.s32 s16, $0xA00  }
0x148: {  	s18 =	sadd.s32 s6, s11;
	[sflag:s26] =	ssyncset.done $0x0  }
0x149: {  	s18 =	sadd.s32 $0x40, s18;
	[sflag:s26] =	ssyncadd.s32 $0xFFFF8000  }
0x14a: {  	[tilespmem:s28], [sflag:$0x2] =	stream.linear.gather [hbm4b:s18+s3], $0x200, $0x38;
	[tilespmem:$0x1C800] =	vst v63  }
0x14b: {  	_ =	swait.ge [sflag:s17], $0x200  }
0x14c: {  	s18 =	sadd.s32 s6, s12;
	[sflag:s17] =	ssyncset.done $0x0  }
0x14d: {  	s18 =	sadd.s32 $0x40, s18;
	[sflag:s17] =	ssyncadd.s32 $0xFFFFFE00  }
0x14e: {  	[tilespmem:s29], [sflag:$0x2] =	stream.linear.gather [hbm4b:s18+s3], $0x200, $0x38;
	[tilespmem:$0x1C800] =	vst v63  }
0x14f: {  	_ =	swait.ge [sflag:s17], $0x200  }
0x150: {  	[sflag:s17] =	ssyncset.done $0x0  }
0x151: {  	[sflag:s17] =	ssyncadd.s32 $0xFFFFFE00  }
0x152: {  	[tilespmem:s30], [sflag:$0x1] =	stream.indirect.gather [hbm4b:s5+s19], $0x40, s28, s19, $0xb8;
	[tilespmem:$0x1C800] =	vst v63  }
0x153: {  	_ = 	snop  }
0x154: {  	[tilespmem:s0], [sflag:$0x1] =	stream.indirect.gather [hbm4b:s5+s19], $0x40, s14, s19, $0xb8;
	[tilespmem:$0x1C800] =	vst v63  }
0x155: {  	_ = 	snop  }
0x156: {  	[tilespmem:s13], [sflag:$0x1] =	stream.indirect.gather [hbm4b:s5+s19], $0x40, s15, s19, $0xb8;
	[tilespmem:$0x1C800] =	vst v63  }
0x157: {  	_ = 	snop  }
0x158: {  	[tilespmem:s22], [sflag:$0x1] =	stream.indirect.gather [hbm4b:s5+s19], $0x40, s24, s19, $0xb8;
	[tilespmem:$0x1C800] =	vst v63  }
0x159: {  	_ = 	snop  }
0x15a: {  	[spmem:s2] =	stream.indirect.scatter.add.f32 [tilespmem:s23], [sflag:$0x2], $0x40, s21, s19, $0xb8;
	[tilespmem:$0x1C800] =	vst v63  }
0x15b: {  	_ =	swait.ge [sflag:s17], $0x2000  }
0x15c: {  	[sflag:s17] =	ssyncset.done $0x0  }
0x15d: {  	[sflag:s17] =	ssyncadd.s32 $0xFFFFE000  }
0x15e: {  	[spmem:s2] =	stream.indirect.scatter.add.f32 [tilespmem:s25], [sflag:$0x2], $0x40, s7, s19, $0xb8;
	[tilespmem:$0x1C800] =	vst v63  }
0x15f: {  	_ =	swait.ge [sflag:s17], $0x2000  }
0x160: {  	[sflag:s17] =	ssyncset.done $0x0  }
0x161: {  	[sflag:s17] =	ssyncadd.s32 $0xFFFFE000  }
0x162: {  	[spmem:s2] =	stream.indirect.scatter.add.f32 [tilespmem:s31], [sflag:$0x2], $0x40, s8, s19, $0xb8;
	[tilespmem:$0x1C800] =	vst v63  }
0x163: {  	_ =	swait.ge [sflag:s17], $0x2000  }
0x164: {  	[sflag:s17] =	ssyncset.done $0x0  }
0x165: {  	[sflag:s17] =	ssyncadd.s32 $0xFFFFE000  }
0x166: {  	[spmem:s2] =	stream.indirect.scatter.add.f32 [tilespmem:s1], [sflag:$0x2], $0x40, s9, s19, $0xb8;
	[tilespmem:$0x1C800] =	vst v63  }
0x167: {  	_ =	swait.ge [sflag:s17], $0x2000  }
0x168: {  	[sflag:s17] =	ssyncset.done $0x0  }
0x169: {  	[sflag:s17] =	ssyncadd.s32 $0xFFFFE000  }
0x16a: {  	p1 =	seq.s32 s6, $0x980;
	_ =	swait.ge [sflag:s26], $0x8000  }
0x16b: {  	s20 =	simm.s32 @!p1 $0x2;
	s18 =	sadd.s32 @!p1 s6, s11;
	[sflag:s26] =	ssyncset.done $0x0  }
0x16c: {  	s18 =	sadd.s32 @!p1 $0x80, s18;
	s21 =	simm.s32 @!p1 $0x0;
	[sflag:s26] =	ssyncadd.s32 $0xFFFF8000  }
0x16d: {  	[tilespmem:s21], [sflag:$0x2] =	stream.linear.gather @!p1 [hbm4b:s18+s21], $0x200, $0x38;
	[tilespmem:$0x1C800] =	vst v63  }
0x16e: {  	s6 =	sadd.s32 @!p1 s6, s12;
	_ =	swait.ge @!p1 [sflag:s20], $0x200  }
0x16f: {  	s6 =	sadd.s32 @!p1 $0x80, s6;
	[sflag:s20] =	ssyncset.done @!p1 $0x0  }
0x170: {  	s18 =	simm.s32 @!p1 $0x400;
	[sflag:s20] =	ssyncadd.s32 @!p1 $0xFFFFFE00  }
0x171: {  	[tilespmem:s18], [sflag:$0x2] =	stream.linear.gather @!p1 [hbm4b:s6+s21], $0x200, $0x38;
	[tilespmem:$0x1C800] =	vst v63  }
0x172: {  	_ =	swait.ge @!p1 [sflag:s20], $0x200  }
0x173: {  	[sflag:s20] =	ssyncset.done @!p1 $0x0  }
0x174: {  	s6 =	simm.s32 @!p1 $0x80;
	s18 =	simm.s32 @!p1 $0x800;
	[sflag:s20] =	ssyncadd.s32 @!p1 $0xFFFFFE00  }
0x175: {  	[tilespmem:s18], [sflag:$0x1] =	stream.indirect.gather @!p1 [hbm4b:s5+s6], $0x40, s21, s6, $0xb8;
	[tilespmem:$0x1C800] =	vst v63  }
0x176: {  	s21 =	simm.s32 $0x400  }
0x177: {  	s18 =	simm.s32 @!p1 $0x2800  }
0x178: {  	[tilespmem:s18], [sflag:$0x1] =	stream.indirect.gather @!p1 [hbm4b:s5+s6], $0x40, s6, s6, $0xb8;
	[tilespmem:$0x1C800] =	vst v63  }
0x179: {  	s20 =	simm.s32 @!p1 $0x4800;
	s18 =	simm.s32 @!p1 $0x100  }
0x17a: {  	[tilespmem:s20], [sflag:$0x1] =	stream.indirect.gather @!p1 [hbm4b:s5+s6], $0x40, s18, s6, $0xb8;
	[tilespmem:$0x1C800] =	vst v63  }
0x17b: {  	s18 =	simm.s32 @!p1 $0x180;
	s20 =	simm.s32 @!p1 $0x6800  }
0x17c: {  	[tilespmem:s20], [sflag:$0x1] =	stream.indirect.gather @!p1 [hbm4b:s5+s6], $0x40, s18, s6, $0xb8;
	[tilespmem:$0x1C800] =	vst v63  }
0x17d: {  	s18 =	simm.s32 $0x780;
	s6 =	simm.s32 $0x680;
	_ =	sdelay $0x1  }
0x17e: {  	[spmem:s2] =	stream.indirect.scatter.add.f32 [tilespmem:s30], [sflag:$0x2], $0x40, s29, s19, $0xb8;
	[tilespmem:$0x1C800] =	vst v63  }
0x17f: {  	_ =	swait.ge [sflag:s17], $0x2000  }
0x180: {  	[sflag:s17] =	ssyncset.done $0x0  }
0x181: {  	[sflag:s17] =	ssyncadd.s32 $0xFFFFE000  }
0x182: {  	[spmem:s2] =	stream.indirect.scatter.add.f32 [tilespmem:s0], [sflag:$0x2], $0x40, s6, s19, $0xb8;
	[tilespmem:$0x1C800] =	vst v63  }
0x183: {  	_ =	swait.ge [sflag:s17], $0x2000  }
0x184: {  	[sflag:s17] =	ssyncset.done $0x0  }
0x185: {  	[sflag:s17] =	ssyncadd.s32 $0xFFFFE000  }
0x186: {  	[spmem:s2] =	stream.indirect.scatter.add.f32 [tilespmem:s13], [sflag:$0x2], $0x40, s10, s19, $0xb8;
	[tilespmem:$0x1C800] =	vst v63  }
0x187: {  	_ =	swait.ge [sflag:s17], $0x2000  }
.Ltmp2:
0x188: {  	[sflag:s17] =	ssyncset.done $0x0;
	(pc) =	sbr.rel @p0 .LBB2_6-.Ltmp2, $4  }
0x189: {  	[sflag:s17] =	ssyncadd.s32 $0xFFFFE000  }
0x18a: {  	[spmem:s2] =	stream.indirect.scatter.add.f32 [tilespmem:s22], [sflag:$0x2], $0x40, s18, s19, $0xb8;
	[tilespmem:$0x1C800] =	vst v63  }
0x18b: {  	_ =	swait.ge [sflag:s17], $0x2000  }
0x18c: {  	[sflag:s17] =	ssyncset.done $0x0  }
0x18d: {  	[sflag:s17] =	ssyncadd.s32 $0xFFFFE000  }
0x18e: {  	[bflag:$0x0] =	sbarrier.arrive $0xFFFF  }
0x18f: {  	s6 =	rddreg [dreg:$0x9]  }
0x190: {  	s1 =	rddreg [dreg:$0xc]  }
0x191: {  	s7 =	rddreg [dreg:$0xd]  }
0x192: {  	[hbm:s6], [sflag:s1] =	dma.local [spmem:s7], $0x1400  }
0x193: {  	_ =	swait.ge [sflag:s17], $0x1400  }
0x194: {  	s23 =	rddreg [dreg:$0xb]  }
0x195: {  	s25 =	rddreg [dreg:$0xa];
	s1 =	sadd.s32 $0x1, s23  }
0x196: {  	p0 =	sne.s32 s1, s25  }
.Ltmp3:
0x197: {  	_ = 	snop;
	(pc) =	sbr.rel @p0 .LBB2_1-.Ltmp3, $4  }
0x198: {  	[sflag:s17] =	ssyncset.done $0x0  }
0x199: {  	[sflag:s17] =	ssyncadd.s32 $0xFFFFEC00  }
0x19a: {  	[bflag:$0x0] =	sbarrier.arrive $0xFFFF  }
0x19b: {  	s20 =	simm.s32 $0x800;
	s7 =	simm.s32 $0x100;
	s23 =	simm.s32 $0x2800  }
0x19c: {  	_ =	sfence.sel $0x180000  }
0x19d: {  	[bflag:$0x0] =	sbarrier.arrive $0xFFFF  }
0x19e: {  	_ =	strace $0x9000004A  }
0x19f: {  	s0 =	stileid.u32;
	[bflag:$0x2] =	sbarrier.arrive $0xFFFF  }
0x1a0: {  	p0 =	sne.s32 s0, $0x0;
	s0 =	rddreg [dreg:$0x2]  }
0x1a1: {  	s0 =	sadd.s32 @!p0 $0x100000, s0  }
0x1a2: {  	[sflag:s0] =	ssyncadd.tile.s32 @!p0 $0x1;
	_ =	shalt  }
.Lfunc_end2:
_tile_overlayer_lowered:
.L_overlay_start_2:
0x1a3: {  	(tag) =	ssettag $0x2  }
0x1a4: {  	s0 =	rddreg [dreg:$0x0];
	s2 =	stileid.u32  }
0x1a5: {  	s1 =	rddreg [dreg:$0x1];
	p0 =	sne.s32 s2, $0x0  }
0x1a6: {  	s3 =	rddreg [dreg:$0x2];
	[bflag:$0x3] =	sbarrier.arrive $0xFFFF;
	s2 =	simm.s32 @!p0 $0x1C02  }
0x1a7: {  	[timem:s3], [sflag:s2] =	dma.local @!p0 [hbm:s0], s1  }
0x1a8: {  	s0 =	simm.s32 @!p0 $0x2  }
0x1a9: {  	_ =	swait.ge @!p0 [sflag:s0], s1  }
0x1aa: {  	s1 =	ssub.s32 @!p0 $0x0, s1;
	[sflag:s0] =	ssyncset.done @!p0 $0x0  }
0x1ab: {  	[sflag:s0] =	ssyncadd.s32 @!p0 s1  }
0x1ac: {  	[bflag:$0x3] =	sbarrier.arrive $0xFFFF  }
0x1ad: {  	_ =	shalt  }

</sc_bundles>
